<compile_context>
chip_gen: v7x
topology: tpu7x:2x2x1
jax: 0.10.2.dev20260603
libtpu: 0.0.44.dev20260713+nightly
codegen_flags: <defaults>
</compile_context>

<pallas_src>
import jax
import jax.numpy as jnp
from jax import lax
from jax.experimental import pallas as pl
from jax.experimental.pallas import tpu as pltpu
from jax.experimental.pallas import tpu_sc as plsc

B = 4
S = 8192
D = 768
BLK = 1024
BLKL = 512
NEG = -3.0e38

_NC = 2
_NSUB = 16
_BPC = B // _NC
_TPB = _NSUB // _BPC
_CH = S // _TPB
_NV = _CH // 16


def _scores_kernel(x_blk, ws, scores_out):
    i = pl.program_id(0)
    xb = x_blk[...].astype(jnp.bfloat16)
    sc = jax.lax.dot_general(xb.reshape(B * BLK, D),
                             ws[...].astype(jnp.bfloat16),
                             (((1,), (1,)), ((), ())),
                             preferred_element_type=jnp.float32)
    scores_out[:, pl.ds(i * BLK, BLK)] = sc[:, 0].reshape(B, BLK)


def _router_sc_kernel(scores_hbm, x2_hbm, xmean_hbm,
                      scores_v, stage, cand, idx_v, rows_v, xmean_v, sh, sem):
    c = lax.axis_index("c")
    s = lax.axis_index("s")
    b = c + _NC * (s // _TPB)
    off = (s % _TPB) * _CH
    lane = lax.iota(jnp.int32, 16)

    pltpu.async_copy(
        scores_hbm.at[pl.ds(b, 1), pl.ds(off, _CH)], scores_v, sem).wait()
    plsc.subcore_barrier()

    best = jnp.full((16,), NEG, jnp.float32)
    bidx = jnp.zeros((16,), jnp.int32)
    for k in range(_NV):
        cv = scores_v[0, pl.ds(k * 16, 16)]
        gi = lane + (off + k * 16)
        m = cv > best
        best = jnp.where(m, cv, best)
        bidx = jnp.where(m, gi, bidx)
    m1 = jnp.max(best)
    i1 = jnp.min(jnp.where(best == m1, bidx, S))
    best = jnp.full((16,), NEG, jnp.float32)
    bidx = jnp.zeros((16,), jnp.int32)
    for k in range(_NV):
        cv = scores_v[0, pl.ds(k * 16, 16)]
        gi = lane + (off + k * 16)
        cv = jnp.where(gi == i1, NEG, cv)
        m = cv > best
        best = jnp.where(m, cv, best)
        bidx = jnp.where(m, gi, bidx)
    m2 = jnp.max(best)
    i2 = jnp.min(jnp.where(best == m2, bidx, S))

    stage[0, 0, :] = jnp.where(lane == 0, m1, jnp.where(lane == 1, m2, NEG))
    stage[0, 1, :] = plsc.bitcast(
        jnp.where(lane == 0, i1, jnp.where(lane == 1, i2, 0)), jnp.float32)
    pltpu.sync_copy(stage, sh.at[pl.ds(s, 1)])
    plsc.subcore_barrier()

    grp = (s // _TPB) * _TPB
    pltpu.sync_copy(sh.at[pl.ds(grp, _TPB)], cand)
    plsc.subcore_barrier()
    row_sel = lane // 2
    zero = lane * 0
    col_sel = lane - 2 * row_sel
    v = plsc.load_gather(cand, [row_sel, zero, col_sel])
    ix = plsc.bitcast(plsc.load_gather(cand, [row_sel, zero + 1, col_sel]),
                      jnp.int32)
    g1v = jnp.max(v)
    g1 = jnp.min(jnp.where(v == g1v, ix, S))
    v2 = jnp.where(ix == g1, NEG, v)
    g2v = jnp.max(v2)
    g2 = jnp.min(jnp.where(v2 == g2v, ix, S))
    idx_v[...] = jnp.where(lane == 0, b * S + g1, b * S + g2)
    pltpu.async_copy(x2_hbm.at[idx_v.at[pl.ds(0, 2)]], rows_v, sem).wait()
    plsc.subcore_barrier()
    for j in range(D // 16):
        xmean_v[pl.ds(j * 16, 16)] = 0.5 * (
            rows_v[0, pl.ds(j * 16, 16)] + rows_v[1, pl.ds(j * 16, 16)])

    @pl.when(s % _TPB == 0)
    def _leader():
        pltpu.sync_copy(xmean_v, xmean_hbm.at[b])


def _summary_ln_kernel(xmean, wr, br, x_blk, gamma, beta, out, summ_s):
    i = pl.program_id(0)

    @pl.when(i == 0)
    def _():
        summ_s[...] = jax.lax.dot_general(
            xmean[...], wr[...], (((1,), (1,)), ((), ())),
            preferred_element_type=jnp.float32) + br[...]

    h = x_blk[...] + summ_s[...][:, None, :]
    mu = jnp.mean(h, axis=-1, keepdims=True)
    hc = h - mu
    var = jnp.mean(hc * hc, axis=-1, keepdims=True)
    inv = jax.lax.rsqrt(var + 1e-5)
    out[...] = hc * inv * gamma[...][None, :, :] + beta[...][None, :, :]


@jax.jit
def kernel(x, Wr, br, Ws, bs, gamma, beta):
    del bs
    scores = pl.pallas_call(
        _scores_kernel,
        grid=(S // BLK,),
        in_specs=[
            pl.BlockSpec((B, BLK, D), lambda i: (0, i, 0)),
            pl.BlockSpec((8, D), lambda i: (0, 0)),
        ],
        out_specs=pl.BlockSpec((B, S), lambda i: (0, 0)),
        out_shape=jax.ShapeDtypeStruct((B, S), jnp.float32),
        compiler_params=pltpu.CompilerParams(
            dimension_semantics=("arbitrary",)),
    )(x, jnp.broadcast_to(Ws, (8, D)))

    router = pl.kernel(
        _router_sc_kernel,
        out_type=jax.ShapeDtypeStruct((B, D), jnp.float32),
        mesh=plsc.VectorSubcoreMesh(core_axis_name="c", subcore_axis_name="s"),
        scratch_types=[
            pltpu.VMEM((1, _CH), jnp.float32),
            pltpu.VMEM((1, 2, 16), jnp.float32),
            pltpu.VMEM((_TPB, 2, 16), jnp.float32),
            pltpu.VMEM((16,), jnp.int32),
            pltpu.VMEM((2, D), jnp.float32),
            pltpu.VMEM((D,), jnp.float32),
            pltpu.VMEM_SHARED((_NSUB, 2, 16), jnp.float32),
            pltpu.SemaphoreType.DMA,
        ],
        compiler_params=pltpu.CompilerParams(needs_layout_passes=False),
    )
    xmean = router(scores, x.reshape(B * S, D))

    out = pl.pallas_call(
        _summary_ln_kernel,
        grid=(S // BLKL,),
        in_specs=[
            pl.BlockSpec((B, D), lambda i: (0, 0)),
            pl.BlockSpec((D, D), lambda i: (0, 0)),
            pl.BlockSpec((1, D), lambda i: (0, 0)),
            pl.BlockSpec((B, BLKL, D), lambda i: (0, i, 0)),
            pl.BlockSpec((1, D), lambda i: (0, 0)),
            pl.BlockSpec((1, D), lambda i: (0, 0)),
        ],
        out_specs=pl.BlockSpec((B, BLKL, D), lambda i: (0, i, 0)),
        out_shape=jax.ShapeDtypeStruct((B, S, D), jnp.float32),
        scratch_shapes=[pltpu.VMEM((B, D), jnp.float32)],
        compiler_params=pltpu.CompilerParams(
            dimension_semantics=("arbitrary",)),
    )(xmean, Wr, br.reshape(1, D), x, gamma.reshape(1, D), beta.reshape(1, D))
    return out

# --- scband reference (transcript-rebuilt; emitter-appended) ---
"""Pipeline reference for scband-top-krouter-communication-62431644615080 (READ-ONLY COPY).

The authoritative reference and input builder live on the scoring server;
editing this copy changes nothing except your own understanding.
"""

import jax, jax.numpy as jnp
import numpy as np

D_MODEL = 768
TOPK = 2
BATCH = 4
SEQ = 8192

def setup_inputs(seed: int = 0) -> dict:
    key = jax.random.key(seed)
    ks = jax.random.split(key, 4)
    x = jax.random.normal(ks[0], (BATCH, SEQ, D_MODEL), dtype=jnp.float32)
    Wr = jax.random.normal(ks[1], (D_MODEL, D_MODEL), dtype=jnp.float32) * (1.0 / np.sqrt(D_MODEL))
    br = jnp.zeros((D_MODEL,), dtype=jnp.float32)
    Ws = jax.random.normal(ks[2], (1, D_MODEL), dtype=jnp.float32) * (1.0 / np.sqrt(D_MODEL))
    bs = jnp.zeros((1,), dtype=jnp.float32)
    gamma = jnp.ones((D_MODEL,), dtype=jnp.float32)
    beta = jnp.zeros((D_MODEL,), dtype=jnp.float32)
    return {"x": x, "Wr": Wr, "br": br, "Ws": Ws, "bs": bs, "gamma": gamma, "beta": beta}

def _layer_norm(h, gamma, beta, eps=1e-5):
    mu = jnp.mean(h, axis=-1, keepdims=True)
    var = jnp.mean(jnp.square(h - mu), axis=-1, keepdims=True)
    return (h - mu) / jnp.sqrt(var + eps) * gamma + beta

def reference(x, Wr, br, Ws, bs, gamma, beta):
    # routed = self.router(x)
    routed = jnp.einsum('bsd,ed->bse', x, Wr) + br
    # scores = self.score(x).squeeze(-1)
    scores = (jnp.einsum('bsd,ed->bse', x, Ws) + bs)[..., 0]
    # alive_mask is None -> no masking
    k = min(TOPK, x.shape[1])
    _, top_idx = jax.lax.top_k(scores, k)  # [B, k]
    # gather routed vectors at top-k positions along seq dim
    gathered = jnp.take_along_axis(routed, top_idx[:, :, None], axis=1)  # [B, k, D]
    summary = jnp.mean(gathered, axis=1, keepdims=True)  # [B, 1, D]
    out = _layer_norm(x + summary, gamma, beta)
    return out

if __name__ == "__main__":
    import jax
    _d = setup_inputs()
    print(jax.jit(kernel)(*tuple(_d.values())))

</pallas_src>

<mosaic_0001>
#map = affine_map<(d0, d1) -> (0, 0)>
module attributes {stable_mosaic.version = 14 : i64} {
  func.func @_router_sc_kernel(%arg0: i32, %arg1: i32, %arg2: memref<4x8192xf32, #tpu.memory_space<hbm>>, %arg3: memref<32768x768xf32, #tpu.memory_space<hbm>>, %arg4: memref<4x768xf32, #tpu.memory_space<hbm>>, %arg5: memref<1x1024xf32, #tpu.memory_space<vmem>>, %arg6: memref<1x2x16xf32, #tpu.memory_space<vmem>>, %arg7: memref<8x2x16xf32, #tpu.memory_space<vmem>>, %arg8: memref<16xi32, #tpu.memory_space<vmem>>, %arg9: memref<2x768xf32, #tpu.memory_space<vmem>>, %arg10: memref<768xf32, #tpu.memory_space<vmem>>, %arg11: memref<16x2x16xf32, #tpu.memory_space<vmem_shared>>, %arg12: memref<!tpu.dma_semaphore, #tpu.memory_space<semaphore_mem>>) attributes {dimension_semantics = [#tpu.dimension_semantics<core_parallel>, #tpu.dimension_semantics<subcore_parallel>], iteration_bounds = array<i64: 2, 16>, scalar_prefetch = 0 : i64, scratch_operands = 8 : i64, tpu.core_type = #tpu.core_type<sc_vector_subcore>, window_params = [{transform_indices = #map}, {transform_indices = #map}, {transform_indices = #map}]} {
    %jit3A = arith.constant 8 : i32
    %div3A = arith.divsi %arg1, %jit3A : i32
    %sign3A = arith.constant 0 : i32
    %sign3A_0 = arith.cmpi sgt, %arg1, %sign3A : i32
    %sign3A_1 = arith.extui %sign3A_0 : i1 to i32
    %sign3A_2 = arith.constant 0 : i32
    %sign3A_3 = arith.cmpi slt, %arg1, %sign3A_2 : i32
    %sign3A_4 = arith.extui %sign3A_3 : i1 to i32
    %sign3A_5 = arith.subi %sign3A_1, %sign3A_4 : i32
    %sign3A_6 = arith.constant 0 : i32
    %sign3A_7 = arith.cmpi sgt, %jit3A, %sign3A_6 : i32
    %sign3A_8 = arith.extui %sign3A_7 : i1 to i32
    %sign3A_9 = arith.constant 0 : i32
    %sign3A_10 = arith.cmpi slt, %jit3A, %sign3A_9 : i32
    %sign3A_11 = arith.extui %sign3A_10 : i1 to i32
    %sign3A_12 = arith.subi %sign3A_8, %sign3A_11 : i32
    %ne3A = arith.cmpi ne, %sign3A_5, %sign3A_12 : i32
    %rem3A = arith.remsi %arg1, %jit3A : i32
    %ne3A_13 = arith.constant 0 : i32
    %ne3A_14 = arith.cmpi ne, %rem3A, %ne3A_13 : i32
    %and3A = arith.andi %ne3A, %ne3A_14 : i1
    %sub3A = arith.constant 1 : i32
    %sub3A_15 = arith.subi %div3A, %sub3A : i32
    %select_n3A = arith.select %and3A, %sub3A_15, %div3A : i32
    %mul3A = arith.constant 2 : i32
    %mul3A_16 = arith.muli %mul3A, %select_n3A : i32
    %add3A = arith.addi %arg0, %mul3A_16 : i32
    %jit3A_17 = arith.constant 8 : i32
    %eq3A = arith.constant 0 : i32
    %eq3A_18 = arith.cmpi eq, %jit3A_17, %eq3A : i32
    %jit3A_19 = arith.constant 1 : i32
    %select_n3A_20 = arith.select %eq3A_18, %jit3A_19, %jit3A_17 : i32
    %rem3A_21 = arith.remsi %arg1, %select_n3A_20 : i32
    %ne3A_22 = arith.constant 0 : i32
    %ne3A_23 = arith.cmpi ne, %rem3A_21, %ne3A_22 : i32
    %lt3A = arith.constant 0 : i32
    %lt3A_24 = arith.cmpi slt, %rem3A_21, %lt3A : i32
    %lt3A_25 = arith.constant 0 : i32
    %lt3A_26 = arith.cmpi slt, %select_n3A_20, %lt3A_25 : i32
    %ne3A_27 = arith.xori %lt3A_24, %lt3A_26 : i1
    %and3A_28 = arith.andi %ne3A_27, %ne3A_23 : i1
    %add3A_29 = arith.addi %rem3A_21, %select_n3A_20 : i32
    %select_n3A_30 = arith.select %and3A_28, %add3A_29, %rem3A_21 : i32
    %mul3A_31 = arith.constant 1024 : i32
    %mul3A_32 = arith.muli %select_n3A_30, %mul3A_31 : i32
    %iota3A = tpu.iota {dimensions = array<i32: 0>} : vector<16xi32>
    %dma_start3A = tpu.memref_slice %arg2[%add3A, %mul3A_32] : memref<4x8192xf32, #tpu.memory_space<hbm>> -> memref<1x1024xf32, #tpu.memory_space<hbm>>
    %dma_start3A_33 = tpu.memref_slice %arg2[%add3A, %mul3A_32] : memref<4x8192xf32, #tpu.memory_space<hbm>> -> memref<1x1024xf32, #tpu.memory_space<hbm>>
    tpu.enqueue_dma source(%dma_start3A_33 : memref<1x1024xf32, #tpu.memory_space<hbm>>) target(%arg5 : memref<1x1024xf32, #tpu.memory_space<vmem>>) target_semaphore(%arg12 : memref<!tpu.dma_semaphore, #tpu.memory_space<semaphore_mem>>)
    %dma_wait3A = tpu.memref_slice %arg2[%add3A, %mul3A_32] : memref<4x8192xf32, #tpu.memory_space<hbm>> -> memref<1x1024xf32, #tpu.memory_space<hbm>>
    %dma_wait3A_34 = tpu.memref_slice %arg2[%add3A, %mul3A_32] : memref<4x8192xf32, #tpu.memory_space<hbm>> -> memref<1x1024xf32, #tpu.memory_space<hbm>>
    tpu.wait_dma2 semaphore(%arg12 : memref<!tpu.dma_semaphore, #tpu.memory_space<semaphore_mem>>) src(%dma_wait3A_34 : memref<1x1024xf32, #tpu.memory_space<hbm>>) dst(%arg5 : memref<1x1024xf32, #tpu.memory_space<vmem>>)
    %barrier3A = arith.constant 0 : index
    tpu.barrier barrier_id(%barrier3A)
    %broadcast_in_dim3A = arith.constant -3.000000e+38 : f32
    %broadcast_in_dim3A_35 = vector.broadcast %broadcast_in_dim3A : f32 to vector<16xf32>
    %broadcast_in_dim3A_36 = arith.constant 0 : i32
    %broadcast_in_dim3A_37 = vector.broadcast %broadcast_in_dim3A_36 : i32 to vector<16xi32>
    %get3A = arith.constant 0 : i32
    %get3A_38 = arith.index_cast %get3A : i32 to index
    %get3A_39 = arith.constant 0 : index
    %get3A_40 = tpu.vector_load %arg5[%get3A_38, %get3A_39] {strides = array<i32>} : memref<1x1024xf32, #tpu.memory_space<vmem>>, vector<16xf32>,
    %add3A_41 = arith.constant 0 : i32
    %add3A_42 = arith.addi %mul3A_32, %add3A_41 : i32
    %add3A_43 = vector.broadcast %add3A_42 : i32 to vector<16xi32>
    %add3A_44 = arith.addi %iota3A, %add3A_43 : vector<16xi32>
    %gt3A = arith.cmpf ogt, %get3A_40, %broadcast_in_dim3A_35 : vector<16xf32>
    %select_n3A_45 = arith.select %gt3A, %get3A_40, %broadcast_in_dim3A_35 : vector<16xi1>, vector<16xf32>
    %select_n3A_46 = arith.select %gt3A, %add3A_44, %broadcast_in_dim3A_37 : vector<16xi1>, vector<16xi32>
    %get3A_47 = arith.constant 0 : i32
    %get3A_48 = arith.index_cast %get3A_47 : i32 to index
    %get3A_49 = arith.constant 16 : index
    %get3A_50 = tpu.vector_load %arg5[%get3A_48, %get3A_49] {strides = array<i32>} : memref<1x1024xf32, #tpu.memory_space<vmem>>, vector<16xf32>,
    %add3A_51 = arith.constant 16 : i32
    %add3A_52 = arith.addi %mul3A_32, %add3A_51 : i32
    %add3A_53 = vector.broadcast %add3A_52 : i32 to vector<16xi32>
    %add3A_54 = arith.addi %iota3A, %add3A_53 : vector<16xi32>
    %gt3A_55 = arith.cmpf ogt, %get3A_50, %select_n3A_45 : vector<16xf32>
    %select_n3A_56 = arith.select %gt3A_55, %get3A_50, %select_n3A_45 : vector<16xi1>, vector<16xf32>
    %select_n3A_57 = arith.select %gt3A_55, %add3A_54, %select_n3A_46 : vector<16xi1>, vector<16xi32>
    %get3A_58 = arith.constant 0 : i32
    %get3A_59 = arith.index_cast %get3A_58 : i32 to index
    %get3A_60 = arith.constant 32 : index
    %get3A_61 = tpu.vector_load %arg5[%get3A_59, %get3A_60] {strides = array<i32>} : memref<1x1024xf32, #tpu.memory_space<vmem>>, vector<16xf32>,
    %add3A_62 = arith.constant 32 : i32
    %add3A_63 = arith.addi %mul3A_32, %add3A_62 : i32
    %add3A_64 = vector.broadcast %add3A_63 : i32 to vector<16xi32>
    %add3A_65 = arith.addi %iota3A, %add3A_64 : vector<16xi32>
    %gt3A_66 = arith.cmpf ogt, %get3A_61, %select_n3A_56 : vector<16xf32>
    %select_n3A_67 = arith.select %gt3A_66, %get3A_61, %select_n3A_56 : vector<16xi1>, vector<16xf32>
    %select_n3A_68 = arith.select %gt3A_66, %add3A_65, %select_n3A_57 : vector<16xi1>, vector<16xi32>
    %get3A_69 = arith.constant 0 : i32
    %get3A_70 = arith.index_cast %get3A_69 : i32 to index
    %get3A_71 = arith.constant 48 : index
    %get3A_72 = tpu.vector_load %arg5[%get3A_70, %get3A_71] {strides = array<i32>} : memref<1x1024xf32, #tpu.memory_space<vmem>>, vector<16xf32>,
    %add3A_73 = arith.constant 48 : i32
    %add3A_74 = arith.addi %mul3A_32, %add3A_73 : i32
    %add3A_75 = vector.broadcast %add3A_74 : i32 to vector<16xi32>
    %add3A_76 = arith.addi %iota3A, %add3A_75 : vector<16xi32>
    %gt3A_77 = arith.cmpf ogt, %get3A_72, %select_n3A_67 : vector<16xf32>
    %select_n3A_78 = arith.select %gt3A_77, %get3A_72, %select_n3A_67 : vector<16xi1>, vector<16xf32>
    %select_n3A_79 = arith.select %gt3A_77, %add3A_76, %select_n3A_68 : vector<16xi1>, vector<16xi32>
    %get3A_80 = arith.constant 0 : i32
    %get3A_81 = arith.index_cast %get3A_80 : i32 to index
    %get3A_82 = arith.constant 64 : index
    %get3A_83 = tpu.vector_load %arg5[%get3A_81, %get3A_82] {strides = array<i32>} : memref<1x1024xf32, #tpu.memory_space<vmem>>, vector<16xf32>,
    %add3A_84 = arith.constant 64 : i32
    %add3A_85 = arith.addi %mul3A_32, %add3A_84 : i32
    %add3A_86 = vector.broadcast %add3A_85 : i32 to vector<16xi32>
    %add3A_87 = arith.addi %iota3A, %add3A_86 : vector<16xi32>
    %gt3A_88 = arith.cmpf ogt, %get3A_83, %select_n3A_78 : vector<16xf32>
    %select_n3A_89 = arith.select %gt3A_88, %get3A_83, %select_n3A_78 : vector<16xi1>, vector<16xf32>
    %select_n3A_90 = arith.select %gt3A_88, %add3A_87, %select_n3A_79 : vector<16xi1>, vector<16xi32>
    %get3A_91 = arith.constant 0 : i32
    %get3A_92 = arith.index_cast %get3A_91 : i32 to index
    %get3A_93 = arith.constant 80 : index
    %get3A_94 = tpu.vector_load %arg5[%get3A_92, %get3A_93] {strides = array<i32>} : memref<1x1024xf32, #tpu.memory_space<vmem>>, vector<16xf32>,
    %add3A_95 = arith.constant 80 : i32
    %add3A_96 = arith.addi %mul3A_32, %add3A_95 : i32
    %add3A_97 = vector.broadcast %add3A_96 : i32 to vector<16xi32>
    %add3A_98 = arith.addi %iota3A, %add3A_97 : vector<16xi32>
    %gt3A_99 = arith.cmpf ogt, %get3A_94, %select_n3A_89 : vector<16xf32>
    %select_n3A_100 = arith.select %gt3A_99, %get3A_94, %select_n3A_89 : vector<16xi1>, vector<16xf32>
    %select_n3A_101 = arith.select %gt3A_99, %add3A_98, %select_n3A_90 : vector<16xi1>, vector<16xi32>
    %get3A_102 = arith.constant 0 : i32
    %get3A_103 = arith.index_cast %get3A_102 : i32 to index
    %get3A_104 = arith.constant 96 : index
    %get3A_105 = tpu.vector_load %arg5[%get3A_103, %get3A_104] {strides = array<i32>} : memref<1x1024xf32, #tpu.memory_space<vmem>>, vector<16xf32>,
    %add3A_106 = arith.constant 96 : i32
    %add3A_107 = arith.addi %mul3A_32, %add3A_106 : i32
    %add3A_108 = vector.broadcast %add3A_107 : i32 to vector<16xi32>
    %add3A_109 = arith.addi %iota3A, %add3A_108 : vector<16xi32>
    %gt3A_110 = arith.cmpf ogt, %get3A_105, %select_n3A_100 : vector<16xf32>
    %select_n3A_111 = arith.select %gt3A_110, %get3A_105, %select_n3A_100 : vector<16xi1>, vector<16xf32>
    %select_n3A_112 = arith.select %gt3A_110, %add3A_109, %select_n3A_101 : vector<16xi1>, vector<16xi32>
    %get3A_113 = arith.constant 0 : i32
    %get3A_114 = arith.index_cast %get3A_113 : i32 to index
    %get3A_115 = arith.constant 112 : index
    %get3A_116 = tpu.vector_load %arg5[%get3A_114, %get3A_115] {strides = array<i32>} : memref<1x1024xf32, #tpu.memory_space<vmem>>, vector<16xf32>,
    %add3A_117 = arith.constant 112 : i32
    %add3A_118 = arith.addi %mul3A_32, %add3A_117 : i32
    %add3A_119 = vector.broadcast %add3A_118 : i32 to vector<16xi32>
    %add3A_120 = arith.addi %iota3A, %add3A_119 : vector<16xi32>
    %gt3A_121 = arith.cmpf ogt, %get3A_116, %select_n3A_111 : vector<16xf32>
    %select_n3A_122 = arith.select %gt3A_121, %get3A_116, %select_n3A_111 : vector<16xi1>, vector<16xf32>
    %select_n3A_123 = arith.select %gt3A_121, %add3A_120, %select_n3A_112 : vector<16xi1>, vector<16xi32>
    %get3A_124 = arith.constant 0 : i32
    %get3A_125 = arith.index_cast %get3A_124 : i32 to index
    %get3A_126 = arith.constant 128 : index
    %get3A_127 = tpu.vector_load %arg5[%get3A_125, %get3A_126] {strides = array<i32>} : memref<1x1024xf32, #tpu.memory_space<vmem>>, vector<16xf32>,
    %add3A_128 = arith.constant 128 : i32
    %add3A_129 = arith.addi %mul3A_32, %add3A_128 : i32
    %add3A_130 = vector.broadcast %add3A_129 : i32 to vector<16xi32>
    %add3A_131 = arith.addi %iota3A, %add3A_130 : vector<16xi32>
    %gt3A_132 = arith.cmpf ogt, %get3A_127, %select_n3A_122 : vector<16xf32>
    %select_n3A_133 = arith.select %gt3A_132, %get3A_127, %select_n3A_122 : vector<16xi1>, vector<16xf32>
    %select_n3A_134 = arith.select %gt3A_132, %add3A_131, %select_n3A_123 : vector<16xi1>, vector<16xi32>
    %get3A_135 = arith.constant 0 : i32
    %get3A_136 = arith.index_cast %get3A_135 : i32 to index
    %get3A_137 = arith.constant 144 : index
    %get3A_138 = tpu.vector_load %arg5[%get3A_136, %get3A_137] {strides = array<i32>} : memref<1x1024xf32, #tpu.memory_space<vmem>>, vector<16xf32>,
    %add3A_139 = arith.constant 144 : i32
    %add3A_140 = arith.addi %mul3A_32, %add3A_139 : i32
    %add3A_141 = vector.broadcast %add3A_140 : i32 to vector<16xi32>
    %add3A_142 = arith.addi %iota3A, %add3A_141 : vector<16xi32>
    %gt3A_143 = arith.cmpf ogt, %get3A_138, %select_n3A_133 : vector<16xf32>
    %select_n3A_144 = arith.select %gt3A_143, %get3A_138, %select_n3A_133 : vector<16xi1>, vector<16xf32>
    %select_n3A_145 = arith.select %gt3A_143, %add3A_142, %select_n3A_134 : vector<16xi1>, vector<16xi32>
    %get3A_146 = arith.constant 0 : i32
    %get3A_147 = arith.index_cast %get3A_146 : i32 to index
    %get3A_148 = arith.constant 160 : index
    %get3A_149 = tpu.vector_load %arg5[%get3A_147, %get3A_148] {strides = array<i32>} : memref<1x1024xf32, #tpu.memory_space<vmem>>, vector<16xf32>,
    %add3A_150 = arith.constant 160 : i32
    %add3A_151 = arith.addi %mul3A_32, %add3A_150 : i32
    %add3A_152 = vector.broadcast %add3A_151 : i32 to vector<16xi32>
    %add3A_153 = arith.addi %iota3A, %add3A_152 : vector<16xi32>
    %gt3A_154 = arith.cmpf ogt, %get3A_149, %select_n3A_144 : vector<16xf32>
    %select_n3A_155 = arith.select %gt3A_154, %get3A_149, %select_n3A_144 : vector<16xi1>, vector<16xf32>
    %select_n3A_156 = arith.select %gt3A_154, %add3A_153, %select_n3A_145 : vector<16xi1>, vector<16xi32>
    %get3A_157 = arith.constant 0 : i32
    %get3A_158 = arith.index_cast %get3A_157 : i32 to index
    %get3A_159 = arith.constant 176 : index
    %get3A_160 = tpu.vector_load %arg5[%get3A_158, %get3A_159] {strides = array<i32>} : memref<1x1024xf32, #tpu.memory_space<vmem>>, vector<16xf32>,
    %add3A_161 = arith.constant 176 : i32
    %add3A_162 = arith.addi %mul3A_32, %add3A_161 : i32
    %add3A_163 = vector.broadcast %add3A_162 : i32 to vector<16xi32>
    %add3A_164 = arith.addi %iota3A, %add3A_163 : vector<16xi32>
    %gt3A_165 = arith.cmpf ogt, %get3A_160, %select_n3A_155 : vector<16xf32>
    %select_n3A_166 = arith.select %gt3A_165, %get3A_160, %select_n3A_155 : vector<16xi1>, vector<16xf32>
    %select_n3A_167 = arith.select %gt3A_165, %add3A_164, %select_n3A_156 : vector<16xi1>, vector<16xi32>
    %get3A_168 = arith.constant 0 : i32
    %get3A_169 = arith.index_cast %get3A_168 : i32 to index
    %get3A_170 = arith.constant 192 : index
    %get3A_171 = tpu.vector_load %arg5[%get3A_169, %get3A_170] {strides = array<i32>} : memref<1x1024xf32, #tpu.memory_space<vmem>>, vector<16xf32>,
    %add3A_172 = arith.constant 192 : i32
    %add3A_173 = arith.addi %mul3A_32, %add3A_172 : i32
    %add3A_174 = vector.broadcast %add3A_173 : i32 to vector<16xi32>
    %add3A_175 = arith.addi %iota3A, %add3A_174 : vector<16xi32>
    %gt3A_176 = arith.cmpf ogt, %get3A_171, %select_n3A_166 : vector<16xf32>
    %select_n3A_177 = arith.select %gt3A_176, %get3A_171, %select_n3A_166 : vector<16xi1>, vector<16xf32>
    %select_n3A_178 = arith.select %gt3A_176, %add3A_175, %select_n3A_167 : vector<16xi1>, vector<16xi32>
    %get3A_179 = arith.constant 0 : i32
    %get3A_180 = arith.index_cast %get3A_179 : i32 to index
    %get3A_181 = arith.constant 208 : index
    %get3A_182 = tpu.vector_load %arg5[%get3A_180, %get3A_181] {strides = array<i32>} : memref<1x1024xf32, #tpu.memory_space<vmem>>, vector<16xf32>,
    %add3A_183 = arith.constant 208 : i32
    %add3A_184 = arith.addi %mul3A_32, %add3A_183 : i32
    %add3A_185 = vector.broadcast %add3A_184 : i32 to vector<16xi32>
    %add3A_186 = arith.addi %iota3A, %add3A_185 : vector<16xi32>
    %gt3A_187 = arith.cmpf ogt, %get3A_182, %select_n3A_177 : vector<16xf32>
    %select_n3A_188 = arith.select %gt3A_187, %get3A_182, %select_n3A_177 : vector<16xi1>, vector<16xf32>
    %select_n3A_189 = arith.select %gt3A_187, %add3A_186, %select_n3A_178 : vector<16xi1>, vector<16xi32>
    %get3A_190 = arith.constant 0 : i32
    %get3A_191 = arith.index_cast %get3A_190 : i32 to index
    %get3A_192 = arith.constant 224 : index
    %get3A_193 = tpu.vector_load %arg5[%get3A_191, %get3A_192] {strides = array<i32>} : memref<1x1024xf32, #tpu.memory_space<vmem>>, vector<16xf32>,
    %add3A_194 = arith.constant 224 : i32
    %add3A_195 = arith.addi %mul3A_32, %add3A_194 : i32
    %add3A_196 = vector.broadcast %add3A_195 : i32 to vector<16xi32>
    %add3A_197 = arith.addi %iota3A, %add3A_196 : vector<16xi32>
    %gt3A_198 = arith.cmpf ogt, %get3A_193, %select_n3A_188 : vector<16xf32>
    %select_n3A_199 = arith.select %gt3A_198, %get3A_193, %select_n3A_188 : vector<16xi1>, vector<16xf32>
    %select_n3A_200 = arith.select %gt3A_198, %add3A_197, %select_n3A_189 : vector<16xi1>, vector<16xi32>
    %get3A_201 = arith.constant 0 : i32
    %get3A_202 = arith.index_cast %get3A_201 : i32 to index
    %get3A_203 = arith.constant 240 : index
    %get3A_204 = tpu.vector_load %arg5[%get3A_202, %get3A_203] {strides = array<i32>} : memref<1x1024xf32, #tpu.memory_space<vmem>>, vector<16xf32>,
    %add3A_205 = arith.constant 240 : i32
    %add3A_206 = arith.addi %mul3A_32, %add3A_205 : i32
    %add3A_207 = vector.broadcast %add3A_206 : i32 to vector<16xi32>
    %add3A_208 = arith.addi %iota3A, %add3A_207 : vector<16xi32>
    %gt3A_209 = arith.cmpf ogt, %get3A_204, %select_n3A_199 : vector<16xf32>
    %select_n3A_210 = arith.select %gt3A_209, %get3A_204, %select_n3A_199 : vector<16xi1>, vector<16xf32>
    %select_n3A_211 = arith.select %gt3A_209, %add3A_208, %select_n3A_200 : vector<16xi1>, vector<16xi32>
    %get3A_212 = arith.constant 0 : i32
    %get3A_213 = arith.index_cast %get3A_212 : i32 to index
    %get3A_214 = arith.constant 256 : index
    %get3A_215 = tpu.vector_load %arg5[%get3A_213, %get3A_214] {strides = array<i32>} : memref<1x1024xf32, #tpu.memory_space<vmem>>, vector<16xf32>,
    %add3A_216 = arith.constant 256 : i32
    %add3A_217 = arith.addi %mul3A_32, %add3A_216 : i32
    %add3A_218 = vector.broadcast %add3A_217 : i32 to vector<16xi32>
    %add3A_219 = arith.addi %iota3A, %add3A_218 : vector<16xi32>
    %gt3A_220 = arith.cmpf ogt, %get3A_215, %select_n3A_210 : vector<16xf32>
    %select_n3A_221 = arith.select %gt3A_220, %get3A_215, %select_n3A_210 : vector<16xi1>, vector<16xf32>
    %select_n3A_222 = arith.select %gt3A_220, %add3A_219, %select_n3A_211 : vector<16xi1>, vector<16xi32>
    %get3A_223 = arith.constant 0 : i32
    %get3A_224 = arith.index_cast %get3A_223 : i32 to index
    %get3A_225 = arith.constant 272 : index
    %get3A_226 = tpu.vector_load %arg5[%get3A_224, %get3A_225] {strides = array<i32>} : memref<1x1024xf32, #tpu.memory_space<vmem>>, vector<16xf32>,
    %add3A_227 = arith.constant 272 : i32
    %add3A_228 = arith.addi %mul3A_32, %add3A_227 : i32
    %add3A_229 = vector.broadcast %add3A_228 : i32 to vector<16xi32>
    %add3A_230 = arith.addi %iota3A, %add3A_229 : vector<16xi32>
    %gt3A_231 = arith.cmpf ogt, %get3A_226, %select_n3A_221 : vector<16xf32>
    %select_n3A_232 = arith.select %gt3A_231, %get3A_226, %select_n3A_221 : vector<16xi1>, vector<16xf32>
    %select_n3A_233 = arith.select %gt3A_231, %add3A_230, %select_n3A_222 : vector<16xi1>, vector<16xi32>
    %get3A_234 = arith.constant 0 : i32
    %get3A_235 = arith.index_cast %get3A_234 : i32 to index
    %get3A_236 = arith.constant 288 : index
    %get3A_237 = tpu.vector_load %arg5[%get3A_235, %get3A_236] {strides = array<i32>} : memref<1x1024xf32, #tpu.memory_space<vmem>>, vector<16xf32>,
    %add3A_238 = arith.constant 288 : i32
    %add3A_239 = arith.addi %mul3A_32, %add3A_238 : i32
    %add3A_240 = vector.broadcast %add3A_239 : i32 to vector<16xi32>
    %add3A_241 = arith.addi %iota3A, %add3A_240 : vector<16xi32>
    %gt3A_242 = arith.cmpf ogt, %get3A_237, %select_n3A_232 : vector<16xf32>
    %select_n3A_243 = arith.select %gt3A_242, %get3A_237, %select_n3A_232 : vector<16xi1>, vector<16xf32>
    %select_n3A_244 = arith.select %gt3A_242, %add3A_241, %select_n3A_233 : vector<16xi1>, vector<16xi32>
    %get3A_245 = arith.constant 0 : i32
    %get3A_246 = arith.index_cast %get3A_245 : i32 to index
    %get3A_247 = arith.constant 304 : index
    %get3A_248 = tpu.vector_load %arg5[%get3A_246, %get3A_247] {strides = array<i32>} : memref<1x1024xf32, #tpu.memory_space<vmem>>, vector<16xf32>,
    %add3A_249 = arith.constant 304 : i32
    %add3A_250 = arith.addi %mul3A_32, %add3A_249 : i32
    %add3A_251 = vector.broadcast %add3A_250 : i32 to vector<16xi32>
    %add3A_252 = arith.addi %iota3A, %add3A_251 : vector<16xi32>
    %gt3A_253 = arith.cmpf ogt, %get3A_248, %select_n3A_243 : vector<16xf32>
    %select_n3A_254 = arith.select %gt3A_253, %get3A_248, %select_n3A_243 : vector<16xi1>, vector<16xf32>
    %select_n3A_255 = arith.select %gt3A_253, %add3A_252, %select_n3A_244 : vector<16xi1>, vector<16xi32>
    %get3A_256 = arith.constant 0 : i32
    %get3A_257 = arith.index_cast %get3A_256 : i32 to index
    %get3A_258 = arith.constant 320 : index
    %get3A_259 = tpu.vector_load %arg5[%get3A_257, %get3A_258] {strides = array<i32>} : memref<1x1024xf32, #tpu.memory_space<vmem>>, vector<16xf32>,
    %add3A_260 = arith.constant 320 : i32
    %add3A_261 = arith.addi %mul3A_32, %add3A_260 : i32
    %add3A_262 = vector.broadcast %add3A_261 : i32 to vector<16xi32>
    %add3A_263 = arith.addi %iota3A, %add3A_262 : vector<16xi32>
    %gt3A_264 = arith.cmpf ogt, %get3A_259, %select_n3A_254 : vector<16xf32>
    %select_n3A_265 = arith.select %gt3A_264, %get3A_259, %select_n3A_254 : vector<16xi1>, vector<16xf32>
    %select_n3A_266 = arith.select %gt3A_264, %add3A_263, %select_n3A_255 : vector<16xi1>, vector<16xi32>
    %get3A_267 = arith.constant 0 : i32
    %get3A_268 = arith.index_cast %get3A_267 : i32 to index
    %get3A_269 = arith.constant 336 : index
    %get3A_270 = tpu.vector_load %arg5[%get3A_268, %get3A_269] {strides = array<i32>} : memref<1x1024xf32, #tpu.memory_space<vmem>>, vector<16xf32>,
    %add3A_271 = arith.constant 336 : i32
    %add3A_272 = arith.addi %mul3A_32, %add3A_271 : i32
    %add3A_273 = vector.broadcast %add3A_272 : i32 to vector<16xi32>
    %add3A_274 = arith.addi %iota3A, %add3A_273 : vector<16xi32>
    %gt3A_275 = arith.cmpf ogt, %get3A_270, %select_n3A_265 : vector<16xf32>
    %select_n3A_276 = arith.select %gt3A_275, %get3A_270, %select_n3A_265 : vector<16xi1>, vector<16xf32>
    %select_n3A_277 = arith.select %gt3A_275, %add3A_274, %select_n3A_266 : vector<16xi1>, vector<16xi32>
    %get3A_278 = arith.constant 0 : i32
    %get3A_279 = arith.index_cast %get3A_278 : i32 to index
    %get3A_280 = arith.constant 352 : index
    %get3A_281 = tpu.vector_load %arg5[%get3A_279, %get3A_280] {strides = array<i32>} : memref<1x1024xf32, #tpu.memory_space<vmem>>, vector<16xf32>,
    %add3A_282 = arith.constant 352 : i32
    %add3A_283 = arith.addi %mul3A_32, %add3A_282 : i32
    %add3A_284 = vector.broadcast %add3A_283 : i32 to vector<16xi32>
    %add3A_285 = arith.addi %iota3A, %add3A_284 : vector<16xi32>
    %gt3A_286 = arith.cmpf ogt, %get3A_281, %select_n3A_276 : vector<16xf32>
    %select_n3A_287 = arith.select %gt3A_286, %get3A_281, %select_n3A_276 : vector<16xi1>, vector<16xf32>
    %select_n3A_288 = arith.select %gt3A_286, %add3A_285, %select_n3A_277 : vector<16xi1>, vector<16xi32>
    %get3A_289 = arith.constant 0 : i32
    %get3A_290 = arith.index_cast %get3A_289 : i32 to index
    %get3A_291 = arith.constant 368 : index
    %get3A_292 = tpu.vector_load %arg5[%get3A_290, %get3A_291] {strides = array<i32>} : memref<1x1024xf32, #tpu.memory_space<vmem>>, vector<16xf32>,
    %add3A_293 = arith.constant 368 : i32
    %add3A_294 = arith.addi %mul3A_32, %add3A_293 : i32
    %add3A_295 = vector.broadcast %add3A_294 : i32 to vector<16xi32>
    %add3A_296 = arith.addi %iota3A, %add3A_295 : vector<16xi32>
    %gt3A_297 = arith.cmpf ogt, %get3A_292, %select_n3A_287 : vector<16xf32>
    %select_n3A_298 = arith.select %gt3A_297, %get3A_292, %select_n3A_287 : vector<16xi1>, vector<16xf32>
    %select_n3A_299 = arith.select %gt3A_297, %add3A_296, %select_n3A_288 : vector<16xi1>, vector<16xi32>
    %get3A_300 = arith.constant 0 : i32
    %get3A_301 = arith.index_cast %get3A_300 : i32 to index
    %get3A_302 = arith.constant 384 : index
    %get3A_303 = tpu.vector_load %arg5[%get3A_301, %get3A_302] {strides = array<i32>} : memref<1x1024xf32, #tpu.memory_space<vmem>>, vector<16xf32>,
    %add3A_304 = arith.constant 384 : i32
    %add3A_305 = arith.addi %mul3A_32, %add3A_304 : i32
    %add3A_306 = vector.broadcast %add3A_305 : i32 to vector<16xi32>
    %add3A_307 = arith.addi %iota3A, %add3A_306 : vector<16xi32>
    %gt3A_308 = arith.cmpf ogt, %get3A_303, %select_n3A_298 : vector<16xf32>
    %select_n3A_309 = arith.select %gt3A_308, %get3A_303, %select_n3A_298 : vector<16xi1>, vector<16xf32>
    %select_n3A_310 = arith.select %gt3A_308, %add3A_307, %select_n3A_299 : vector<16xi1>, vector<16xi32>
    %get3A_311 = arith.constant 0 : i32
    %get3A_312 = arith.index_cast %get3A_311 : i32 to index
    %get3A_313 = arith.constant 400 : index
    %get3A_314 = tpu.vector_load %arg5[%get3A_312, %get3A_313] {strides = array<i32>} : memref<1x1024xf32, #tpu.memory_space<vmem>>, vector<16xf32>,
    %add3A_315 = arith.constant 400 : i32
    %add3A_316 = arith.addi %mul3A_32, %add3A_315 : i32
    %add3A_317 = vector.broadcast %add3A_316 : i32 to vector<16xi32>
    %add3A_318 = arith.addi %iota3A, %add3A_317 : vector<16xi32>
    %gt3A_319 = arith.cmpf ogt, %get3A_314, %select_n3A_309 : vector<16xf32>
    %select_n3A_320 = arith.select %gt3A_319, %get3A_314, %select_n3A_309 : vector<16xi1>, vector<16xf32>
    %select_n3A_321 = arith.select %gt3A_319, %add3A_318, %select_n3A_310 : vector<16xi1>, vector<16xi32>
    %get3A_322 = arith.constant 0 : i32
    %get3A_323 = arith.index_cast %get3A_322 : i32 to index
    %get3A_324 = arith.constant 416 : index
    %get3A_325 = tpu.vector_load %arg5[%get3A_323, %get3A_324] {strides = array<i32>} : memref<1x1024xf32, #tpu.memory_space<vmem>>, vector<16xf32>,
    %add3A_326 = arith.constant 416 : i32
    %add3A_327 = arith.addi %mul3A_32, %add3A_326 : i32
    %add3A_328 = vector.broadcast %add3A_327 : i32 to vector<16xi32>
    %add3A_329 = arith.addi %iota3A, %add3A_328 : vector<16xi32>
    %gt3A_330 = arith.cmpf ogt, %get3A_325, %select_n3A_320 : vector<16xf32>
    %select_n3A_331 = arith.select %gt3A_330, %get3A_325, %select_n3A_320 : vector<16xi1>, vector<16xf32>
    %select_n3A_332 = arith.select %gt3A_330, %add3A_329, %select_n3A_321 : vector<16xi1>, vector<16xi32>
    %get3A_333 = arith.constant 0 : i32
    %get3A_334 = arith.index_cast %get3A_333 : i32 to index
    %get3A_335 = arith.constant 432 : index
    %get3A_336 = tpu.vector_load %arg5[%get3A_334, %get3A_335] {strides = array<i32>} : memref<1x1024xf32, #tpu.memory_space<vmem>>, vector<16xf32>,
    %add3A_337 = arith.constant 432 : i32
    %add3A_338 = arith.addi %mul3A_32, %add3A_337 : i32
    %add3A_339 = vector.broadcast %add3A_338 : i32 to vector<16xi32>
    %add3A_340 = arith.addi %iota3A, %add3A_339 : vector<16xi32>
    %gt3A_341 = arith.cmpf ogt, %get3A_336, %select_n3A_331 : vector<16xf32>
    %select_n3A_342 = arith.select %gt3A_341, %get3A_336, %select_n3A_331 : vector<16xi1>, vector<16xf32>
    %select_n3A_343 = arith.select %gt3A_341, %add3A_340, %select_n3A_332 : vector<16xi1>, vector<16xi32>
    %get3A_344 = arith.constant 0 : i32
    %get3A_345 = arith.index_cast %get3A_344 : i32 to index
    %get3A_346 = arith.constant 448 : index
    %get3A_347 = tpu.vector_load %arg5[%get3A_345, %get3A_346] {strides = array<i32>} : memref<1x1024xf32, #tpu.memory_space<vmem>>, vector<16xf32>,
    %add3A_348 = arith.constant 448 : i32
    %add3A_349 = arith.addi %mul3A_32, %add3A_348 : i32
    %add3A_350 = vector.broadcast %add3A_349 : i32 to vector<16xi32>
    %add3A_351 = arith.addi %iota3A, %add3A_350 : vector<16xi32>
    %gt3A_352 = arith.cmpf ogt, %get3A_347, %select_n3A_342 : vector<16xf32>
    %select_n3A_353 = arith.select %gt3A_352, %get3A_347, %select_n3A_342 : vector<16xi1>, vector<16xf32>
    %select_n3A_354 = arith.select %gt3A_352, %add3A_351, %select_n3A_343 : vector<16xi1>, vector<16xi32>
    %get3A_355 = arith.constant 0 : i32
    %get3A_356 = arith.index_cast %get3A_355 : i32 to index
    %get3A_357 = arith.constant 464 : index
    %get3A_358 = tpu.vector_load %arg5[%get3A_356, %get3A_357] {strides = array<i32>} : memref<1x1024xf32, #tpu.memory_space<vmem>>, vector<16xf32>,
    %add3A_359 = arith.constant 464 : i32
    %add3A_360 = arith.addi %mul3A_32, %add3A_359 : i32
    %add3A_361 = vector.broadcast %add3A_360 : i32 to vector<16xi32>
    %add3A_362 = arith.addi %iota3A, %add3A_361 : vector<16xi32>
    %gt3A_363 = arith.cmpf ogt, %get3A_358, %select_n3A_353 : vector<16xf32>
    %select_n3A_364 = arith.select %gt3A_363, %get3A_358, %select_n3A_353 : vector<16xi1>, vector<16xf32>
    %select_n3A_365 = arith.select %gt3A_363, %add3A_362, %select_n3A_354 : vector<16xi1>, vector<16xi32>
    %get3A_366 = arith.constant 0 : i32
    %get3A_367 = arith.index_cast %get3A_366 : i32 to index
    %get3A_368 = arith.constant 480 : index
    %get3A_369 = tpu.vector_load %arg5[%get3A_367, %get3A_368] {strides = array<i32>} : memref<1x1024xf32, #tpu.memory_space<vmem>>, vector<16xf32>,
    %add3A_370 = arith.constant 480 : i32
    %add3A_371 = arith.addi %mul3A_32, %add3A_370 : i32
    %add3A_372 = vector.broadcast %add3A_371 : i32 to vector<16xi32>
    %add3A_373 = arith.addi %iota3A, %add3A_372 : vector<16xi32>
    %gt3A_374 = arith.cmpf ogt, %get3A_369, %select_n3A_364 : vector<16xf32>
    %select_n3A_375 = arith.select %gt3A_374, %get3A_369, %select_n3A_364 : vector<16xi1>, vector<16xf32>
    %select_n3A_376 = arith.select %gt3A_374, %add3A_373, %select_n3A_365 : vector<16xi1>, vector<16xi32>
    %get3A_377 = arith.constant 0 : i32
    %get3A_378 = arith.index_cast %get3A_377 : i32 to index
    %get3A_379 = arith.constant 496 : index
    %get3A_380 = tpu.vector_load %arg5[%get3A_378, %get3A_379] {strides = array<i32>} : memref<1x1024xf32, #tpu.memory_space<vmem>>, vector<16xf32>,
    %add3A_381 = arith.constant 496 : i32
    %add3A_382 = arith.addi %mul3A_32, %add3A_381 : i32
    %add3A_383 = vector.broadcast %add3A_382 : i32 to vector<16xi32>
    %add3A_384 = arith.addi %iota3A, %add3A_383 : vector<16xi32>
    %gt3A_385 = arith.cmpf ogt, %get3A_380, %select_n3A_375 : vector<16xf32>
    %select_n3A_386 = arith.select %gt3A_385, %get3A_380, %select_n3A_375 : vector<16xi1>, vector<16xf32>
    %select_n3A_387 = arith.select %gt3A_385, %add3A_384, %select_n3A_376 : vector<16xi1>, vector<16xi32>
    %get3A_388 = arith.constant 0 : i32
    %get3A_389 = arith.index_cast %get3A_388 : i32 to index
    %get3A_390 = arith.constant 512 : index
    %get3A_391 = tpu.vector_load %arg5[%get3A_389, %get3A_390] {strides = array<i32>} : memref<1x1024xf32, #tpu.memory_space<vmem>>, vector<16xf32>,
    %add3A_392 = arith.constant 512 : i32
    %add3A_393 = arith.addi %mul3A_32, %add3A_392 : i32
    %add3A_394 = vector.broadcast %add3A_393 : i32 to vector<16xi32>
    %add3A_395 = arith.addi %iota3A, %add3A_394 : vector<16xi32>
    %gt3A_396 = arith.cmpf ogt, %get3A_391, %select_n3A_386 : vector<16xf32>
    %select_n3A_397 = arith.select %gt3A_396, %get3A_391, %select_n3A_386 : vector<16xi1>, vector<16xf32>
    %select_n3A_398 = arith.select %gt3A_396, %add3A_395, %select_n3A_387 : vector<16xi1>, vector<16xi32>
    %get3A_399 = arith.constant 0 : i32
    %get3A_400 = arith.index_cast %get3A_399 : i32 to index
    %get3A_401 = arith.constant 528 : index
    %get3A_402 = tpu.vector_load %arg5[%get3A_400, %get3A_401] {strides = array<i32>} : memref<1x1024xf32, #tpu.memory_space<vmem>>, vector<16xf32>,
    %add3A_403 = arith.constant 528 : i32
    %add3A_404 = arith.addi %mul3A_32, %add3A_403 : i32
    %add3A_405 = vector.broadcast %add3A_404 : i32 to vector<16xi32>
    %add3A_406 = arith.addi %iota3A, %add3A_405 : vector<16xi32>
    %gt3A_407 = arith.cmpf ogt, %get3A_402, %select_n3A_397 : vector<16xf32>
    %select_n3A_408 = arith.select %gt3A_407, %get3A_402, %select_n3A_397 : vector<16xi1>, vector<16xf32>
    %select_n3A_409 = arith.select %gt3A_407, %add3A_406, %select_n3A_398 : vector<16xi1>, vector<16xi32>
    %get3A_410 = arith.constant 0 : i32
    %get3A_411 = arith.index_cast %get3A_410 : i32 to index
    %get3A_412 = arith.constant 544 : index
    %get3A_413 = tpu.vector_load %arg5[%get3A_411, %get3A_412] {strides = array<i32>} : memref<1x1024xf32, #tpu.memory_space<vmem>>, vector<16xf32>,
    %add3A_414 = arith.constant 544 : i32
    %add3A_415 = arith.addi %mul3A_32, %add3A_414 : i32
    %add3A_416 = vector.broadcast %add3A_415 : i32 to vector<16xi32>
    %add3A_417 = arith.addi %iota3A, %add3A_416 : vector<16xi32>
    %gt3A_418 = arith.cmpf ogt, %get3A_413, %select_n3A_408 : vector<16xf32>
    %select_n3A_419 = arith.select %gt3A_418, %get3A_413, %select_n3A_408 : vector<16xi1>, vector<16xf32>
    %select_n3A_420 = arith.select %gt3A_418, %add3A_417, %select_n3A_409 : vector<16xi1>, vector<16xi32>
    %get3A_421 = arith.constant 0 : i32
    %get3A_422 = arith.index_cast %get3A_421 : i32 to index
    %get3A_423 = arith.constant 560 : index
    %get3A_424 = tpu.vector_load %arg5[%get3A_422, %get3A_423] {strides = array<i32>} : memref<1x1024xf32, #tpu.memory_space<vmem>>, vector<16xf32>,
    %add3A_425 = arith.constant 560 : i32
    %add3A_426 = arith.addi %mul3A_32, %add3A_425 : i32
    %add3A_427 = vector.broadcast %add3A_426 : i32 to vector<16xi32>
    %add3A_428 = arith.addi %iota3A, %add3A_427 : vector<16xi32>
    %gt3A_429 = arith.cmpf ogt, %get3A_424, %select_n3A_419 : vector<16xf32>
    %select_n3A_430 = arith.select %gt3A_429, %get3A_424, %select_n3A_419 : vector<16xi1>, vector<16xf32>
    %select_n3A_431 = arith.select %gt3A_429, %add3A_428, %select_n3A_420 : vector<16xi1>, vector<16xi32>
    %get3A_432 = arith.constant 0 : i32
    %get3A_433 = arith.index_cast %get3A_432 : i32 to index
    %get3A_434 = arith.constant 576 : index
    %get3A_435 = tpu.vector_load %arg5[%get3A_433, %get3A_434] {strides = array<i32>} : memref<1x1024xf32, #tpu.memory_space<vmem>>, vector<16xf32>,
    %add3A_436 = arith.constant 576 : i32
    %add3A_437 = arith.addi %mul3A_32, %add3A_436 : i32
    %add3A_438 = vector.broadcast %add3A_437 : i32 to vector<16xi32>
    %add3A_439 = arith.addi %iota3A, %add3A_438 : vector<16xi32>
    %gt3A_440 = arith.cmpf ogt, %get3A_435, %select_n3A_430 : vector<16xf32>
    %select_n3A_441 = arith.select %gt3A_440, %get3A_435, %select_n3A_430 : vector<16xi1>, vector<16xf32>
    %select_n3A_442 = arith.select %gt3A_440, %add3A_439, %select_n3A_431 : vector<16xi1>, vector<16xi32>
    %get3A_443 = arith.constant 0 : i32
    %get3A_444 = arith.index_cast %get3A_443 : i32 to index
    %get3A_445 = arith.constant 592 : index
    %get3A_446 = tpu.vector_load %arg5[%get3A_444, %get3A_445] {strides = array<i32>} : memref<1x1024xf32, #tpu.memory_space<vmem>>, vector<16xf32>,
    %add3A_447 = arith.constant 592 : i32
    %add3A_448 = arith.addi %mul3A_32, %add3A_447 : i32
    %add3A_449 = vector.broadcast %add3A_448 : i32 to vector<16xi32>
    %add3A_450 = arith.addi %iota3A, %add3A_449 : vector<16xi32>
    %gt3A_451 = arith.cmpf ogt, %get3A_446, %select_n3A_441 : vector<16xf32>
    %select_n3A_452 = arith.select %gt3A_451, %get3A_446, %select_n3A_441 : vector<16xi1>, vector<16xf32>
    %select_n3A_453 = arith.select %gt3A_451, %add3A_450, %select_n3A_442 : vector<16xi1>, vector<16xi32>
    %get3A_454 = arith.constant 0 : i32
    %get3A_455 = arith.index_cast %get3A_454 : i32 to index
    %get3A_456 = arith.constant 608 : index
    %get3A_457 = tpu.vector_load %arg5[%get3A_455, %get3A_456] {strides = array<i32>} : memref<1x1024xf32, #tpu.memory_space<vmem>>, vector<16xf32>,
    %add3A_458 = arith.constant 608 : i32
    %add3A_459 = arith.addi %mul3A_32, %add3A_458 : i32
    %add3A_460 = vector.broadcast %add3A_459 : i32 to vector<16xi32>
    %add3A_461 = arith.addi %iota3A, %add3A_460 : vector<16xi32>
    %gt3A_462 = arith.cmpf ogt, %get3A_457, %select_n3A_452 : vector<16xf32>
    %select_n3A_463 = arith.select %gt3A_462, %get3A_457, %select_n3A_452 : vector<16xi1>, vector<16xf32>
    %select_n3A_464 = arith.select %gt3A_462, %add3A_461, %select_n3A_453 : vector<16xi1>, vector<16xi32>
    %get3A_465 = arith.constant 0 : i32
    %get3A_466 = arith.index_cast %get3A_465 : i32 to index
    %get3A_467 = arith.constant 624 : index
    %get3A_468 = tpu.vector_load %arg5[%get3A_466, %get3A_467] {strides = array<i32>} : memref<1x1024xf32, #tpu.memory_space<vmem>>, vector<16xf32>,
    %add3A_469 = arith.constant 624 : i32
    %add3A_470 = arith.addi %mul3A_32, %add3A_469 : i32
    %add3A_471 = vector.broadcast %add3A_470 : i32 to vector<16xi32>
    %add3A_472 = arith.addi %iota3A, %add3A_471 : vector<16xi32>
    %gt3A_473 = arith.cmpf ogt, %get3A_468, %select_n3A_463 : vector<16xf32>
    %select_n3A_474 = arith.select %gt3A_473, %get3A_468, %select_n3A_463 : vector<16xi1>, vector<16xf32>
    %select_n3A_475 = arith.select %gt3A_473, %add3A_472, %select_n3A_464 : vector<16xi1>, vector<16xi32>
    %get3A_476 = arith.constant 0 : i32
    %get3A_477 = arith.index_cast %get3A_476 : i32 to index
    %get3A_478 = arith.constant 640 : index
    %get3A_479 = tpu.vector_load %arg5[%get3A_477, %get3A_478] {strides = array<i32>} : memref<1x1024xf32, #tpu.memory_space<vmem>>, vector<16xf32>,
    %add3A_480 = arith.constant 640 : i32
    %add3A_481 = arith.addi %mul3A_32, %add3A_480 : i32
    %add3A_482 = vector.broadcast %add3A_481 : i32 to vector<16xi32>
    %add3A_483 = arith.addi %iota3A, %add3A_482 : vector<16xi32>
    %gt3A_484 = arith.cmpf ogt, %get3A_479, %select_n3A_474 : vector<16xf32>
    %select_n3A_485 = arith.select %gt3A_484, %get3A_479, %select_n3A_474 : vector<16xi1>, vector<16xf32>
    %select_n3A_486 = arith.select %gt3A_484, %add3A_483, %select_n3A_475 : vector<16xi1>, vector<16xi32>
    %get3A_487 = arith.constant 0 : i32
    %get3A_488 = arith.index_cast %get3A_487 : i32 to index
    %get3A_489 = arith.constant 656 : index
    %get3A_490 = tpu.vector_load %arg5[%get3A_488, %get3A_489] {strides = array<i32>} : memref<1x1024xf32, #tpu.memory_space<vmem>>, vector<16xf32>,
    %add3A_491 = arith.constant 656 : i32
    %add3A_492 = arith.addi %mul3A_32, %add3A_491 : i32
    %add3A_493 = vector.broadcast %add3A_492 : i32 to vector<16xi32>
    %add3A_494 = arith.addi %iota3A, %add3A_493 : vector<16xi32>
    %gt3A_495 = arith.cmpf ogt, %get3A_490, %select_n3A_485 : vector<16xf32>
    %select_n3A_496 = arith.select %gt3A_495, %get3A_490, %select_n3A_485 : vector<16xi1>, vector<16xf32>
    %select_n3A_497 = arith.select %gt3A_495, %add3A_494, %select_n3A_486 : vector<16xi1>, vector<16xi32>
    %get3A_498 = arith.constant 0 : i32
    %get3A_499 = arith.index_cast %get3A_498 : i32 to index
    %get3A_500 = arith.constant 672 : index
    %get3A_501 = tpu.vector_load %arg5[%get3A_499, %get3A_500] {strides = array<i32>} : memref<1x1024xf32, #tpu.memory_space<vmem>>, vector<16xf32>,
    %add3A_502 = arith.constant 672 : i32
    %add3A_503 = arith.addi %mul3A_32, %add3A_502 : i32
    %add3A_504 = vector.broadcast %add3A_503 : i32 to vector<16xi32>
    %add3A_505 = arith.addi %iota3A, %add3A_504 : vector<16xi32>
    %gt3A_506 = arith.cmpf ogt, %get3A_501, %select_n3A_496 : vector<16xf32>
    %select_n3A_507 = arith.select %gt3A_506, %get3A_501, %select_n3A_496 : vector<16xi1>, vector<16xf32>
    %select_n3A_508 = arith.select %gt3A_506, %add3A_505, %select_n3A_497 : vector<16xi1>, vector<16xi32>
    %get3A_509 = arith.constant 0 : i32
    %get3A_510 = arith.index_cast %get3A_509 : i32 to index
    %get3A_511 = arith.constant 688 : index
    %get3A_512 = tpu.vector_load %arg5[%get3A_510, %get3A_511] {strides = array<i32>} : memref<1x1024xf32, #tpu.memory_space<vmem>>, vector<16xf32>,
    %add3A_513 = arith.constant 688 : i32
    %add3A_514 = arith.addi %mul3A_32, %add3A_513 : i32
    %add3A_515 = vector.broadcast %add3A_514 : i32 to vector<16xi32>
    %add3A_516 = arith.addi %iota3A, %add3A_515 : vector<16xi32>
    %gt3A_517 = arith.cmpf ogt, %get3A_512, %select_n3A_507 : vector<16xf32>
    %select_n3A_518 = arith.select %gt3A_517, %get3A_512, %select_n3A_507 : vector<16xi1>, vector<16xf32>
    %select_n3A_519 = arith.select %gt3A_517, %add3A_516, %select_n3A_508 : vector<16xi1>, vector<16xi32>
    %get3A_520 = arith.constant 0 : i32
    %get3A_521 = arith.index_cast %get3A_520 : i32 to index
    %get3A_522 = arith.constant 704 : index
    %get3A_523 = tpu.vector_load %arg5[%get3A_521, %get3A_522] {strides = array<i32>} : memref<1x1024xf32, #tpu.memory_space<vmem>>, vector<16xf32>,
    %add3A_524 = arith.constant 704 : i32
    %add3A_525 = arith.addi %mul3A_32, %add3A_524 : i32
    %add3A_526 = vector.broadcast %add3A_525 : i32 to vector<16xi32>
    %add3A_527 = arith.addi %iota3A, %add3A_526 : vector<16xi32>
    %gt3A_528 = arith.cmpf ogt, %get3A_523, %select_n3A_518 : vector<16xf32>
    %select_n3A_529 = arith.select %gt3A_528, %get3A_523, %select_n3A_518 : vector<16xi1>, vector<16xf32>
    %select_n3A_530 = arith.select %gt3A_528, %add3A_527, %select_n3A_519 : vector<16xi1>, vector<16xi32>
    %get3A_531 = arith.constant 0 : i32
    %get3A_532 = arith.index_cast %get3A_531 : i32 to index
    %get3A_533 = arith.constant 720 : index
    %get3A_534 = tpu.vector_load %arg5[%get3A_532, %get3A_533] {strides = array<i32>} : memref<1x1024xf32, #tpu.memory_space<vmem>>, vector<16xf32>,
    %add3A_535 = arith.constant 720 : i32
    %add3A_536 = arith.addi %mul3A_32, %add3A_535 : i32
    %add3A_537 = vector.broadcast %add3A_536 : i32 to vector<16xi32>
    %add3A_538 = arith.addi %iota3A, %add3A_537 : vector<16xi32>
    %gt3A_539 = arith.cmpf ogt, %get3A_534, %select_n3A_529 : vector<16xf32>
    %select_n3A_540 = arith.select %gt3A_539, %get3A_534, %select_n3A_529 : vector<16xi1>, vector<16xf32>
    %select_n3A_541 = arith.select %gt3A_539, %add3A_538, %select_n3A_530 : vector<16xi1>, vector<16xi32>
    %get3A_542 = arith.constant 0 : i32
    %get3A_543 = arith.index_cast %get3A_542 : i32 to index
    %get3A_544 = arith.constant 736 : index
    %get3A_545 = tpu.vector_load %arg5[%get3A_543, %get3A_544] {strides = array<i32>} : memref<1x1024xf32, #tpu.memory_space<vmem>>, vector<16xf32>,
    %add3A_546 = arith.constant 736 : i32
    %add3A_547 = arith.addi %mul3A_32, %add3A_546 : i32
    %add3A_548 = vector.broadcast %add3A_547 : i32 to vector<16xi32>
    %add3A_549 = arith.addi %iota3A, %add3A_548 : vector<16xi32>
    %gt3A_550 = arith.cmpf ogt, %get3A_545, %select_n3A_540 : vector<16xf32>
    %select_n3A_551 = arith.select %gt3A_550, %get3A_545, %select_n3A_540 : vector<16xi1>, vector<16xf32>
    %select_n3A_552 = arith.select %gt3A_550, %add3A_549, %select_n3A_541 : vector<16xi1>, vector<16xi32>
    %get3A_553 = arith.constant 0 : i32
    %get3A_554 = arith.index_cast %get3A_553 : i32 to index
    %get3A_555 = arith.constant 752 : index
    %get3A_556 = tpu.vector_load %arg5[%get3A_554, %get3A_555] {strides = array<i32>} : memref<1x1024xf32, #tpu.memory_space<vmem>>, vector<16xf32>,
    %add3A_557 = arith.constant 752 : i32
    %add3A_558 = arith.addi %mul3A_32, %add3A_557 : i32
    %add3A_559 = vector.broadcast %add3A_558 : i32 to vector<16xi32>
    %add3A_560 = arith.addi %iota3A, %add3A_559 : vector<16xi32>
    %gt3A_561 = arith.cmpf ogt, %get3A_556, %select_n3A_551 : vector<16xf32>
    %select_n3A_562 = arith.select %gt3A_561, %get3A_556, %select_n3A_551 : vector<16xi1>, vector<16xf32>
    %select_n3A_563 = arith.select %gt3A_561, %add3A_560, %select_n3A_552 : vector<16xi1>, vector<16xi32>
    %get3A_564 = arith.constant 0 : i32
    %get3A_565 = arith.index_cast %get3A_564 : i32 to index
    %get3A_566 = arith.constant 768 : index
    %get3A_567 = tpu.vector_load %arg5[%get3A_565, %get3A_566] {strides = array<i32>} : memref<1x1024xf32, #tpu.memory_space<vmem>>, vector<16xf32>,
    %add3A_568 = arith.constant 768 : i32
    %add3A_569 = arith.addi %mul3A_32, %add3A_568 : i32
    %add3A_570 = vector.broadcast %add3A_569 : i32 to vector<16xi32>
    %add3A_571 = arith.addi %iota3A, %add3A_570 : vector<16xi32>
    %gt3A_572 = arith.cmpf ogt, %get3A_567, %select_n3A_562 : vector<16xf32>
    %select_n3A_573 = arith.select %gt3A_572, %get3A_567, %select_n3A_562 : vector<16xi1>, vector<16xf32>
    %select_n3A_574 = arith.select %gt3A_572, %add3A_571, %select_n3A_563 : vector<16xi1>, vector<16xi32>
    %get3A_575 = arith.constant 0 : i32
    %get3A_576 = arith.index_cast %get3A_575 : i32 to index
    %get3A_577 = arith.constant 784 : index
    %get3A_578 = tpu.vector_load %arg5[%get3A_576, %get3A_577] {strides = array<i32>} : memref<1x1024xf32, #tpu.memory_space<vmem>>, vector<16xf32>,
    %add3A_579 = arith.constant 784 : i32
    %add3A_580 = arith.addi %mul3A_32, %add3A_579 : i32
    %add3A_581 = vector.broadcast %add3A_580 : i32 to vector<16xi32>
    %add3A_582 = arith.addi %iota3A, %add3A_581 : vector<16xi32>
    %gt3A_583 = arith.cmpf ogt, %get3A_578, %select_n3A_573 : vector<16xf32>
    %select_n3A_584 = arith.select %gt3A_583, %get3A_578, %select_n3A_573 : vector<16xi1>, vector<16xf32>
    %select_n3A_585 = arith.select %gt3A_583, %add3A_582, %select_n3A_574 : vector<16xi1>, vector<16xi32>
    %get3A_586 = arith.constant 0 : i32
    %get3A_587 = arith.index_cast %get3A_586 : i32 to index
    %get3A_588 = arith.constant 800 : index
    %get3A_589 = tpu.vector_load %arg5[%get3A_587, %get3A_588] {strides = array<i32>} : memref<1x1024xf32, #tpu.memory_space<vmem>>, vector<16xf32>,
    %add3A_590 = arith.constant 800 : i32
    %add3A_591 = arith.addi %mul3A_32, %add3A_590 : i32
    %add3A_592 = vector.broadcast %add3A_591 : i32 to vector<16xi32>
    %add3A_593 = arith.addi %iota3A, %add3A_592 : vector<16xi32>
    %gt3A_594 = arith.cmpf ogt, %get3A_589, %select_n3A_584 : vector<16xf32>
    %select_n3A_595 = arith.select %gt3A_594, %get3A_589, %select_n3A_584 : vector<16xi1>, vector<16xf32>
    %select_n3A_596 = arith.select %gt3A_594, %add3A_593, %select_n3A_585 : vector<16xi1>, vector<16xi32>
    %get3A_597 = arith.constant 0 : i32
    %get3A_598 = arith.index_cast %get3A_597 : i32 to index
    %get3A_599 = arith.constant 816 : index
    %get3A_600 = tpu.vector_load %arg5[%get3A_598, %get3A_599] {strides = array<i32>} : memref<1x1024xf32, #tpu.memory_space<vmem>>, vector<16xf32>,
    %add3A_601 = arith.constant 816 : i32
    %add3A_602 = arith.addi %mul3A_32, %add3A_601 : i32
    %add3A_603 = vector.broadcast %add3A_602 : i32 to vector<16xi32>
    %add3A_604 = arith.addi %iota3A, %add3A_603 : vector<16xi32>
    %gt3A_605 = arith.cmpf ogt, %get3A_600, %select_n3A_595 : vector<16xf32>
    %select_n3A_606 = arith.select %gt3A_605, %get3A_600, %select_n3A_595 : vector<16xi1>, vector<16xf32>
    %select_n3A_607 = arith.select %gt3A_605, %add3A_604, %select_n3A_596 : vector<16xi1>, vector<16xi32>
    %get3A_608 = arith.constant 0 : i32
    %get3A_609 = arith.index_cast %get3A_608 : i32 to index
    %get3A_610 = arith.constant 832 : index
    %get3A_611 = tpu.vector_load %arg5[%get3A_609, %get3A_610] {strides = array<i32>} : memref<1x1024xf32, #tpu.memory_space<vmem>>, vector<16xf32>,
    %add3A_612 = arith.constant 832 : i32
    %add3A_613 = arith.addi %mul3A_32, %add3A_612 : i32
    %add3A_614 = vector.broadcast %add3A_613 : i32 to vector<16xi32>
    %add3A_615 = arith.addi %iota3A, %add3A_614 : vector<16xi32>
    %gt3A_616 = arith.cmpf ogt, %get3A_611, %select_n3A_606 : vector<16xf32>
    %select_n3A_617 = arith.select %gt3A_616, %get3A_611, %select_n3A_606 : vector<16xi1>, vector<16xf32>
    %select_n3A_618 = arith.select %gt3A_616, %add3A_615, %select_n3A_607 : vector<16xi1>, vector<16xi32>
    %get3A_619 = arith.constant 0 : i32
    %get3A_620 = arith.index_cast %get3A_619 : i32 to index
    %get3A_621 = arith.constant 848 : index
    %get3A_622 = tpu.vector_load %arg5[%get3A_620, %get3A_621] {strides = array<i32>} : memref<1x1024xf32, #tpu.memory_space<vmem>>, vector<16xf32>,
    %add3A_623 = arith.constant 848 : i32
    %add3A_624 = arith.addi %mul3A_32, %add3A_623 : i32
    %add3A_625 = vector.broadcast %add3A_624 : i32 to vector<16xi32>
    %add3A_626 = arith.addi %iota3A, %add3A_625 : vector<16xi32>
    %gt3A_627 = arith.cmpf ogt, %get3A_622, %select_n3A_617 : vector<16xf32>
    %select_n3A_628 = arith.select %gt3A_627, %get3A_622, %select_n3A_617 : vector<16xi1>, vector<16xf32>
    %select_n3A_629 = arith.select %gt3A_627, %add3A_626, %select_n3A_618 : vector<16xi1>, vector<16xi32>
    %get3A_630 = arith.constant 0 : i32
    %get3A_631 = arith.index_cast %get3A_630 : i32 to index
    %get3A_632 = arith.constant 864 : index
    %get3A_633 = tpu.vector_load %arg5[%get3A_631, %get3A_632] {strides = array<i32>} : memref<1x1024xf32, #tpu.memory_space<vmem>>, vector<16xf32>,
    %add3A_634 = arith.constant 864 : i32
    %add3A_635 = arith.addi %mul3A_32, %add3A_634 : i32
    %add3A_636 = vector.broadcast %add3A_635 : i32 to vector<16xi32>
    %add3A_637 = arith.addi %iota3A, %add3A_636 : vector<16xi32>
    %gt3A_638 = arith.cmpf ogt, %get3A_633, %select_n3A_628 : vector<16xf32>
    %select_n3A_639 = arith.select %gt3A_638, %get3A_633, %select_n3A_628 : vector<16xi1>, vector<16xf32>
    %select_n3A_640 = arith.select %gt3A_638, %add3A_637, %select_n3A_629 : vector<16xi1>, vector<16xi32>
    %get3A_641 = arith.constant 0 : i32
    %get3A_642 = arith.index_cast %get3A_641 : i32 to index
    %get3A_643 = arith.constant 880 : index
    %get3A_644 = tpu.vector_load %arg5[%get3A_642, %get3A_643] {strides = array<i32>} : memref<1x1024xf32, #tpu.memory_space<vmem>>, vector<16xf32>,
    %add3A_645 = arith.constant 880 : i32
    %add3A_646 = arith.addi %mul3A_32, %add3A_645 : i32
    %add3A_647 = vector.broadcast %add3A_646 : i32 to vector<16xi32>
    %add3A_648 = arith.addi %iota3A, %add3A_647 : vector<16xi32>
    %gt3A_649 = arith.cmpf ogt, %get3A_644, %select_n3A_639 : vector<16xf32>
    %select_n3A_650 = arith.select %gt3A_649, %get3A_644, %select_n3A_639 : vector<16xi1>, vector<16xf32>
    %select_n3A_651 = arith.select %gt3A_649, %add3A_648, %select_n3A_640 : vector<16xi1>, vector<16xi32>
    %get3A_652 = arith.constant 0 : i32
    %get3A_653 = arith.index_cast %get3A_652 : i32 to index
    %get3A_654 = arith.constant 896 : index
    %get3A_655 = tpu.vector_load %arg5[%get3A_653, %get3A_654] {strides = array<i32>} : memref<1x1024xf32, #tpu.memory_space<vmem>>, vector<16xf32>,
    %add3A_656 = arith.constant 896 : i32
    %add3A_657 = arith.addi %mul3A_32, %add3A_656 : i32
    %add3A_658 = vector.broadcast %add3A_657 : i32 to vector<16xi32>
    %add3A_659 = arith.addi %iota3A, %add3A_658 : vector<16xi32>
    %gt3A_660 = arith.cmpf ogt, %get3A_655, %select_n3A_650 : vector<16xf32>
    %select_n3A_661 = arith.select %gt3A_660, %get3A_655, %select_n3A_650 : vector<16xi1>, vector<16xf32>
    %select_n3A_662 = arith.select %gt3A_660, %add3A_659, %select_n3A_651 : vector<16xi1>, vector<16xi32>
    %get3A_663 = arith.constant 0 : i32
    %get3A_664 = arith.index_cast %get3A_663 : i32 to index
    %get3A_665 = arith.constant 912 : index
    %get3A_666 = tpu.vector_load %arg5[%get3A_664, %get3A_665] {strides = array<i32>} : memref<1x1024xf32, #tpu.memory_space<vmem>>, vector<16xf32>,
    %add3A_667 = arith.constant 912 : i32
    %add3A_668 = arith.addi %mul3A_32, %add3A_667 : i32
    %add3A_669 = vector.broadcast %add3A_668 : i32 to vector<16xi32>
    %add3A_670 = arith.addi %iota3A, %add3A_669 : vector<16xi32>
    %gt3A_671 = arith.cmpf ogt, %get3A_666, %select_n3A_661 : vector<16xf32>
    %select_n3A_672 = arith.select %gt3A_671, %get3A_666, %select_n3A_661 : vector<16xi1>, vector<16xf32>
    %select_n3A_673 = arith.select %gt3A_671, %add3A_670, %select_n3A_662 : vector<16xi1>, vector<16xi32>
    %get3A_674 = arith.constant 0 : i32
    %get3A_675 = arith.index_cast %get3A_674 : i32 to index
    %get3A_676 = arith.constant 928 : index
    %get3A_677 = tpu.vector_load %arg5[%get3A_675, %get3A_676] {strides = array<i32>} : memref<1x1024xf32, #tpu.memory_space<vmem>>, vector<16xf32>,
    %add3A_678 = arith.constant 928 : i32
    %add3A_679 = arith.addi %mul3A_32, %add3A_678 : i32
    %add3A_680 = vector.broadcast %add3A_679 : i32 to vector<16xi32>
    %add3A_681 = arith.addi %iota3A, %add3A_680 : vector<16xi32>
    %gt3A_682 = arith.cmpf ogt, %get3A_677, %select_n3A_672 : vector<16xf32>
    %select_n3A_683 = arith.select %gt3A_682, %get3A_677, %select_n3A_672 : vector<16xi1>, vector<16xf32>
    %select_n3A_684 = arith.select %gt3A_682, %add3A_681, %select_n3A_673 : vector<16xi1>, vector<16xi32>
    %get3A_685 = arith.constant 0 : i32
    %get3A_686 = arith.index_cast %get3A_685 : i32 to index
    %get3A_687 = arith.constant 944 : index
    %get3A_688 = tpu.vector_load %arg5[%get3A_686, %get3A_687] {strides = array<i32>} : memref<1x1024xf32, #tpu.memory_space<vmem>>, vector<16xf32>,
    %add3A_689 = arith.constant 944 : i32
    %add3A_690 = arith.addi %mul3A_32, %add3A_689 : i32
    %add3A_691 = vector.broadcast %add3A_690 : i32 to vector<16xi32>
    %add3A_692 = arith.addi %iota3A, %add3A_691 : vector<16xi32>
    %gt3A_693 = arith.cmpf ogt, %get3A_688, %select_n3A_683 : vector<16xf32>
    %select_n3A_694 = arith.select %gt3A_693, %get3A_688, %select_n3A_683 : vector<16xi1>, vector<16xf32>
    %select_n3A_695 = arith.select %gt3A_693, %add3A_692, %select_n3A_684 : vector<16xi1>, vector<16xi32>
    %get3A_696 = arith.constant 0 : i32
    %get3A_697 = arith.index_cast %get3A_696 : i32 to index
    %get3A_698 = arith.constant 960 : index
    %get3A_699 = tpu.vector_load %arg5[%get3A_697, %get3A_698] {strides = array<i32>} : memref<1x1024xf32, #tpu.memory_space<vmem>>, vector<16xf32>,
    %add3A_700 = arith.constant 960 : i32
    %add3A_701 = arith.addi %mul3A_32, %add3A_700 : i32
    %add3A_702 = vector.broadcast %add3A_701 : i32 to vector<16xi32>
    %add3A_703 = arith.addi %iota3A, %add3A_702 : vector<16xi32>
    %gt3A_704 = arith.cmpf ogt, %get3A_699, %select_n3A_694 : vector<16xf32>
    %select_n3A_705 = arith.select %gt3A_704, %get3A_699, %select_n3A_694 : vector<16xi1>, vector<16xf32>
    %select_n3A_706 = arith.select %gt3A_704, %add3A_703, %select_n3A_695 : vector<16xi1>, vector<16xi32>
    %get3A_707 = arith.constant 0 : i32
    %get3A_708 = arith.index_cast %get3A_707 : i32 to index
    %get3A_709 = arith.constant 976 : index
    %get3A_710 = tpu.vector_load %arg5[%get3A_708, %get3A_709] {strides = array<i32>} : memref<1x1024xf32, #tpu.memory_space<vmem>>, vector<16xf32>,
    %add3A_711 = arith.constant 976 : i32
    %add3A_712 = arith.addi %mul3A_32, %add3A_711 : i32
    %add3A_713 = vector.broadcast %add3A_712 : i32 to vector<16xi32>
    %add3A_714 = arith.addi %iota3A, %add3A_713 : vector<16xi32>
    %gt3A_715 = arith.cmpf ogt, %get3A_710, %select_n3A_705 : vector<16xf32>
    %select_n3A_716 = arith.select %gt3A_715, %get3A_710, %select_n3A_705 : vector<16xi1>, vector<16xf32>
    %select_n3A_717 = arith.select %gt3A_715, %add3A_714, %select_n3A_706 : vector<16xi1>, vector<16xi32>
    %get3A_718 = arith.constant 0 : i32
    %get3A_719 = arith.index_cast %get3A_718 : i32 to index
    %get3A_720 = arith.constant 992 : index
    %get3A_721 = tpu.vector_load %arg5[%get3A_719, %get3A_720] {strides = array<i32>} : memref<1x1024xf32, #tpu.memory_space<vmem>>, vector<16xf32>,
    %add3A_722 = arith.constant 992 : i32
    %add3A_723 = arith.addi %mul3A_32, %add3A_722 : i32
    %add3A_724 = vector.broadcast %add3A_723 : i32 to vector<16xi32>
    %add3A_725 = arith.addi %iota3A, %add3A_724 : vector<16xi32>
    %gt3A_726 = arith.cmpf ogt, %get3A_721, %select_n3A_716 : vector<16xf32>
    %select_n3A_727 = arith.select %gt3A_726, %get3A_721, %select_n3A_716 : vector<16xi1>, vector<16xf32>
    %select_n3A_728 = arith.select %gt3A_726, %add3A_725, %select_n3A_717 : vector<16xi1>, vector<16xi32>
    %get3A_729 = arith.constant 0 : i32
    %get3A_730 = arith.index_cast %get3A_729 : i32 to index
    %get3A_731 = arith.constant 1008 : index
    %get3A_732 = tpu.vector_load %arg5[%get3A_730, %get3A_731] {strides = array<i32>} : memref<1x1024xf32, #tpu.memory_space<vmem>>, vector<16xf32>,
    %add3A_733 = arith.constant 1008 : i32
    %add3A_734 = arith.addi %mul3A_32, %add3A_733 : i32
    %add3A_735 = vector.broadcast %add3A_734 : i32 to vector<16xi32>
    %add3A_736 = arith.addi %iota3A, %add3A_735 : vector<16xi32>
    %gt3A_737 = arith.cmpf ogt, %get3A_732, %select_n3A_727 : vector<16xf32>
    %select_n3A_738 = arith.select %gt3A_737, %get3A_732, %select_n3A_727 : vector<16xi1>, vector<16xf32>
    %select_n3A_739 = arith.select %gt3A_737, %add3A_736, %select_n3A_728 : vector<16xi1>, vector<16xi32>
    %reduce_max3A = arith.constant true
    %reduce_max3A_740 = vector.broadcast %reduce_max3A : i1 to vector<16xi1>
    %reduce_max3A_741 = tpu.scan <max>, %select_n3A_738 masked %reduce_max3A_740 : vector<16xf32>, vector<16xi1> -> vector<16xf32>
    %reduce_max3A_742 = vector.extract %reduce_max3A_741[15] : f32 from vector<16xf32>
    %eq3A_743 = vector.broadcast %reduce_max3A_742 : f32 to vector<16xf32>
    %eq3A_744 = arith.cmpf oeq, %select_n3A_738, %eq3A_743 : vector<16xf32>
    %jit3A_745 = arith.constant 8192 : i32
    %broadcast_in_dim3A_746 = vector.broadcast %jit3A_745 : i32 to vector<16xi32>
    %select_n3A_747 = arith.select %eq3A_744, %select_n3A_739, %broadcast_in_dim3A_746 : vector<16xi1>, vector<16xi32>
    %reduce_min3A = arith.constant true
    %reduce_min3A_748 = vector.broadcast %reduce_min3A : i1 to vector<16xi1>
    %reduce_min3A_749 = arith.constant -2147483648 : i32
    %reduce_min3A_750 = vector.broadcast %reduce_min3A_749 : i32 to vector<16xi32>
    %reduce_min3A_751 = arith.xori %select_n3A_747, %reduce_min3A_750 : vector<16xi32>
    %reduce_min3A_752 = tpu.scan <min>, %reduce_min3A_751 masked %reduce_min3A_748 : vector<16xi32>, vector<16xi1> -> vector<16xi32>
    %reduce_min3A_753 = arith.xori %reduce_min3A_752, %reduce_min3A_750 : vector<16xi32>
    %reduce_min3A_754 = vector.extract %reduce_min3A_753[15] : i32 from vector<16xi32>
    %broadcast_in_dim3A_755 = arith.constant -3.000000e+38 : f32
    %broadcast_in_dim3A_756 = vector.broadcast %broadcast_in_dim3A_755 : f32 to vector<16xf32>
    %broadcast_in_dim3A_757 = arith.constant 0 : i32
    %broadcast_in_dim3A_758 = vector.broadcast %broadcast_in_dim3A_757 : i32 to vector<16xi32>
    %get3A_759 = arith.constant 0 : i32
    %get3A_760 = arith.index_cast %get3A_759 : i32 to index
    %get3A_761 = arith.constant 0 : index
    %get3A_762 = tpu.vector_load %arg5[%get3A_760, %get3A_761] {strides = array<i32>} : memref<1x1024xf32, #tpu.memory_space<vmem>>, vector<16xf32>,
    %add3A_763 = arith.constant 0 : i32
    %add3A_764 = arith.addi %mul3A_32, %add3A_763 : i32
    %add3A_765 = vector.broadcast %add3A_764 : i32 to vector<16xi32>
    %add3A_766 = arith.addi %iota3A, %add3A_765 : vector<16xi32>
    %eq3A_767 = vector.broadcast %reduce_min3A_754 : i32 to vector<16xi32>
    %eq3A_768 = arith.cmpi eq, %add3A_766, %eq3A_767 : vector<16xi32>
    %jit3A_769 = arith.constant -3.000000e+38 : f32
    %broadcast_in_dim3A_770 = vector.broadcast %jit3A_769 : f32 to vector<16xf32>
    %select_n3A_771 = arith.select %eq3A_768, %broadcast_in_dim3A_770, %get3A_762 : vector<16xi1>, vector<16xf32>
    %gt3A_772 = arith.cmpf ogt, %select_n3A_771, %broadcast_in_dim3A_756 : vector<16xf32>
    %select_n3A_773 = arith.select %gt3A_772, %select_n3A_771, %broadcast_in_dim3A_756 : vector<16xi1>, vector<16xf32>
    %select_n3A_774 = arith.select %gt3A_772, %add3A_766, %broadcast_in_dim3A_758 : vector<16xi1>, vector<16xi32>
    %get3A_775 = arith.constant 0 : i32
    %get3A_776 = arith.index_cast %get3A_775 : i32 to index
    %get3A_777 = arith.constant 16 : index
    %get3A_778 = tpu.vector_load %arg5[%get3A_776, %get3A_777] {strides = array<i32>} : memref<1x1024xf32, #tpu.memory_space<vmem>>, vector<16xf32>,
    %add3A_779 = arith.constant 16 : i32
    %add3A_780 = arith.addi %mul3A_32, %add3A_779 : i32
    %add3A_781 = vector.broadcast %add3A_780 : i32 to vector<16xi32>
    %add3A_782 = arith.addi %iota3A, %add3A_781 : vector<16xi32>
    %eq3A_783 = vector.broadcast %reduce_min3A_754 : i32 to vector<16xi32>
    %eq3A_784 = arith.cmpi eq, %add3A_782, %eq3A_783 : vector<16xi32>
    %jit3A_785 = arith.constant -3.000000e+38 : f32
    %broadcast_in_dim3A_786 = vector.broadcast %jit3A_785 : f32 to vector<16xf32>
    %select_n3A_787 = arith.select %eq3A_784, %broadcast_in_dim3A_786, %get3A_778 : vector<16xi1>, vector<16xf32>
    %gt3A_788 = arith.cmpf ogt, %select_n3A_787, %select_n3A_773 : vector<16xf32>
    %select_n3A_789 = arith.select %gt3A_788, %select_n3A_787, %select_n3A_773 : vector<16xi1>, vector<16xf32>
    %select_n3A_790 = arith.select %gt3A_788, %add3A_782, %select_n3A_774 : vector<16xi1>, vector<16xi32>
    %get3A_791 = arith.constant 0 : i32
    %get3A_792 = arith.index_cast %get3A_791 : i32 to index
    %get3A_793 = arith.constant 32 : index
    %get3A_794 = tpu.vector_load %arg5[%get3A_792, %get3A_793] {strides = array<i32>} : memref<1x1024xf32, #tpu.memory_space<vmem>>, vector<16xf32>,
    %add3A_795 = arith.constant 32 : i32
    %add3A_796 = arith.addi %mul3A_32, %add3A_795 : i32
    %add3A_797 = vector.broadcast %add3A_796 : i32 to vector<16xi32>
    %add3A_798 = arith.addi %iota3A, %add3A_797 : vector<16xi32>
    %eq3A_799 = vector.broadcast %reduce_min3A_754 : i32 to vector<16xi32>
    %eq3A_800 = arith.cmpi eq, %add3A_798, %eq3A_799 : vector<16xi32>
    %jit3A_801 = arith.constant -3.000000e+38 : f32
    %broadcast_in_dim3A_802 = vector.broadcast %jit3A_801 : f32 to vector<16xf32>
    %select_n3A_803 = arith.select %eq3A_800, %broadcast_in_dim3A_802, %get3A_794 : vector<16xi1>, vector<16xf32>
    %gt3A_804 = arith.cmpf ogt, %select_n3A_803, %select_n3A_789 : vector<16xf32>
    %select_n3A_805 = arith.select %gt3A_804, %select_n3A_803, %select_n3A_789 : vector<16xi1>, vector<16xf32>
    %select_n3A_806 = arith.select %gt3A_804, %add3A_798, %select_n3A_790 : vector<16xi1>, vector<16xi32>
    %get3A_807 = arith.constant 0 : i32
    %get3A_808 = arith.index_cast %get3A_807 : i32 to index
    %get3A_809 = arith.constant 48 : index
    %get3A_810 = tpu.vector_load %arg5[%get3A_808, %get3A_809] {strides = array<i32>} : memref<1x1024xf32, #tpu.memory_space<vmem>>, vector<16xf32>,
    %add3A_811 = arith.constant 48 : i32
    %add3A_812 = arith.addi %mul3A_32, %add3A_811 : i32
    %add3A_813 = vector.broadcast %add3A_812 : i32 to vector<16xi32>
    %add3A_814 = arith.addi %iota3A, %add3A_813 : vector<16xi32>
    %eq3A_815 = vector.broadcast %reduce_min3A_754 : i32 to vector<16xi32>
    %eq3A_816 = arith.cmpi eq, %add3A_814, %eq3A_815 : vector<16xi32>
    %jit3A_817 = arith.constant -3.000000e+38 : f32
    %broadcast_in_dim3A_818 = vector.broadcast %jit3A_817 : f32 to vector<16xf32>
    %select_n3A_819 = arith.select %eq3A_816, %broadcast_in_dim3A_818, %get3A_810 : vector<16xi1>, vector<16xf32>
    %gt3A_820 = arith.cmpf ogt, %select_n3A_819, %select_n3A_805 : vector<16xf32>
    %select_n3A_821 = arith.select %gt3A_820, %select_n3A_819, %select_n3A_805 : vector<16xi1>, vector<16xf32>
    %select_n3A_822 = arith.select %gt3A_820, %add3A_814, %select_n3A_806 : vector<16xi1>, vector<16xi32>
    %get3A_823 = arith.constant 0 : i32
    %get3A_824 = arith.index_cast %get3A_823 : i32 to index
    %get3A_825 = arith.constant 64 : index
    %get3A_826 = tpu.vector_load %arg5[%get3A_824, %get3A_825] {strides = array<i32>} : memref<1x1024xf32, #tpu.memory_space<vmem>>, vector<16xf32>,
    %add3A_827 = arith.constant 64 : i32
    %add3A_828 = arith.addi %mul3A_32, %add3A_827 : i32
    %add3A_829 = vector.broadcast %add3A_828 : i32 to vector<16xi32>
    %add3A_830 = arith.addi %iota3A, %add3A_829 : vector<16xi32>
    %eq3A_831 = vector.broadcast %reduce_min3A_754 : i32 to vector<16xi32>
    %eq3A_832 = arith.cmpi eq, %add3A_830, %eq3A_831 : vector<16xi32>
    %jit3A_833 = arith.constant -3.000000e+38 : f32
    %broadcast_in_dim3A_834 = vector.broadcast %jit3A_833 : f32 to vector<16xf32>
    %select_n3A_835 = arith.select %eq3A_832, %broadcast_in_dim3A_834, %get3A_826 : vector<16xi1>, vector<16xf32>
    %gt3A_836 = arith.cmpf ogt, %select_n3A_835, %select_n3A_821 : vector<16xf32>
    %select_n3A_837 = arith.select %gt3A_836, %select_n3A_835, %select_n3A_821 : vector<16xi1>, vector<16xf32>
    %select_n3A_838 = arith.select %gt3A_836, %add3A_830, %select_n3A_822 : vector<16xi1>, vector<16xi32>
    %get3A_839 = arith.constant 0 : i32
    %get3A_840 = arith.index_cast %get3A_839 : i32 to index
    %get3A_841 = arith.constant 80 : index
    %get3A_842 = tpu.vector_load %arg5[%get3A_840, %get3A_841] {strides = array<i32>} : memref<1x1024xf32, #tpu.memory_space<vmem>>, vector<16xf32>,
    %add3A_843 = arith.constant 80 : i32
    %add3A_844 = arith.addi %mul3A_32, %add3A_843 : i32
    %add3A_845 = vector.broadcast %add3A_844 : i32 to vector<16xi32>
    %add3A_846 = arith.addi %iota3A, %add3A_845 : vector<16xi32>
    %eq3A_847 = vector.broadcast %reduce_min3A_754 : i32 to vector<16xi32>
    %eq3A_848 = arith.cmpi eq, %add3A_846, %eq3A_847 : vector<16xi32>
    %jit3A_849 = arith.constant -3.000000e+38 : f32
    %broadcast_in_dim3A_850 = vector.broadcast %jit3A_849 : f32 to vector<16xf32>
    %select_n3A_851 = arith.select %eq3A_848, %broadcast_in_dim3A_850, %get3A_842 : vector<16xi1>, vector<16xf32>
    %gt3A_852 = arith.cmpf ogt, %select_n3A_851, %select_n3A_837 : vector<16xf32>
    %select_n3A_853 = arith.select %gt3A_852, %select_n3A_851, %select_n3A_837 : vector<16xi1>, vector<16xf32>
    %select_n3A_854 = arith.select %gt3A_852, %add3A_846, %select_n3A_838 : vector<16xi1>, vector<16xi32>
    %get3A_855 = arith.constant 0 : i32
    %get3A_856 = arith.index_cast %get3A_855 : i32 to index
    %get3A_857 = arith.constant 96 : index
    %get3A_858 = tpu.vector_load %arg5[%get3A_856, %get3A_857] {strides = array<i32>} : memref<1x1024xf32, #tpu.memory_space<vmem>>, vector<16xf32>,
    %add3A_859 = arith.constant 96 : i32
    %add3A_860 = arith.addi %mul3A_32, %add3A_859 : i32
    %add3A_861 = vector.broadcast %add3A_860 : i32 to vector<16xi32>
    %add3A_862 = arith.addi %iota3A, %add3A_861 : vector<16xi32>
    %eq3A_863 = vector.broadcast %reduce_min3A_754 : i32 to vector<16xi32>
    %eq3A_864 = arith.cmpi eq, %add3A_862, %eq3A_863 : vector<16xi32>
    %jit3A_865 = arith.constant -3.000000e+38 : f32
    %broadcast_in_dim3A_866 = vector.broadcast %jit3A_865 : f32 to vector<16xf32>
    %select_n3A_867 = arith.select %eq3A_864, %broadcast_in_dim3A_866, %get3A_858 : vector<16xi1>, vector<16xf32>
    %gt3A_868 = arith.cmpf ogt, %select_n3A_867, %select_n3A_853 : vector<16xf32>
    %select_n3A_869 = arith.select %gt3A_868, %select_n3A_867, %select_n3A_853 : vector<16xi1>, vector<16xf32>
    %select_n3A_870 = arith.select %gt3A_868, %add3A_862, %select_n3A_854 : vector<16xi1>, vector<16xi32>
    %get3A_871 = arith.constant 0 : i32
    %get3A_872 = arith.index_cast %get3A_871 : i32 to index
    %get3A_873 = arith.constant 112 : index
    %get3A_874 = tpu.vector_load %arg5[%get3A_872, %get3A_873] {strides = array<i32>} : memref<1x1024xf32, #tpu.memory_space<vmem>>, vector<16xf32>,
    %add3A_875 = arith.constant 112 : i32
    %add3A_876 = arith.addi %mul3A_32, %add3A_875 : i32
    %add3A_877 = vector.broadcast %add3A_876 : i32 to vector<16xi32>
    %add3A_878 = arith.addi %iota3A, %add3A_877 : vector<16xi32>
    %eq3A_879 = vector.broadcast %reduce_min3A_754 : i32 to vector<16xi32>
    %eq3A_880 = arith.cmpi eq, %add3A_878, %eq3A_879 : vector<16xi32>
    %jit3A_881 = arith.constant -3.000000e+38 : f32
    %broadcast_in_dim3A_882 = vector.broadcast %jit3A_881 : f32 to vector<16xf32>
    %select_n3A_883 = arith.select %eq3A_880, %broadcast_in_dim3A_882, %get3A_874 : vector<16xi1>, vector<16xf32>
    %gt3A_884 = arith.cmpf ogt, %select_n3A_883, %select_n3A_869 : vector<16xf32>
    %select_n3A_885 = arith.select %gt3A_884, %select_n3A_883, %select_n3A_869 : vector<16xi1>, vector<16xf32>
    %select_n3A_886 = arith.select %gt3A_884, %add3A_878, %select_n3A_870 : vector<16xi1>, vector<16xi32>
    %get3A_887 = arith.constant 0 : i32
    %get3A_888 = arith.index_cast %get3A_887 : i32 to index
    %get3A_889 = arith.constant 128 : index
    %get3A_890 = tpu.vector_load %arg5[%get3A_888, %get3A_889] {strides = array<i32>} : memref<1x1024xf32, #tpu.memory_space<vmem>>, vector<16xf32>,
    %add3A_891 = arith.constant 128 : i32
    %add3A_892 = arith.addi %mul3A_32, %add3A_891 : i32
    %add3A_893 = vector.broadcast %add3A_892 : i32 to vector<16xi32>
    %add3A_894 = arith.addi %iota3A, %add3A_893 : vector<16xi32>
    %eq3A_895 = vector.broadcast %reduce_min3A_754 : i32 to vector<16xi32>
    %eq3A_896 = arith.cmpi eq, %add3A_894, %eq3A_895 : vector<16xi32>
    %jit3A_897 = arith.constant -3.000000e+38 : f32
    %broadcast_in_dim3A_898 = vector.broadcast %jit3A_897 : f32 to vector<16xf32>
    %select_n3A_899 = arith.select %eq3A_896, %broadcast_in_dim3A_898, %get3A_890 : vector<16xi1>, vector<16xf32>
    %gt3A_900 = arith.cmpf ogt, %select_n3A_899, %select_n3A_885 : vector<16xf32>
    %select_n3A_901 = arith.select %gt3A_900, %select_n3A_899, %select_n3A_885 : vector<16xi1>, vector<16xf32>
    %select_n3A_902 = arith.select %gt3A_900, %add3A_894, %select_n3A_886 : vector<16xi1>, vector<16xi32>
    %get3A_903 = arith.constant 0 : i32
    %get3A_904 = arith.index_cast %get3A_903 : i32 to index
    %get3A_905 = arith.constant 144 : index
    %get3A_906 = tpu.vector_load %arg5[%get3A_904, %get3A_905] {strides = array<i32>} : memref<1x1024xf32, #tpu.memory_space<vmem>>, vector<16xf32>,
    %add3A_907 = arith.constant 144 : i32
    %add3A_908 = arith.addi %mul3A_32, %add3A_907 : i32
    %add3A_909 = vector.broadcast %add3A_908 : i32 to vector<16xi32>
    %add3A_910 = arith.addi %iota3A, %add3A_909 : vector<16xi32>
    %eq3A_911 = vector.broadcast %reduce_min3A_754 : i32 to vector<16xi32>
    %eq3A_912 = arith.cmpi eq, %add3A_910, %eq3A_911 : vector<16xi32>
    %jit3A_913 = arith.constant -3.000000e+38 : f32
    %broadcast_in_dim3A_914 = vector.broadcast %jit3A_913 : f32 to vector<16xf32>
    %select_n3A_915 = arith.select %eq3A_912, %broadcast_in_dim3A_914, %get3A_906 : vector<16xi1>, vector<16xf32>
    %gt3A_916 = arith.cmpf ogt, %select_n3A_915, %select_n3A_901 : vector<16xf32>
    %select_n3A_917 = arith.select %gt3A_916, %select_n3A_915, %select_n3A_901 : vector<16xi1>, vector<16xf32>
    %select_n3A_918 = arith.select %gt3A_916, %add3A_910, %select_n3A_902 : vector<16xi1>, vector<16xi32>
    %get3A_919 = arith.constant 0 : i32
    %get3A_920 = arith.index_cast %get3A_919 : i32 to index
    %get3A_921 = arith.constant 160 : index
    %get3A_922 = tpu.vector_load %arg5[%get3A_920, %get3A_921] {strides = array<i32>} : memref<1x1024xf32, #tpu.memory_space<vmem>>, vector<16xf32>,
    %add3A_923 = arith.constant 160 : i32
    %add3A_924 = arith.addi %mul3A_32, %add3A_923 : i32
    %add3A_925 = vector.broadcast %add3A_924 : i32 to vector<16xi32>
    %add3A_926 = arith.addi %iota3A, %add3A_925 : vector<16xi32>
    %eq3A_927 = vector.broadcast %reduce_min3A_754 : i32 to vector<16xi32>
    %eq3A_928 = arith.cmpi eq, %add3A_926, %eq3A_927 : vector<16xi32>
    %jit3A_929 = arith.constant -3.000000e+38 : f32
    %broadcast_in_dim3A_930 = vector.broadcast %jit3A_929 : f32 to vector<16xf32>
    %select_n3A_931 = arith.select %eq3A_928, %broadcast_in_dim3A_930, %get3A_922 : vector<16xi1>, vector<16xf32>
    %gt3A_932 = arith.cmpf ogt, %select_n3A_931, %select_n3A_917 : vector<16xf32>
    %select_n3A_933 = arith.select %gt3A_932, %select_n3A_931, %select_n3A_917 : vector<16xi1>, vector<16xf32>
    %select_n3A_934 = arith.select %gt3A_932, %add3A_926, %select_n3A_918 : vector<16xi1>, vector<16xi32>
    %get3A_935 = arith.constant 0 : i32
    %get3A_936 = arith.index_cast %get3A_935 : i32 to index
    %get3A_937 = arith.constant 176 : index
    %get3A_938 = tpu.vector_load %arg5[%get3A_936, %get3A_937] {strides = array<i32>} : memref<1x1024xf32, #tpu.memory_space<vmem>>, vector<16xf32>,
    %add3A_939 = arith.constant 176 : i32
    %add3A_940 = arith.addi %mul3A_32, %add3A_939 : i32
    %add3A_941 = vector.broadcast %add3A_940 : i32 to vector<16xi32>
    %add3A_942 = arith.addi %iota3A, %add3A_941 : vector<16xi32>
    %eq3A_943 = vector.broadcast %reduce_min3A_754 : i32 to vector<16xi32>
    %eq3A_944 = arith.cmpi eq, %add3A_942, %eq3A_943 : vector<16xi32>
    %jit3A_945 = arith.constant -3.000000e+38 : f32
    %broadcast_in_dim3A_946 = vector.broadcast %jit3A_945 : f32 to vector<16xf32>
    %select_n3A_947 = arith.select %eq3A_944, %broadcast_in_dim3A_946, %get3A_938 : vector<16xi1>, vector<16xf32>
    %gt3A_948 = arith.cmpf ogt, %select_n3A_947, %select_n3A_933 : vector<16xf32>
    %select_n3A_949 = arith.select %gt3A_948, %select_n3A_947, %select_n3A_933 : vector<16xi1>, vector<16xf32>
    %select_n3A_950 = arith.select %gt3A_948, %add3A_942, %select_n3A_934 : vector<16xi1>, vector<16xi32>
    %get3A_951 = arith.constant 0 : i32
    %get3A_952 = arith.index_cast %get3A_951 : i32 to index
    %get3A_953 = arith.constant 192 : index
    %get3A_954 = tpu.vector_load %arg5[%get3A_952, %get3A_953] {strides = array<i32>} : memref<1x1024xf32, #tpu.memory_space<vmem>>, vector<16xf32>,
    %add3A_955 = arith.constant 192 : i32
    %add3A_956 = arith.addi %mul3A_32, %add3A_955 : i32
    %add3A_957 = vector.broadcast %add3A_956 : i32 to vector<16xi32>
    %add3A_958 = arith.addi %iota3A, %add3A_957 : vector<16xi32>
    %eq3A_959 = vector.broadcast %reduce_min3A_754 : i32 to vector<16xi32>
    %eq3A_960 = arith.cmpi eq, %add3A_958, %eq3A_959 : vector<16xi32>
    %jit3A_961 = arith.constant -3.000000e+38 : f32
    %broadcast_in_dim3A_962 = vector.broadcast %jit3A_961 : f32 to vector<16xf32>
    %select_n3A_963 = arith.select %eq3A_960, %broadcast_in_dim3A_962, %get3A_954 : vector<16xi1>, vector<16xf32>
    %gt3A_964 = arith.cmpf ogt, %select_n3A_963, %select_n3A_949 : vector<16xf32>
    %select_n3A_965 = arith.select %gt3A_964, %select_n3A_963, %select_n3A_949 : vector<16xi1>, vector<16xf32>
    %select_n3A_966 = arith.select %gt3A_964, %add3A_958, %select_n3A_950 : vector<16xi1>, vector<16xi32>
    %get3A_967 = arith.constant 0 : i32
    %get3A_968 = arith.index_cast %get3A_967 : i32 to index
    %get3A_969 = arith.constant 208 : index
    %get3A_970 = tpu.vector_load %arg5[%get3A_968, %get3A_969] {strides = array<i32>} : memref<1x1024xf32, #tpu.memory_space<vmem>>, vector<16xf32>,
    %add3A_971 = arith.constant 208 : i32
    %add3A_972 = arith.addi %mul3A_32, %add3A_971 : i32
    %add3A_973 = vector.broadcast %add3A_972 : i32 to vector<16xi32>
    %add3A_974 = arith.addi %iota3A, %add3A_973 : vector<16xi32>
    %eq3A_975 = vector.broadcast %reduce_min3A_754 : i32 to vector<16xi32>
    %eq3A_976 = arith.cmpi eq, %add3A_974, %eq3A_975 : vector<16xi32>
    %jit3A_977 = arith.constant -3.000000e+38 : f32
    %broadcast_in_dim3A_978 = vector.broadcast %jit3A_977 : f32 to vector<16xf32>
    %select_n3A_979 = arith.select %eq3A_976, %broadcast_in_dim3A_978, %get3A_970 : vector<16xi1>, vector<16xf32>
    %gt3A_980 = arith.cmpf ogt, %select_n3A_979, %select_n3A_965 : vector<16xf32>
    %select_n3A_981 = arith.select %gt3A_980, %select_n3A_979, %select_n3A_965 : vector<16xi1>, vector<16xf32>
    %select_n3A_982 = arith.select %gt3A_980, %add3A_974, %select_n3A_966 : vector<16xi1>, vector<16xi32>
    %get3A_983 = arith.constant 0 : i32
    %get3A_984 = arith.index_cast %get3A_983 : i32 to index
    %get3A_985 = arith.constant 224 : index
    %get3A_986 = tpu.vector_load %arg5[%get3A_984, %get3A_985] {strides = array<i32>} : memref<1x1024xf32, #tpu.memory_space<vmem>>, vector<16xf32>,
    %add3A_987 = arith.constant 224 : i32
    %add3A_988 = arith.addi %mul3A_32, %add3A_987 : i32
    %add3A_989 = vector.broadcast %add3A_988 : i32 to vector<16xi32>
    %add3A_990 = arith.addi %iota3A, %add3A_989 : vector<16xi32>
    %eq3A_991 = vector.broadcast %reduce_min3A_754 : i32 to vector<16xi32>
    %eq3A_992 = arith.cmpi eq, %add3A_990, %eq3A_991 : vector<16xi32>
    %jit3A_993 = arith.constant -3.000000e+38 : f32
    %broadcast_in_dim3A_994 = vector.broadcast %jit3A_993 : f32 to vector<16xf32>
    %select_n3A_995 = arith.select %eq3A_992, %broadcast_in_dim3A_994, %get3A_986 : vector<16xi1>, vector<16xf32>
    %gt3A_996 = arith.cmpf ogt, %select_n3A_995, %select_n3A_981 : vector<16xf32>
    %select_n3A_997 = arith.select %gt3A_996, %select_n3A_995, %select_n3A_981 : vector<16xi1>, vector<16xf32>
    %select_n3A_998 = arith.select %gt3A_996, %add3A_990, %select_n3A_982 : vector<16xi1>, vector<16xi32>
    %get3A_999 = arith.constant 0 : i32
    %get3A_1000 = arith.index_cast %get3A_999 : i32 to index
    %get3A_1001 = arith.constant 240 : index
    %get3A_1002 = tpu.vector_load %arg5[%get3A_1000, %get3A_1001] {strides = array<i32>} : memref<1x1024xf32, #tpu.memory_space<vmem>>, vector<16xf32>,
    %add3A_1003 = arith.constant 240 : i32
    %add3A_1004 = arith.addi %mul3A_32, %add3A_1003 : i32
    %add3A_1005 = vector.broadcast %add3A_1004 : i32 to vector<16xi32>
    %add3A_1006 = arith.addi %iota3A, %add3A_1005 : vector<16xi32>
    %eq3A_1007 = vector.broadcast %reduce_min3A_754 : i32 to vector<16xi32>
    %eq3A_1008 = arith.cmpi eq, %add3A_1006, %eq3A_1007 : vector<16xi32>
    %jit3A_1009 = arith.constant -3.000000e+38 : f32
    %broadcast_in_dim3A_1010 = vector.broadcast %jit3A_1009 : f32 to vector<16xf32>
    %select_n3A_1011 = arith.select %eq3A_1008, %broadcast_in_dim3A_1010, %get3A_1002 : vector<16xi1>, vector<16xf32>
    %gt3A_1012 = arith.cmpf ogt, %select_n3A_1011, %select_n3A_997 : vector<16xf32>
    %select_n3A_1013 = arith.select %gt3A_1012, %select_n3A_1011, %select_n3A_997 : vector<16xi1>, vector<16xf32>
    %select_n3A_1014 = arith.select %gt3A_1012, %add3A_1006, %select_n3A_998 : vector<16xi1>, vector<16xi32>
    %get3A_1015 = arith.constant 0 : i32
    %get3A_1016 = arith.index_cast %get3A_1015 : i32 to index
    %get3A_1017 = arith.constant 256 : index
    %get3A_1018 = tpu.vector_load %arg5[%get3A_1016, %get3A_1017] {strides = array<i32>} : memref<1x1024xf32, #tpu.memory_space<vmem>>, vector<16xf32>,
    %add3A_1019 = arith.constant 256 : i32
    %add3A_1020 = arith.addi %mul3A_32, %add3A_1019 : i32
    %add3A_1021 = vector.broadcast %add3A_1020 : i32 to vector<16xi32>
    %add3A_1022 = arith.addi %iota3A, %add3A_1021 : vector<16xi32>
    %eq3A_1023 = vector.broadcast %reduce_min3A_754 : i32 to vector<16xi32>
    %eq3A_1024 = arith.cmpi eq, %add3A_1022, %eq3A_1023 : vector<16xi32>
    %jit3A_1025 = arith.constant -3.000000e+38 : f32
    %broadcast_in_dim3A_1026 = vector.broadcast %jit3A_1025 : f32 to vector<16xf32>
    %select_n3A_1027 = arith.select %eq3A_1024, %broadcast_in_dim3A_1026, %get3A_1018 : vector<16xi1>, vector<16xf32>
    %gt3A_1028 = arith.cmpf ogt, %select_n3A_1027, %select_n3A_1013 : vector<16xf32>
    %select_n3A_1029 = arith.select %gt3A_1028, %select_n3A_1027, %select_n3A_1013 : vector<16xi1>, vector<16xf32>
    %select_n3A_1030 = arith.select %gt3A_1028, %add3A_1022, %select_n3A_1014 : vector<16xi1>, vector<16xi32>
    %get3A_1031 = arith.constant 0 : i32
    %get3A_1032 = arith.index_cast %get3A_1031 : i32 to index
    %get3A_1033 = arith.constant 272 : index
    %get3A_1034 = tpu.vector_load %arg5[%get3A_1032, %get3A_1033] {strides = array<i32>} : memref<1x1024xf32, #tpu.memory_space<vmem>>, vector<16xf32>,
    %add3A_1035 = arith.constant 272 : i32
    %add3A_1036 = arith.addi %mul3A_32, %add3A_1035 : i32
    %add3A_1037 = vector.broadcast %add3A_1036 : i32 to vector<16xi32>
    %add3A_1038 = arith.addi %iota3A, %add3A_1037 : vector<16xi32>
    %eq3A_1039 = vector.broadcast %reduce_min3A_754 : i32 to vector<16xi32>
    %eq3A_1040 = arith.cmpi eq, %add3A_1038, %eq3A_1039 : vector<16xi32>
    %jit3A_1041 = arith.constant -3.000000e+38 : f32
    %broadcast_in_dim3A_1042 = vector.broadcast %jit3A_1041 : f32 to vector<16xf32>
    %select_n3A_1043 = arith.select %eq3A_1040, %broadcast_in_dim3A_1042, %get3A_1034 : vector<16xi1>, vector<16xf32>
    %gt3A_1044 = arith.cmpf ogt, %select_n3A_1043, %select_n3A_1029 : vector<16xf32>
    %select_n3A_1045 = arith.select %gt3A_1044, %select_n3A_1043, %select_n3A_1029 : vector<16xi1>, vector<16xf32>
    %select_n3A_1046 = arith.select %gt3A_1044, %add3A_1038, %select_n3A_1030 : vector<16xi1>, vector<16xi32>
    %get3A_1047 = arith.constant 0 : i32
    %get3A_1048 = arith.index_cast %get3A_1047 : i32 to index
    %get3A_1049 = arith.constant 288 : index
    %get3A_1050 = tpu.vector_load %arg5[%get3A_1048, %get3A_1049] {strides = array<i32>} : memref<1x1024xf32, #tpu.memory_space<vmem>>, vector<16xf32>,
    %add3A_1051 = arith.constant 288 : i32
    %add3A_1052 = arith.addi %mul3A_32, %add3A_1051 : i32
    %add3A_1053 = vector.broadcast %add3A_1052 : i32 to vector<16xi32>
    %add3A_1054 = arith.addi %iota3A, %add3A_1053 : vector<16xi32>
    %eq3A_1055 = vector.broadcast %reduce_min3A_754 : i32 to vector<16xi32>
    %eq3A_1056 = arith.cmpi eq, %add3A_1054, %eq3A_1055 : vector<16xi32>
    %jit3A_1057 = arith.constant -3.000000e+38 : f32
    %broadcast_in_dim3A_1058 = vector.broadcast %jit3A_1057 : f32 to vector<16xf32>
    %select_n3A_1059 = arith.select %eq3A_1056, %broadcast_in_dim3A_1058, %get3A_1050 : vector<16xi1>, vector<16xf32>
    %gt3A_1060 = arith.cmpf ogt, %select_n3A_1059, %select_n3A_1045 : vector<16xf32>
    %select_n3A_1061 = arith.select %gt3A_1060, %select_n3A_1059, %select_n3A_1045 : vector<16xi1>, vector<16xf32>
    %select_n3A_1062 = arith.select %gt3A_1060, %add3A_1054, %select_n3A_1046 : vector<16xi1>, vector<16xi32>
    %get3A_1063 = arith.constant 0 : i32
    %get3A_1064 = arith.index_cast %get3A_1063 : i32 to index
    %get3A_1065 = arith.constant 304 : index
    %get3A_1066 = tpu.vector_load %arg5[%get3A_1064, %get3A_1065] {strides = array<i32>} : memref<1x1024xf32, #tpu.memory_space<vmem>>, vector<16xf32>,
    %add3A_1067 = arith.constant 304 : i32
    %add3A_1068 = arith.addi %mul3A_32, %add3A_1067 : i32
    %add3A_1069 = vector.broadcast %add3A_1068 : i32 to vector<16xi32>
    %add3A_1070 = arith.addi %iota3A, %add3A_1069 : vector<16xi32>
    %eq3A_1071 = vector.broadcast %reduce_min3A_754 : i32 to vector<16xi32>
    %eq3A_1072 = arith.cmpi eq, %add3A_1070, %eq3A_1071 : vector<16xi32>
    %jit3A_1073 = arith.constant -3.000000e+38 : f32
    %broadcast_in_dim3A_1074 = vector.broadcast %jit3A_1073 : f32 to vector<16xf32>
    %select_n3A_1075 = arith.select %eq3A_1072, %broadcast_in_dim3A_1074, %get3A_1066 : vector<16xi1>, vector<16xf32>
    %gt3A_1076 = arith.cmpf ogt, %select_n3A_1075, %select_n3A_1061 : vector<16xf32>
    %select_n3A_1077 = arith.select %gt3A_1076, %select_n3A_1075, %select_n3A_1061 : vector<16xi1>, vector<16xf32>
    %select_n3A_1078 = arith.select %gt3A_1076, %add3A_1070, %select_n3A_1062 : vector<16xi1>, vector<16xi32>
    %get3A_1079 = arith.constant 0 : i32
    %get3A_1080 = arith.index_cast %get3A_1079 : i32 to index
    %get3A_1081 = arith.constant 320 : index
    %get3A_1082 = tpu.vector_load %arg5[%get3A_1080, %get3A_1081] {strides = array<i32>} : memref<1x1024xf32, #tpu.memory_space<vmem>>, vector<16xf32>,
    %add3A_1083 = arith.constant 320 : i32
    %add3A_1084 = arith.addi %mul3A_32, %add3A_1083 : i32
    %add3A_1085 = vector.broadcast %add3A_1084 : i32 to vector<16xi32>
    %add3A_1086 = arith.addi %iota3A, %add3A_1085 : vector<16xi32>
    %eq3A_1087 = vector.broadcast %reduce_min3A_754 : i32 to vector<16xi32>
    %eq3A_1088 = arith.cmpi eq, %add3A_1086, %eq3A_1087 : vector<16xi32>
    %jit3A_1089 = arith.constant -3.000000e+38 : f32
    %broadcast_in_dim3A_1090 = vector.broadcast %jit3A_1089 : f32 to vector<16xf32>
    %select_n3A_1091 = arith.select %eq3A_1088, %broadcast_in_dim3A_1090, %get3A_1082 : vector<16xi1>, vector<16xf32>
    %gt3A_1092 = arith.cmpf ogt, %select_n3A_1091, %select_n3A_1077 : vector<16xf32>
    %select_n3A_1093 = arith.select %gt3A_1092, %select_n3A_1091, %select_n3A_1077 : vector<16xi1>, vector<16xf32>
    %select_n3A_1094 = arith.select %gt3A_1092, %add3A_1086, %select_n3A_1078 : vector<16xi1>, vector<16xi32>
    %get3A_1095 = arith.constant 0 : i32
    %get3A_1096 = arith.index_cast %get3A_1095 : i32 to index
    %get3A_1097 = arith.constant 336 : index
    %get3A_1098 = tpu.vector_load %arg5[%get3A_1096, %get3A_1097] {strides = array<i32>} : memref<1x1024xf32, #tpu.memory_space<vmem>>, vector<16xf32>,
    %add3A_1099 = arith.constant 336 : i32
    %add3A_1100 = arith.addi %mul3A_32, %add3A_1099 : i32
    %add3A_1101 = vector.broadcast %add3A_1100 : i32 to vector<16xi32>
    %add3A_1102 = arith.addi %iota3A, %add3A_1101 : vector<16xi32>
    %eq3A_1103 = vector.broadcast %reduce_min3A_754 : i32 to vector<16xi32>
    %eq3A_1104 = arith.cmpi eq, %add3A_1102, %eq3A_1103 : vector<16xi32>
    %jit3A_1105 = arith.constant -3.000000e+38 : f32
    %broadcast_in_dim3A_1106 = vector.broadcast %jit3A_1105 : f32 to vector<16xf32>
    %select_n3A_1107 = arith.select %eq3A_1104, %broadcast_in_dim3A_1106, %get3A_1098 : vector<16xi1>, vector<16xf32>
    %gt3A_1108 = arith.cmpf ogt, %select_n3A_1107, %select_n3A_1093 : vector<16xf32>
    %select_n3A_1109 = arith.select %gt3A_1108, %select_n3A_1107, %select_n3A_1093 : vector<16xi1>, vector<16xf32>
    %select_n3A_1110 = arith.select %gt3A_1108, %add3A_1102, %select_n3A_1094 : vector<16xi1>, vector<16xi32>
    %get3A_1111 = arith.constant 0 : i32
    %get3A_1112 = arith.index_cast %get3A_1111 : i32 to index
    %get3A_1113 = arith.constant 352 : index
    %get3A_1114 = tpu.vector_load %arg5[%get3A_1112, %get3A_1113] {strides = array<i32>} : memref<1x1024xf32, #tpu.memory_space<vmem>>, vector<16xf32>,
    %add3A_1115 = arith.constant 352 : i32
    %add3A_1116 = arith.addi %mul3A_32, %add3A_1115 : i32
    %add3A_1117 = vector.broadcast %add3A_1116 : i32 to vector<16xi32>
    %add3A_1118 = arith.addi %iota3A, %add3A_1117 : vector<16xi32>
    %eq3A_1119 = vector.broadcast %reduce_min3A_754 : i32 to vector<16xi32>
    %eq3A_1120 = arith.cmpi eq, %add3A_1118, %eq3A_1119 : vector<16xi32>
    %jit3A_1121 = arith.constant -3.000000e+38 : f32
    %broadcast_in_dim3A_1122 = vector.broadcast %jit3A_1121 : f32 to vector<16xf32>
    %select_n3A_1123 = arith.select %eq3A_1120, %broadcast_in_dim3A_1122, %get3A_1114 : vector<16xi1>, vector<16xf32>
    %gt3A_1124 = arith.cmpf ogt, %select_n3A_1123, %select_n3A_1109 : vector<16xf32>
    %select_n3A_1125 = arith.select %gt3A_1124, %select_n3A_1123, %select_n3A_1109 : vector<16xi1>, vector<16xf32>
    %select_n3A_1126 = arith.select %gt3A_1124, %add3A_1118, %select_n3A_1110 : vector<16xi1>, vector<16xi32>
    %get3A_1127 = arith.constant 0 : i32
    %get3A_1128 = arith.index_cast %get3A_1127 : i32 to index
    %get3A_1129 = arith.constant 368 : index
    %get3A_1130 = tpu.vector_load %arg5[%get3A_1128, %get3A_1129] {strides = array<i32>} : memref<1x1024xf32, #tpu.memory_space<vmem>>, vector<16xf32>,
    %add3A_1131 = arith.constant 368 : i32
    %add3A_1132 = arith.addi %mul3A_32, %add3A_1131 : i32
    %add3A_1133 = vector.broadcast %add3A_1132 : i32 to vector<16xi32>
    %add3A_1134 = arith.addi %iota3A, %add3A_1133 : vector<16xi32>
    %eq3A_1135 = vector.broadcast %reduce_min3A_754 : i32 to vector<16xi32>
    %eq3A_1136 = arith.cmpi eq, %add3A_1134, %eq3A_1135 : vector<16xi32>
    %jit3A_1137 = arith.constant -3.000000e+38 : f32
    %broadcast_in_dim3A_1138 = vector.broadcast %jit3A_1137 : f32 to vector<16xf32>
    %select_n3A_1139 = arith.select %eq3A_1136, %broadcast_in_dim3A_1138, %get3A_1130 : vector<16xi1>, vector<16xf32>
    %gt3A_1140 = arith.cmpf ogt, %select_n3A_1139, %select_n3A_1125 : vector<16xf32>
    %select_n3A_1141 = arith.select %gt3A_1140, %select_n3A_1139, %select_n3A_1125 : vector<16xi1>, vector<16xf32>
    %select_n3A_1142 = arith.select %gt3A_1140, %add3A_1134, %select_n3A_1126 : vector<16xi1>, vector<16xi32>
    %get3A_1143 = arith.constant 0 : i32
    %get3A_1144 = arith.index_cast %get3A_1143 : i32 to index
    %get3A_1145 = arith.constant 384 : index
    %get3A_1146 = tpu.vector_load %arg5[%get3A_1144, %get3A_1145] {strides = array<i32>} : memref<1x1024xf32, #tpu.memory_space<vmem>>, vector<16xf32>,
    %add3A_1147 = arith.constant 384 : i32
    %add3A_1148 = arith.addi %mul3A_32, %add3A_1147 : i32
    %add3A_1149 = vector.broadcast %add3A_1148 : i32 to vector<16xi32>
    %add3A_1150 = arith.addi %iota3A, %add3A_1149 : vector<16xi32>
    %eq3A_1151 = vector.broadcast %reduce_min3A_754 : i32 to vector<16xi32>
    %eq3A_1152 = arith.cmpi eq, %add3A_1150, %eq3A_1151 : vector<16xi32>
    %jit3A_1153 = arith.constant -3.000000e+38 : f32
    %broadcast_in_dim3A_1154 = vector.broadcast %jit3A_1153 : f32 to vector<16xf32>
    %select_n3A_1155 = arith.select %eq3A_1152, %broadcast_in_dim3A_1154, %get3A_1146 : vector<16xi1>, vector<16xf32>
    %gt3A_1156 = arith.cmpf ogt, %select_n3A_1155, %select_n3A_1141 : vector<16xf32>
    %select_n3A_1157 = arith.select %gt3A_1156, %select_n3A_1155, %select_n3A_1141 : vector<16xi1>, vector<16xf32>
    %select_n3A_1158 = arith.select %gt3A_1156, %add3A_1150, %select_n3A_1142 : vector<16xi1>, vector<16xi32>
    %get3A_1159 = arith.constant 0 : i32
    %get3A_1160 = arith.index_cast %get3A_1159 : i32 to index
    %get3A_1161 = arith.constant 400 : index
    %get3A_1162 = tpu.vector_load %arg5[%get3A_1160, %get3A_1161] {strides = array<i32>} : memref<1x1024xf32, #tpu.memory_space<vmem>>, vector<16xf32>,
    %add3A_1163 = arith.constant 400 : i32
    %add3A_1164 = arith.addi %mul3A_32, %add3A_1163 : i32
    %add3A_1165 = vector.broadcast %add3A_1164 : i32 to vector<16xi32>
    %add3A_1166 = arith.addi %iota3A, %add3A_1165 : vector<16xi32>
    %eq3A_1167 = vector.broadcast %reduce_min3A_754 : i32 to vector<16xi32>
    %eq3A_1168 = arith.cmpi eq, %add3A_1166, %eq3A_1167 : vector<16xi32>
    %jit3A_1169 = arith.constant -3.000000e+38 : f32
    %broadcast_in_dim3A_1170 = vector.broadcast %jit3A_1169 : f32 to vector<16xf32>
    %select_n3A_1171 = arith.select %eq3A_1168, %broadcast_in_dim3A_1170, %get3A_1162 : vector<16xi1>, vector<16xf32>
    %gt3A_1172 = arith.cmpf ogt, %select_n3A_1171, %select_n3A_1157 : vector<16xf32>
    %select_n3A_1173 = arith.select %gt3A_1172, %select_n3A_1171, %select_n3A_1157 : vector<16xi1>, vector<16xf32>
    %select_n3A_1174 = arith.select %gt3A_1172, %add3A_1166, %select_n3A_1158 : vector<16xi1>, vector<16xi32>
    %get3A_1175 = arith.constant 0 : i32
    %get3A_1176 = arith.index_cast %get3A_1175 : i32 to index
    %get3A_1177 = arith.constant 416 : index
    %get3A_1178 = tpu.vector_load %arg5[%get3A_1176, %get3A_1177] {strides = array<i32>} : memref<1x1024xf32, #tpu.memory_space<vmem>>, vector<16xf32>,
    %add3A_1179 = arith.constant 416 : i32
    %add3A_1180 = arith.addi %mul3A_32, %add3A_1179 : i32
    %add3A_1181 = vector.broadcast %add3A_1180 : i32 to vector<16xi32>
    %add3A_1182 = arith.addi %iota3A, %add3A_1181 : vector<16xi32>
    %eq3A_1183 = vector.broadcast %reduce_min3A_754 : i32 to vector<16xi32>
    %eq3A_1184 = arith.cmpi eq, %add3A_1182, %eq3A_1183 : vector<16xi32>
    %jit3A_1185 = arith.constant -3.000000e+38 : f32
    %broadcast_in_dim3A_1186 = vector.broadcast %jit3A_1185 : f32 to vector<16xf32>
    %select_n3A_1187 = arith.select %eq3A_1184, %broadcast_in_dim3A_1186, %get3A_1178 : vector<16xi1>, vector<16xf32>
    %gt3A_1188 = arith.cmpf ogt, %select_n3A_1187, %select_n3A_1173 : vector<16xf32>
    %select_n3A_1189 = arith.select %gt3A_1188, %select_n3A_1187, %select_n3A_1173 : vector<16xi1>, vector<16xf32>
    %select_n3A_1190 = arith.select %gt3A_1188, %add3A_1182, %select_n3A_1174 : vector<16xi1>, vector<16xi32>
    %get3A_1191 = arith.constant 0 : i32
    %get3A_1192 = arith.index_cast %get3A_1191 : i32 to index
    %get3A_1193 = arith.constant 432 : index
    %get3A_1194 = tpu.vector_load %arg5[%get3A_1192, %get3A_1193] {strides = array<i32>} : memref<1x1024xf32, #tpu.memory_space<vmem>>, vector<16xf32>,
    %add3A_1195 = arith.constant 432 : i32
    %add3A_1196 = arith.addi %mul3A_32, %add3A_1195 : i32
    %add3A_1197 = vector.broadcast %add3A_1196 : i32 to vector<16xi32>
    %add3A_1198 = arith.addi %iota3A, %add3A_1197 : vector<16xi32>
    %eq3A_1199 = vector.broadcast %reduce_min3A_754 : i32 to vector<16xi32>
    %eq3A_1200 = arith.cmpi eq, %add3A_1198, %eq3A_1199 : vector<16xi32>
    %jit3A_1201 = arith.constant -3.000000e+38 : f32
    %broadcast_in_dim3A_1202 = vector.broadcast %jit3A_1201 : f32 to vector<16xf32>
    %select_n3A_1203 = arith.select %eq3A_1200, %broadcast_in_dim3A_1202, %get3A_1194 : vector<16xi1>, vector<16xf32>
    %gt3A_1204 = arith.cmpf ogt, %select_n3A_1203, %select_n3A_1189 : vector<16xf32>
    %select_n3A_1205 = arith.select %gt3A_1204, %select_n3A_1203, %select_n3A_1189 : vector<16xi1>, vector<16xf32>
    %select_n3A_1206 = arith.select %gt3A_1204, %add3A_1198, %select_n3A_1190 : vector<16xi1>, vector<16xi32>
    %get3A_1207 = arith.constant 0 : i32
    %get3A_1208 = arith.index_cast %get3A_1207 : i32 to index
    %get3A_1209 = arith.constant 448 : index
    %get3A_1210 = tpu.vector_load %arg5[%get3A_1208, %get3A_1209] {strides = array<i32>} : memref<1x1024xf32, #tpu.memory_space<vmem>>, vector<16xf32>,
    %add3A_1211 = arith.constant 448 : i32
    %add3A_1212 = arith.addi %mul3A_32, %add3A_1211 : i32
    %add3A_1213 = vector.broadcast %add3A_1212 : i32 to vector<16xi32>
    %add3A_1214 = arith.addi %iota3A, %add3A_1213 : vector<16xi32>
    %eq3A_1215 = vector.broadcast %reduce_min3A_754 : i32 to vector<16xi32>
    %eq3A_1216 = arith.cmpi eq, %add3A_1214, %eq3A_1215 : vector<16xi32>
    %jit3A_1217 = arith.constant -3.000000e+38 : f32
    %broadcast_in_dim3A_1218 = vector.broadcast %jit3A_1217 : f32 to vector<16xf32>
    %select_n3A_1219 = arith.select %eq3A_1216, %broadcast_in_dim3A_1218, %get3A_1210 : vector<16xi1>, vector<16xf32>
    %gt3A_1220 = arith.cmpf ogt, %select_n3A_1219, %select_n3A_1205 : vector<16xf32>
    %select_n3A_1221 = arith.select %gt3A_1220, %select_n3A_1219, %select_n3A_1205 : vector<16xi1>, vector<16xf32>
    %select_n3A_1222 = arith.select %gt3A_1220, %add3A_1214, %select_n3A_1206 : vector<16xi1>, vector<16xi32>
    %get3A_1223 = arith.constant 0 : i32
    %get3A_1224 = arith.index_cast %get3A_1223 : i32 to index
    %get3A_1225 = arith.constant 464 : index
    %get3A_1226 = tpu.vector_load %arg5[%get3A_1224, %get3A_1225] {strides = array<i32>} : memref<1x1024xf32, #tpu.memory_space<vmem>>, vector<16xf32>,
    %add3A_1227 = arith.constant 464 : i32
    %add3A_1228 = arith.addi %mul3A_32, %add3A_1227 : i32
    %add3A_1229 = vector.broadcast %add3A_1228 : i32 to vector<16xi32>
    %add3A_1230 = arith.addi %iota3A, %add3A_1229 : vector<16xi32>
    %eq3A_1231 = vector.broadcast %reduce_min3A_754 : i32 to vector<16xi32>
    %eq3A_1232 = arith.cmpi eq, %add3A_1230, %eq3A_1231 : vector<16xi32>
    %jit3A_1233 = arith.constant -3.000000e+38 : f32
    %broadcast_in_dim3A_1234 = vector.broadcast %jit3A_1233 : f32 to vector<16xf32>
    %select_n3A_1235 = arith.select %eq3A_1232, %broadcast_in_dim3A_1234, %get3A_1226 : vector<16xi1>, vector<16xf32>
    %gt3A_1236 = arith.cmpf ogt, %select_n3A_1235, %select_n3A_1221 : vector<16xf32>
    %select_n3A_1237 = arith.select %gt3A_1236, %select_n3A_1235, %select_n3A_1221 : vector<16xi1>, vector<16xf32>
    %select_n3A_1238 = arith.select %gt3A_1236, %add3A_1230, %select_n3A_1222 : vector<16xi1>, vector<16xi32>
    %get3A_1239 = arith.constant 0 : i32
    %get3A_1240 = arith.index_cast %get3A_1239 : i32 to index
    %get3A_1241 = arith.constant 480 : index
    %get3A_1242 = tpu.vector_load %arg5[%get3A_1240, %get3A_1241] {strides = array<i32>} : memref<1x1024xf32, #tpu.memory_space<vmem>>, vector<16xf32>,
    %add3A_1243 = arith.constant 480 : i32
    %add3A_1244 = arith.addi %mul3A_32, %add3A_1243 : i32
    %add3A_1245 = vector.broadcast %add3A_1244 : i32 to vector<16xi32>
    %add3A_1246 = arith.addi %iota3A, %add3A_1245 : vector<16xi32>
    %eq3A_1247 = vector.broadcast %reduce_min3A_754 : i32 to vector<16xi32>
    %eq3A_1248 = arith.cmpi eq, %add3A_1246, %eq3A_1247 : vector<16xi32>
    %jit3A_1249 = arith.constant -3.000000e+38 : f32
    %broadcast_in_dim3A_1250 = vector.broadcast %jit3A_1249 : f32 to vector<16xf32>
    %select_n3A_1251 = arith.select %eq3A_1248, %broadcast_in_dim3A_1250, %get3A_1242 : vector<16xi1>, vector<16xf32>
    %gt3A_1252 = arith.cmpf ogt, %select_n3A_1251, %select_n3A_1237 : vector<16xf32>
    %select_n3A_1253 = arith.select %gt3A_1252, %select_n3A_1251, %select_n3A_1237 : vector<16xi1>, vector<16xf32>
    %select_n3A_1254 = arith.select %gt3A_1252, %add3A_1246, %select_n3A_1238 : vector<16xi1>, vector<16xi32>
    %get3A_1255 = arith.constant 0 : i32
    %get3A_1256 = arith.index_cast %get3A_1255 : i32 to index
    %get3A_1257 = arith.constant 496 : index
    %get3A_1258 = tpu.vector_load %arg5[%get3A_1256, %get3A_1257] {strides = array<i32>} : memref<1x1024xf32, #tpu.memory_space<vmem>>, vector<16xf32>,
    %add3A_1259 = arith.constant 496 : i32
    %add3A_1260 = arith.addi %mul3A_32, %add3A_1259 : i32
    %add3A_1261 = vector.broadcast %add3A_1260 : i32 to vector<16xi32>
    %add3A_1262 = arith.addi %iota3A, %add3A_1261 : vector<16xi32>
    %eq3A_1263 = vector.broadcast %reduce_min3A_754 : i32 to vector<16xi32>
    %eq3A_1264 = arith.cmpi eq, %add3A_1262, %eq3A_1263 : vector<16xi32>
    %jit3A_1265 = arith.constant -3.000000e+38 : f32
    %broadcast_in_dim3A_1266 = vector.broadcast %jit3A_1265 : f32 to vector<16xf32>
    %select_n3A_1267 = arith.select %eq3A_1264, %broadcast_in_dim3A_1266, %get3A_1258 : vector<16xi1>, vector<16xf32>
    %gt3A_1268 = arith.cmpf ogt, %select_n3A_1267, %select_n3A_1253 : vector<16xf32>
    %select_n3A_1269 = arith.select %gt3A_1268, %select_n3A_1267, %select_n3A_1253 : vector<16xi1>, vector<16xf32>
    %select_n3A_1270 = arith.select %gt3A_1268, %add3A_1262, %select_n3A_1254 : vector<16xi1>, vector<16xi32>
    %get3A_1271 = arith.constant 0 : i32
    %get3A_1272 = arith.index_cast %get3A_1271 : i32 to index
    %get3A_1273 = arith.constant 512 : index
    %get3A_1274 = tpu.vector_load %arg5[%get3A_1272, %get3A_1273] {strides = array<i32>} : memref<1x1024xf32, #tpu.memory_space<vmem>>, vector<16xf32>,
    %add3A_1275 = arith.constant 512 : i32
    %add3A_1276 = arith.addi %mul3A_32, %add3A_1275 : i32
    %add3A_1277 = vector.broadcast %add3A_1276 : i32 to vector<16xi32>
    %add3A_1278 = arith.addi %iota3A, %add3A_1277 : vector<16xi32>
    %eq3A_1279 = vector.broadcast %reduce_min3A_754 : i32 to vector<16xi32>
    %eq3A_1280 = arith.cmpi eq, %add3A_1278, %eq3A_1279 : vector<16xi32>
    %jit3A_1281 = arith.constant -3.000000e+38 : f32
    %broadcast_in_dim3A_1282 = vector.broadcast %jit3A_1281 : f32 to vector<16xf32>
    %select_n3A_1283 = arith.select %eq3A_1280, %broadcast_in_dim3A_1282, %get3A_1274 : vector<16xi1>, vector<16xf32>
    %gt3A_1284 = arith.cmpf ogt, %select_n3A_1283, %select_n3A_1269 : vector<16xf32>
    %select_n3A_1285 = arith.select %gt3A_1284, %select_n3A_1283, %select_n3A_1269 : vector<16xi1>, vector<16xf32>
    %select_n3A_1286 = arith.select %gt3A_1284, %add3A_1278, %select_n3A_1270 : vector<16xi1>, vector<16xi32>
    %get3A_1287 = arith.constant 0 : i32
    %get3A_1288 = arith.index_cast %get3A_1287 : i32 to index
    %get3A_1289 = arith.constant 528 : index
    %get3A_1290 = tpu.vector_load %arg5[%get3A_1288, %get3A_1289] {strides = array<i32>} : memref<1x1024xf32, #tpu.memory_space<vmem>>, vector<16xf32>,
    %add3A_1291 = arith.constant 528 : i32
    %add3A_1292 = arith.addi %mul3A_32, %add3A_1291 : i32
    %add3A_1293 = vector.broadcast %add3A_1292 : i32 to vector<16xi32>
    %add3A_1294 = arith.addi %iota3A, %add3A_1293 : vector<16xi32>
    %eq3A_1295 = vector.broadcast %reduce_min3A_754 : i32 to vector<16xi32>
    %eq3A_1296 = arith.cmpi eq, %add3A_1294, %eq3A_1295 : vector<16xi32>
    %jit3A_1297 = arith.constant -3.000000e+38 : f32
    %broadcast_in_dim3A_1298 = vector.broadcast %jit3A_1297 : f32 to vector<16xf32>
    %select_n3A_1299 = arith.select %eq3A_1296, %broadcast_in_dim3A_1298, %get3A_1290 : vector<16xi1>, vector<16xf32>
    %gt3A_1300 = arith.cmpf ogt, %select_n3A_1299, %select_n3A_1285 : vector<16xf32>
    %select_n3A_1301 = arith.select %gt3A_1300, %select_n3A_1299, %select_n3A_1285 : vector<16xi1>, vector<16xf32>
    %select_n3A_1302 = arith.select %gt3A_1300, %add3A_1294, %select_n3A_1286 : vector<16xi1>, vector<16xi32>
    %get3A_1303 = arith.constant 0 : i32
    %get3A_1304 = arith.index_cast %get3A_1303 : i32 to index
    %get3A_1305 = arith.constant 544 : index
    %get3A_1306 = tpu.vector_load %arg5[%get3A_1304, %get3A_1305] {strides = array<i32>} : memref<1x1024xf32, #tpu.memory_space<vmem>>, vector<16xf32>,
    %add3A_1307 = arith.constant 544 : i32
    %add3A_1308 = arith.addi %mul3A_32, %add3A_1307 : i32
    %add3A_1309 = vector.broadcast %add3A_1308 : i32 to vector<16xi32>
    %add3A_1310 = arith.addi %iota3A, %add3A_1309 : vector<16xi32>
    %eq3A_1311 = vector.broadcast %reduce_min3A_754 : i32 to vector<16xi32>
    %eq3A_1312 = arith.cmpi eq, %add3A_1310, %eq3A_1311 : vector<16xi32>
    %jit3A_1313 = arith.constant -3.000000e+38 : f32
    %broadcast_in_dim3A_1314 = vector.broadcast %jit3A_1313 : f32 to vector<16xf32>
    %select_n3A_1315 = arith.select %eq3A_1312, %broadcast_in_dim3A_1314, %get3A_1306 : vector<16xi1>, vector<16xf32>
    %gt3A_1316 = arith.cmpf ogt, %select_n3A_1315, %select_n3A_1301 : vector<16xf32>
    %select_n3A_1317 = arith.select %gt3A_1316, %select_n3A_1315, %select_n3A_1301 : vector<16xi1>, vector<16xf32>
    %select_n3A_1318 = arith.select %gt3A_1316, %add3A_1310, %select_n3A_1302 : vector<16xi1>, vector<16xi32>
    %get3A_1319 = arith.constant 0 : i32
    %get3A_1320 = arith.index_cast %get3A_1319 : i32 to index
    %get3A_1321 = arith.constant 560 : index
    %get3A_1322 = tpu.vector_load %arg5[%get3A_1320, %get3A_1321] {strides = array<i32>} : memref<1x1024xf32, #tpu.memory_space<vmem>>, vector<16xf32>,
    %add3A_1323 = arith.constant 560 : i32
    %add3A_1324 = arith.addi %mul3A_32, %add3A_1323 : i32
    %add3A_1325 = vector.broadcast %add3A_1324 : i32 to vector<16xi32>
    %add3A_1326 = arith.addi %iota3A, %add3A_1325 : vector<16xi32>
    %eq3A_1327 = vector.broadcast %reduce_min3A_754 : i32 to vector<16xi32>
    %eq3A_1328 = arith.cmpi eq, %add3A_1326, %eq3A_1327 : vector<16xi32>
    %jit3A_1329 = arith.constant -3.000000e+38 : f32
    %broadcast_in_dim3A_1330 = vector.broadcast %jit3A_1329 : f32 to vector<16xf32>
    %select_n3A_1331 = arith.select %eq3A_1328, %broadcast_in_dim3A_1330, %get3A_1322 : vector<16xi1>, vector<16xf32>
    %gt3A_1332 = arith.cmpf ogt, %select_n3A_1331, %select_n3A_1317 : vector<16xf32>
    %select_n3A_1333 = arith.select %gt3A_1332, %select_n3A_1331, %select_n3A_1317 : vector<16xi1>, vector<16xf32>
    %select_n3A_1334 = arith.select %gt3A_1332, %add3A_1326, %select_n3A_1318 : vector<16xi1>, vector<16xi32>
    %get3A_1335 = arith.constant 0 : i32
    %get3A_1336 = arith.index_cast %get3A_1335 : i32 to index
    %get3A_1337 = arith.constant 576 : index
    %get3A_1338 = tpu.vector_load %arg5[%get3A_1336, %get3A_1337] {strides = array<i32>} : memref<1x1024xf32, #tpu.memory_space<vmem>>, vector<16xf32>,
    %add3A_1339 = arith.constant 576 : i32
    %add3A_1340 = arith.addi %mul3A_32, %add3A_1339 : i32
    %add3A_1341 = vector.broadcast %add3A_1340 : i32 to vector<16xi32>
    %add3A_1342 = arith.addi %iota3A, %add3A_1341 : vector<16xi32>
    %eq3A_1343 = vector.broadcast %reduce_min3A_754 : i32 to vector<16xi32>
    %eq3A_1344 = arith.cmpi eq, %add3A_1342, %eq3A_1343 : vector<16xi32>
    %jit3A_1345 = arith.constant -3.000000e+38 : f32
    %broadcast_in_dim3A_1346 = vector.broadcast %jit3A_1345 : f32 to vector<16xf32>
    %select_n3A_1347 = arith.select %eq3A_1344, %broadcast_in_dim3A_1346, %get3A_1338 : vector<16xi1>, vector<16xf32>
    %gt3A_1348 = arith.cmpf ogt, %select_n3A_1347, %select_n3A_1333 : vector<16xf32>
    %select_n3A_1349 = arith.select %gt3A_1348, %select_n3A_1347, %select_n3A_1333 : vector<16xi1>, vector<16xf32>
    %select_n3A_1350 = arith.select %gt3A_1348, %add3A_1342, %select_n3A_1334 : vector<16xi1>, vector<16xi32>
    %get3A_1351 = arith.constant 0 : i32
    %get3A_1352 = arith.index_cast %get3A_1351 : i32 to index
    %get3A_1353 = arith.constant 592 : index
    %get3A_1354 = tpu.vector_load %arg5[%get3A_1352, %get3A_1353] {strides = array<i32>} : memref<1x1024xf32, #tpu.memory_space<vmem>>, vector<16xf32>,
    %add3A_1355 = arith.constant 592 : i32
    %add3A_1356 = arith.addi %mul3A_32, %add3A_1355 : i32
    %add3A_1357 = vector.broadcast %add3A_1356 : i32 to vector<16xi32>
    %add3A_1358 = arith.addi %iota3A, %add3A_1357 : vector<16xi32>
    %eq3A_1359 = vector.broadcast %reduce_min3A_754 : i32 to vector<16xi32>
    %eq3A_1360 = arith.cmpi eq, %add3A_1358, %eq3A_1359 : vector<16xi32>
    %jit3A_1361 = arith.constant -3.000000e+38 : f32
    %broadcast_in_dim3A_1362 = vector.broadcast %jit3A_1361 : f32 to vector<16xf32>
    %select_n3A_1363 = arith.select %eq3A_1360, %broadcast_in_dim3A_1362, %get3A_1354 : vector<16xi1>, vector<16xf32>
    %gt3A_1364 = arith.cmpf ogt, %select_n3A_1363, %select_n3A_1349 : vector<16xf32>
    %select_n3A_1365 = arith.select %gt3A_1364, %select_n3A_1363, %select_n3A_1349 : vector<16xi1>, vector<16xf32>
    %select_n3A_1366 = arith.select %gt3A_1364, %add3A_1358, %select_n3A_1350 : vector<16xi1>, vector<16xi32>
    %get3A_1367 = arith.constant 0 : i32
    %get3A_1368 = arith.index_cast %get3A_1367 : i32 to index
    %get3A_1369 = arith.constant 608 : index
    %get3A_1370 = tpu.vector_load %arg5[%get3A_1368, %get3A_1369] {strides = array<i32>} : memref<1x1024xf32, #tpu.memory_space<vmem>>, vector<16xf32>,
    %add3A_1371 = arith.constant 608 : i32
    %add3A_1372 = arith.addi %mul3A_32, %add3A_1371 : i32
    %add3A_1373 = vector.broadcast %add3A_1372 : i32 to vector<16xi32>
    %add3A_1374 = arith.addi %iota3A, %add3A_1373 : vector<16xi32>
    %eq3A_1375 = vector.broadcast %reduce_min3A_754 : i32 to vector<16xi32>
    %eq3A_1376 = arith.cmpi eq, %add3A_1374, %eq3A_1375 : vector<16xi32>
    %jit3A_1377 = arith.constant -3.000000e+38 : f32
    %broadcast_in_dim3A_1378 = vector.broadcast %jit3A_1377 : f32 to vector<16xf32>
    %select_n3A_1379 = arith.select %eq3A_1376, %broadcast_in_dim3A_1378, %get3A_1370 : vector<16xi1>, vector<16xf32>
    %gt3A_1380 = arith.cmpf ogt, %select_n3A_1379, %select_n3A_1365 : vector<16xf32>
    %select_n3A_1381 = arith.select %gt3A_1380, %select_n3A_1379, %select_n3A_1365 : vector<16xi1>, vector<16xf32>
    %select_n3A_1382 = arith.select %gt3A_1380, %add3A_1374, %select_n3A_1366 : vector<16xi1>, vector<16xi32>
    %get3A_1383 = arith.constant 0 : i32
    %get3A_1384 = arith.index_cast %get3A_1383 : i32 to index
    %get3A_1385 = arith.constant 624 : index
    %get3A_1386 = tpu.vector_load %arg5[%get3A_1384, %get3A_1385] {strides = array<i32>} : memref<1x1024xf32, #tpu.memory_space<vmem>>, vector<16xf32>,
    %add3A_1387 = arith.constant 624 : i32
    %add3A_1388 = arith.addi %mul3A_32, %add3A_1387 : i32
    %add3A_1389 = vector.broadcast %add3A_1388 : i32 to vector<16xi32>
    %add3A_1390 = arith.addi %iota3A, %add3A_1389 : vector<16xi32>
    %eq3A_1391 = vector.broadcast %reduce_min3A_754 : i32 to vector<16xi32>
    %eq3A_1392 = arith.cmpi eq, %add3A_1390, %eq3A_1391 : vector<16xi32>
    %jit3A_1393 = arith.constant -3.000000e+38 : f32
    %broadcast_in_dim3A_1394 = vector.broadcast %jit3A_1393 : f32 to vector<16xf32>
    %select_n3A_1395 = arith.select %eq3A_1392, %broadcast_in_dim3A_1394, %get3A_1386 : vector<16xi1>, vector<16xf32>
    %gt3A_1396 = arith.cmpf ogt, %select_n3A_1395, %select_n3A_1381 : vector<16xf32>
    %select_n3A_1397 = arith.select %gt3A_1396, %select_n3A_1395, %select_n3A_1381 : vector<16xi1>, vector<16xf32>
    %select_n3A_1398 = arith.select %gt3A_1396, %add3A_1390, %select_n3A_1382 : vector<16xi1>, vector<16xi32>
    %get3A_1399 = arith.constant 0 : i32
    %get3A_1400 = arith.index_cast %get3A_1399 : i32 to index
    %get3A_1401 = arith.constant 640 : index
    %get3A_1402 = tpu.vector_load %arg5[%get3A_1400, %get3A_1401] {strides = array<i32>} : memref<1x1024xf32, #tpu.memory_space<vmem>>, vector<16xf32>,
    %add3A_1403 = arith.constant 640 : i32
    %add3A_1404 = arith.addi %mul3A_32, %add3A_1403 : i32
    %add3A_1405 = vector.broadcast %add3A_1404 : i32 to vector<16xi32>
    %add3A_1406 = arith.addi %iota3A, %add3A_1405 : vector<16xi32>
    %eq3A_1407 = vector.broadcast %reduce_min3A_754 : i32 to vector<16xi32>
    %eq3A_1408 = arith.cmpi eq, %add3A_1406, %eq3A_1407 : vector<16xi32>
    %jit3A_1409 = arith.constant -3.000000e+38 : f32
    %broadcast_in_dim3A_1410 = vector.broadcast %jit3A_1409 : f32 to vector<16xf32>
    %select_n3A_1411 = arith.select %eq3A_1408, %broadcast_in_dim3A_1410, %get3A_1402 : vector<16xi1>, vector<16xf32>
    %gt3A_1412 = arith.cmpf ogt, %select_n3A_1411, %select_n3A_1397 : vector<16xf32>
    %select_n3A_1413 = arith.select %gt3A_1412, %select_n3A_1411, %select_n3A_1397 : vector<16xi1>, vector<16xf32>
    %select_n3A_1414 = arith.select %gt3A_1412, %add3A_1406, %select_n3A_1398 : vector<16xi1>, vector<16xi32>
    %get3A_1415 = arith.constant 0 : i32
    %get3A_1416 = arith.index_cast %get3A_1415 : i32 to index
    %get3A_1417 = arith.constant 656 : index
    %get3A_1418 = tpu.vector_load %arg5[%get3A_1416, %get3A_1417] {strides = array<i32>} : memref<1x1024xf32, #tpu.memory_space<vmem>>, vector<16xf32>,
    %add3A_1419 = arith.constant 656 : i32
    %add3A_1420 = arith.addi %mul3A_32, %add3A_1419 : i32
    %add3A_1421 = vector.broadcast %add3A_1420 : i32 to vector<16xi32>
    %add3A_1422 = arith.addi %iota3A, %add3A_1421 : vector<16xi32>
    %eq3A_1423 = vector.broadcast %reduce_min3A_754 : i32 to vector<16xi32>
    %eq3A_1424 = arith.cmpi eq, %add3A_1422, %eq3A_1423 : vector<16xi32>
    %jit3A_1425 = arith.constant -3.000000e+38 : f32
    %broadcast_in_dim3A_1426 = vector.broadcast %jit3A_1425 : f32 to vector<16xf32>
    %select_n3A_1427 = arith.select %eq3A_1424, %broadcast_in_dim3A_1426, %get3A_1418 : vector<16xi1>, vector<16xf32>
    %gt3A_1428 = arith.cmpf ogt, %select_n3A_1427, %select_n3A_1413 : vector<16xf32>
    %select_n3A_1429 = arith.select %gt3A_1428, %select_n3A_1427, %select_n3A_1413 : vector<16xi1>, vector<16xf32>
    %select_n3A_1430 = arith.select %gt3A_1428, %add3A_1422, %select_n3A_1414 : vector<16xi1>, vector<16xi32>
    %get3A_1431 = arith.constant 0 : i32
    %get3A_1432 = arith.index_cast %get3A_1431 : i32 to index
    %get3A_1433 = arith.constant 672 : index
    %get3A_1434 = tpu.vector_load %arg5[%get3A_1432, %get3A_1433] {strides = array<i32>} : memref<1x1024xf32, #tpu.memory_space<vmem>>, vector<16xf32>,
    %add3A_1435 = arith.constant 672 : i32
    %add3A_1436 = arith.addi %mul3A_32, %add3A_1435 : i32
    %add3A_1437 = vector.broadcast %add3A_1436 : i32 to vector<16xi32>
    %add3A_1438 = arith.addi %iota3A, %add3A_1437 : vector<16xi32>
    %eq3A_1439 = vector.broadcast %reduce_min3A_754 : i32 to vector<16xi32>
    %eq3A_1440 = arith.cmpi eq, %add3A_1438, %eq3A_1439 : vector<16xi32>
    %jit3A_1441 = arith.constant -3.000000e+38 : f32
    %broadcast_in_dim3A_1442 = vector.broadcast %jit3A_1441 : f32 to vector<16xf32>
    %select_n3A_1443 = arith.select %eq3A_1440, %broadcast_in_dim3A_1442, %get3A_1434 : vector<16xi1>, vector<16xf32>
    %gt3A_1444 = arith.cmpf ogt, %select_n3A_1443, %select_n3A_1429 : vector<16xf32>
    %select_n3A_1445 = arith.select %gt3A_1444, %select_n3A_1443, %select_n3A_1429 : vector<16xi1>, vector<16xf32>
    %select_n3A_1446 = arith.select %gt3A_1444, %add3A_1438, %select_n3A_1430 : vector<16xi1>, vector<16xi32>
    %get3A_1447 = arith.constant 0 : i32
    %get3A_1448 = arith.index_cast %get3A_1447 : i32 to index
    %get3A_1449 = arith.constant 688 : index
    %get3A_1450 = tpu.vector_load %arg5[%get3A_1448, %get3A_1449] {strides = array<i32>} : memref<1x1024xf32, #tpu.memory_space<vmem>>, vector<16xf32>,
    %add3A_1451 = arith.constant 688 : i32
    %add3A_1452 = arith.addi %mul3A_32, %add3A_1451 : i32
    %add3A_1453 = vector.broadcast %add3A_1452 : i32 to vector<16xi32>
    %add3A_1454 = arith.addi %iota3A, %add3A_1453 : vector<16xi32>
    %eq3A_1455 = vector.broadcast %reduce_min3A_754 : i32 to vector<16xi32>
    %eq3A_1456 = arith.cmpi eq, %add3A_1454, %eq3A_1455 : vector<16xi32>
    %jit3A_1457 = arith.constant -3.000000e+38 : f32
    %broadcast_in_dim3A_1458 = vector.broadcast %jit3A_1457 : f32 to vector<16xf32>
    %select_n3A_1459 = arith.select %eq3A_1456, %broadcast_in_dim3A_1458, %get3A_1450 : vector<16xi1>, vector<16xf32>
    %gt3A_1460 = arith.cmpf ogt, %select_n3A_1459, %select_n3A_1445 : vector<16xf32>
    %select_n3A_1461 = arith.select %gt3A_1460, %select_n3A_1459, %select_n3A_1445 : vector<16xi1>, vector<16xf32>
    %select_n3A_1462 = arith.select %gt3A_1460, %add3A_1454, %select_n3A_1446 : vector<16xi1>, vector<16xi32>
    %get3A_1463 = arith.constant 0 : i32
    %get3A_1464 = arith.index_cast %get3A_1463 : i32 to index
    %get3A_1465 = arith.constant 704 : index
    %get3A_1466 = tpu.vector_load %arg5[%get3A_1464, %get3A_1465] {strides = array<i32>} : memref<1x1024xf32, #tpu.memory_space<vmem>>, vector<16xf32>,
    %add3A_1467 = arith.constant 704 : i32
    %add3A_1468 = arith.addi %mul3A_32, %add3A_1467 : i32
    %add3A_1469 = vector.broadcast %add3A_1468 : i32 to vector<16xi32>
    %add3A_1470 = arith.addi %iota3A, %add3A_1469 : vector<16xi32>
    %eq3A_1471 = vector.broadcast %reduce_min3A_754 : i32 to vector<16xi32>
    %eq3A_1472 = arith.cmpi eq, %add3A_1470, %eq3A_1471 : vector<16xi32>
    %jit3A_1473 = arith.constant -3.000000e+38 : f32
    %broadcast_in_dim3A_1474 = vector.broadcast %jit3A_1473 : f32 to vector<16xf32>
    %select_n3A_1475 = arith.select %eq3A_1472, %broadcast_in_dim3A_1474, %get3A_1466 : vector<16xi1>, vector<16xf32>
    %gt3A_1476 = arith.cmpf ogt, %select_n3A_1475, %select_n3A_1461 : vector<16xf32>
    %select_n3A_1477 = arith.select %gt3A_1476, %select_n3A_1475, %select_n3A_1461 : vector<16xi1>, vector<16xf32>
    %select_n3A_1478 = arith.select %gt3A_1476, %add3A_1470, %select_n3A_1462 : vector<16xi1>, vector<16xi32>
    %get3A_1479 = arith.constant 0 : i32
    %get3A_1480 = arith.index_cast %get3A_1479 : i32 to index
    %get3A_1481 = arith.constant 720 : index
    %get3A_1482 = tpu.vector_load %arg5[%get3A_1480, %get3A_1481] {strides = array<i32>} : memref<1x1024xf32, #tpu.memory_space<vmem>>, vector<16xf32>,
    %add3A_1483 = arith.constant 720 : i32
    %add3A_1484 = arith.addi %mul3A_32, %add3A_1483 : i32
    %add3A_1485 = vector.broadcast %add3A_1484 : i32 to vector<16xi32>
    %add3A_1486 = arith.addi %iota3A, %add3A_1485 : vector<16xi32>
    %eq3A_1487 = vector.broadcast %reduce_min3A_754 : i32 to vector<16xi32>
    %eq3A_1488 = arith.cmpi eq, %add3A_1486, %eq3A_1487 : vector<16xi32>
    %jit3A_1489 = arith.constant -3.000000e+38 : f32
    %broadcast_in_dim3A_1490 = vector.broadcast %jit3A_1489 : f32 to vector<16xf32>
    %select_n3A_1491 = arith.select %eq3A_1488, %broadcast_in_dim3A_1490, %get3A_1482 : vector<16xi1>, vector<16xf32>
    %gt3A_1492 = arith.cmpf ogt, %select_n3A_1491, %select_n3A_1477 : vector<16xf32>
    %select_n3A_1493 = arith.select %gt3A_1492, %select_n3A_1491, %select_n3A_1477 : vector<16xi1>, vector<16xf32>
    %select_n3A_1494 = arith.select %gt3A_1492, %add3A_1486, %select_n3A_1478 : vector<16xi1>, vector<16xi32>
    %get3A_1495 = arith.constant 0 : i32
    %get3A_1496 = arith.index_cast %get3A_1495 : i32 to index
    %get3A_1497 = arith.constant 736 : index
    %get3A_1498 = tpu.vector_load %arg5[%get3A_1496, %get3A_1497] {strides = array<i32>} : memref<1x1024xf32, #tpu.memory_space<vmem>>, vector<16xf32>,
    %add3A_1499 = arith.constant 736 : i32
    %add3A_1500 = arith.addi %mul3A_32, %add3A_1499 : i32
    %add3A_1501 = vector.broadcast %add3A_1500 : i32 to vector<16xi32>
    %add3A_1502 = arith.addi %iota3A, %add3A_1501 : vector<16xi32>
    %eq3A_1503 = vector.broadcast %reduce_min3A_754 : i32 to vector<16xi32>
    %eq3A_1504 = arith.cmpi eq, %add3A_1502, %eq3A_1503 : vector<16xi32>
    %jit3A_1505 = arith.constant -3.000000e+38 : f32
    %broadcast_in_dim3A_1506 = vector.broadcast %jit3A_1505 : f32 to vector<16xf32>
    %select_n3A_1507 = arith.select %eq3A_1504, %broadcast_in_dim3A_1506, %get3A_1498 : vector<16xi1>, vector<16xf32>
    %gt3A_1508 = arith.cmpf ogt, %select_n3A_1507, %select_n3A_1493 : vector<16xf32>
    %select_n3A_1509 = arith.select %gt3A_1508, %select_n3A_1507, %select_n3A_1493 : vector<16xi1>, vector<16xf32>
    %select_n3A_1510 = arith.select %gt3A_1508, %add3A_1502, %select_n3A_1494 : vector<16xi1>, vector<16xi32>
    %get3A_1511 = arith.constant 0 : i32
    %get3A_1512 = arith.index_cast %get3A_1511 : i32 to index
    %get3A_1513 = arith.constant 752 : index
    %get3A_1514 = tpu.vector_load %arg5[%get3A_1512, %get3A_1513] {strides = array<i32>} : memref<1x1024xf32, #tpu.memory_space<vmem>>, vector<16xf32>,
    %add3A_1515 = arith.constant 752 : i32
    %add3A_1516 = arith.addi %mul3A_32, %add3A_1515 : i32
    %add3A_1517 = vector.broadcast %add3A_1516 : i32 to vector<16xi32>
    %add3A_1518 = arith.addi %iota3A, %add3A_1517 : vector<16xi32>
    %eq3A_1519 = vector.broadcast %reduce_min3A_754 : i32 to vector<16xi32>
    %eq3A_1520 = arith.cmpi eq, %add3A_1518, %eq3A_1519 : vector<16xi32>
    %jit3A_1521 = arith.constant -3.000000e+38 : f32
    %broadcast_in_dim3A_1522 = vector.broadcast %jit3A_1521 : f32 to vector<16xf32>
    %select_n3A_1523 = arith.select %eq3A_1520, %broadcast_in_dim3A_1522, %get3A_1514 : vector<16xi1>, vector<16xf32>
    %gt3A_1524 = arith.cmpf ogt, %select_n3A_1523, %select_n3A_1509 : vector<16xf32>
    %select_n3A_1525 = arith.select %gt3A_1524, %select_n3A_1523, %select_n3A_1509 : vector<16xi1>, vector<16xf32>
    %select_n3A_1526 = arith.select %gt3A_1524, %add3A_1518, %select_n3A_1510 : vector<16xi1>, vector<16xi32>
    %get3A_1527 = arith.constant 0 : i32
    %get3A_1528 = arith.index_cast %get3A_1527 : i32 to index
    %get3A_1529 = arith.constant 768 : index
    %get3A_1530 = tpu.vector_load %arg5[%get3A_1528, %get3A_1529] {strides = array<i32>} : memref<1x1024xf32, #tpu.memory_space<vmem>>, vector<16xf32>,
    %add3A_1531 = arith.constant 768 : i32
    %add3A_1532 = arith.addi %mul3A_32, %add3A_1531 : i32
    %add3A_1533 = vector.broadcast %add3A_1532 : i32 to vector<16xi32>
    %add3A_1534 = arith.addi %iota3A, %add3A_1533 : vector<16xi32>
    %eq3A_1535 = vector.broadcast %reduce_min3A_754 : i32 to vector<16xi32>
    %eq3A_1536 = arith.cmpi eq, %add3A_1534, %eq3A_1535 : vector<16xi32>
    %jit3A_1537 = arith.constant -3.000000e+38 : f32
    %broadcast_in_dim3A_1538 = vector.broadcast %jit3A_1537 : f32 to vector<16xf32>
    %select_n3A_1539 = arith.select %eq3A_1536, %broadcast_in_dim3A_1538, %get3A_1530 : vector<16xi1>, vector<16xf32>
    %gt3A_1540 = arith.cmpf ogt, %select_n3A_1539, %select_n3A_1525 : vector<16xf32>
    %select_n3A_1541 = arith.select %gt3A_1540, %select_n3A_1539, %select_n3A_1525 : vector<16xi1>, vector<16xf32>
    %select_n3A_1542 = arith.select %gt3A_1540, %add3A_1534, %select_n3A_1526 : vector<16xi1>, vector<16xi32>
    %get3A_1543 = arith.constant 0 : i32
    %get3A_1544 = arith.index_cast %get3A_1543 : i32 to index
    %get3A_1545 = arith.constant 784 : index
    %get3A_1546 = tpu.vector_load %arg5[%get3A_1544, %get3A_1545] {strides = array<i32>} : memref<1x1024xf32, #tpu.memory_space<vmem>>, vector<16xf32>,
    %add3A_1547 = arith.constant 784 : i32
    %add3A_1548 = arith.addi %mul3A_32, %add3A_1547 : i32
    %add3A_1549 = vector.broadcast %add3A_1548 : i32 to vector<16xi32>
    %add3A_1550 = arith.addi %iota3A, %add3A_1549 : vector<16xi32>
    %eq3A_1551 = vector.broadcast %reduce_min3A_754 : i32 to vector<16xi32>
    %eq3A_1552 = arith.cmpi eq, %add3A_1550, %eq3A_1551 : vector<16xi32>
    %jit3A_1553 = arith.constant -3.000000e+38 : f32
    %broadcast_in_dim3A_1554 = vector.broadcast %jit3A_1553 : f32 to vector<16xf32>
    %select_n3A_1555 = arith.select %eq3A_1552, %broadcast_in_dim3A_1554, %get3A_1546 : vector<16xi1>, vector<16xf32>
    %gt3A_1556 = arith.cmpf ogt, %select_n3A_1555, %select_n3A_1541 : vector<16xf32>
    %select_n3A_1557 = arith.select %gt3A_1556, %select_n3A_1555, %select_n3A_1541 : vector<16xi1>, vector<16xf32>
    %select_n3A_1558 = arith.select %gt3A_1556, %add3A_1550, %select_n3A_1542 : vector<16xi1>, vector<16xi32>
    %get3A_1559 = arith.constant 0 : i32
    %get3A_1560 = arith.index_cast %get3A_1559 : i32 to index
    %get3A_1561 = arith.constant 800 : index
    %get3A_1562 = tpu.vector_load %arg5[%get3A_1560, %get3A_1561] {strides = array<i32>} : memref<1x1024xf32, #tpu.memory_space<vmem>>, vector<16xf32>,
    %add3A_1563 = arith.constant 800 : i32
    %add3A_1564 = arith.addi %mul3A_32, %add3A_1563 : i32
    %add3A_1565 = vector.broadcast %add3A_1564 : i32 to vector<16xi32>
    %add3A_1566 = arith.addi %iota3A, %add3A_1565 : vector<16xi32>
    %eq3A_1567 = vector.broadcast %reduce_min3A_754 : i32 to vector<16xi32>
    %eq3A_1568 = arith.cmpi eq, %add3A_1566, %eq3A_1567 : vector<16xi32>
    %jit3A_1569 = arith.constant -3.000000e+38 : f32
    %broadcast_in_dim3A_1570 = vector.broadcast %jit3A_1569 : f32 to vector<16xf32>
    %select_n3A_1571 = arith.select %eq3A_1568, %broadcast_in_dim3A_1570, %get3A_1562 : vector<16xi1>, vector<16xf32>
    %gt3A_1572 = arith.cmpf ogt, %select_n3A_1571, %select_n3A_1557 : vector<16xf32>
    %select_n3A_1573 = arith.select %gt3A_1572, %select_n3A_1571, %select_n3A_1557 : vector<16xi1>, vector<16xf32>
    %select_n3A_1574 = arith.select %gt3A_1572, %add3A_1566, %select_n3A_1558 : vector<16xi1>, vector<16xi32>
    %get3A_1575 = arith.constant 0 : i32
    %get3A_1576 = arith.index_cast %get3A_1575 : i32 to index
    %get3A_1577 = arith.constant 816 : index
    %get3A_1578 = tpu.vector_load %arg5[%get3A_1576, %get3A_1577] {strides = array<i32>} : memref<1x1024xf32, #tpu.memory_space<vmem>>, vector<16xf32>,
    %add3A_1579 = arith.constant 816 : i32
    %add3A_1580 = arith.addi %mul3A_32, %add3A_1579 : i32
    %add3A_1581 = vector.broadcast %add3A_1580 : i32 to vector<16xi32>
    %add3A_1582 = arith.addi %iota3A, %add3A_1581 : vector<16xi32>
    %eq3A_1583 = vector.broadcast %reduce_min3A_754 : i32 to vector<16xi32>
    %eq3A_1584 = arith.cmpi eq, %add3A_1582, %eq3A_1583 : vector<16xi32>
    %jit3A_1585 = arith.constant -3.000000e+38 : f32
    %broadcast_in_dim3A_1586 = vector.broadcast %jit3A_1585 : f32 to vector<16xf32>
    %select_n3A_1587 = arith.select %eq3A_1584, %broadcast_in_dim3A_1586, %get3A_1578 : vector<16xi1>, vector<16xf32>
    %gt3A_1588 = arith.cmpf ogt, %select_n3A_1587, %select_n3A_1573 : vector<16xf32>
    %select_n3A_1589 = arith.select %gt3A_1588, %select_n3A_1587, %select_n3A_1573 : vector<16xi1>, vector<16xf32>
    %select_n3A_1590 = arith.select %gt3A_1588, %add3A_1582, %select_n3A_1574 : vector<16xi1>, vector<16xi32>
    %get3A_1591 = arith.constant 0 : i32
    %get3A_1592 = arith.index_cast %get3A_1591 : i32 to index
    %get3A_1593 = arith.constant 832 : index
    %get3A_1594 = tpu.vector_load %arg5[%get3A_1592, %get3A_1593] {strides = array<i32>} : memref<1x1024xf32, #tpu.memory_space<vmem>>, vector<16xf32>,
    %add3A_1595 = arith.constant 832 : i32
    %add3A_1596 = arith.addi %mul3A_32, %add3A_1595 : i32
    %add3A_1597 = vector.broadcast %add3A_1596 : i32 to vector<16xi32>
    %add3A_1598 = arith.addi %iota3A, %add3A_1597 : vector<16xi32>
    %eq3A_1599 = vector.broadcast %reduce_min3A_754 : i32 to vector<16xi32>
    %eq3A_1600 = arith.cmpi eq, %add3A_1598, %eq3A_1599 : vector<16xi32>
    %jit3A_1601 = arith.constant -3.000000e+38 : f32
    %broadcast_in_dim3A_1602 = vector.broadcast %jit3A_1601 : f32 to vector<16xf32>
    %select_n3A_1603 = arith.select %eq3A_1600, %broadcast_in_dim3A_1602, %get3A_1594 : vector<16xi1>, vector<16xf32>
    %gt3A_1604 = arith.cmpf ogt, %select_n3A_1603, %select_n3A_1589 : vector<16xf32>
    %select_n3A_1605 = arith.select %gt3A_1604, %select_n3A_1603, %select_n3A_1589 : vector<16xi1>, vector<16xf32>
    %select_n3A_1606 = arith.select %gt3A_1604, %add3A_1598, %select_n3A_1590 : vector<16xi1>, vector<16xi32>
    %get3A_1607 = arith.constant 0 : i32
    %get3A_1608 = arith.index_cast %get3A_1607 : i32 to index
    %get3A_1609 = arith.constant 848 : index
    %get3A_1610 = tpu.vector_load %arg5[%get3A_1608, %get3A_1609] {strides = array<i32>} : memref<1x1024xf32, #tpu.memory_space<vmem>>, vector<16xf32>,
    %add3A_1611 = arith.constant 848 : i32
    %add3A_1612 = arith.addi %mul3A_32, %add3A_1611 : i32
    %add3A_1613 = vector.broadcast %add3A_1612 : i32 to vector<16xi32>
    %add3A_1614 = arith.addi %iota3A, %add3A_1613 : vector<16xi32>
    %eq3A_1615 = vector.broadcast %reduce_min3A_754 : i32 to vector<16xi32>
    %eq3A_1616 = arith.cmpi eq, %add3A_1614, %eq3A_1615 : vector<16xi32>
    %jit3A_1617 = arith.constant -3.000000e+38 : f32
    %broadcast_in_dim3A_1618 = vector.broadcast %jit3A_1617 : f32 to vector<16xf32>
    %select_n3A_1619 = arith.select %eq3A_1616, %broadcast_in_dim3A_1618, %get3A_1610 : vector<16xi1>, vector<16xf32>
    %gt3A_1620 = arith.cmpf ogt, %select_n3A_1619, %select_n3A_1605 : vector<16xf32>
    %select_n3A_1621 = arith.select %gt3A_1620, %select_n3A_1619, %select_n3A_1605 : vector<16xi1>, vector<16xf32>
    %select_n3A_1622 = arith.select %gt3A_1620, %add3A_1614, %select_n3A_1606 : vector<16xi1>, vector<16xi32>
    %get3A_1623 = arith.constant 0 : i32
    %get3A_1624 = arith.index_cast %get3A_1623 : i32 to index
    %get3A_1625 = arith.constant 864 : index
    %get3A_1626 = tpu.vector_load %arg5[%get3A_1624, %get3A_1625] {strides = array<i32>} : memref<1x1024xf32, #tpu.memory_space<vmem>>, vector<16xf32>,
    %add3A_1627 = arith.constant 864 : i32
    %add3A_1628 = arith.addi %mul3A_32, %add3A_1627 : i32
    %add3A_1629 = vector.broadcast %add3A_1628 : i32 to vector<16xi32>
    %add3A_1630 = arith.addi %iota3A, %add3A_1629 : vector<16xi32>
    %eq3A_1631 = vector.broadcast %reduce_min3A_754 : i32 to vector<16xi32>
    %eq3A_1632 = arith.cmpi eq, %add3A_1630, %eq3A_1631 : vector<16xi32>
    %jit3A_1633 = arith.constant -3.000000e+38 : f32
    %broadcast_in_dim3A_1634 = vector.broadcast %jit3A_1633 : f32 to vector<16xf32>
    %select_n3A_1635 = arith.select %eq3A_1632, %broadcast_in_dim3A_1634, %get3A_1626 : vector<16xi1>, vector<16xf32>
    %gt3A_1636 = arith.cmpf ogt, %select_n3A_1635, %select_n3A_1621 : vector<16xf32>
    %select_n3A_1637 = arith.select %gt3A_1636, %select_n3A_1635, %select_n3A_1621 : vector<16xi1>, vector<16xf32>
    %select_n3A_1638 = arith.select %gt3A_1636, %add3A_1630, %select_n3A_1622 : vector<16xi1>, vector<16xi32>
    %get3A_1639 = arith.constant 0 : i32
    %get3A_1640 = arith.index_cast %get3A_1639 : i32 to index
    %get3A_1641 = arith.constant 880 : index
    %get3A_1642 = tpu.vector_load %arg5[%get3A_1640, %get3A_1641] {strides = array<i32>} : memref<1x1024xf32, #tpu.memory_space<vmem>>, vector<16xf32>,
    %add3A_1643 = arith.constant 880 : i32
    %add3A_1644 = arith.addi %mul3A_32, %add3A_1643 : i32
    %add3A_1645 = vector.broadcast %add3A_1644 : i32 to vector<16xi32>
    %add3A_1646 = arith.addi %iota3A, %add3A_1645 : vector<16xi32>
    %eq3A_1647 = vector.broadcast %reduce_min3A_754 : i32 to vector<16xi32>
    %eq3A_1648 = arith.cmpi eq, %add3A_1646, %eq3A_1647 : vector<16xi32>
    %jit3A_1649 = arith.constant -3.000000e+38 : f32
    %broadcast_in_dim3A_1650 = vector.broadcast %jit3A_1649 : f32 to vector<16xf32>
    %select_n3A_1651 = arith.select %eq3A_1648, %broadcast_in_dim3A_1650, %get3A_1642 : vector<16xi1>, vector<16xf32>
    %gt3A_1652 = arith.cmpf ogt, %select_n3A_1651, %select_n3A_1637 : vector<16xf32>
    %select_n3A_1653 = arith.select %gt3A_1652, %select_n3A_1651, %select_n3A_1637 : vector<16xi1>, vector<16xf32>
    %select_n3A_1654 = arith.select %gt3A_1652, %add3A_1646, %select_n3A_1638 : vector<16xi1>, vector<16xi32>
    %get3A_1655 = arith.constant 0 : i32
    %get3A_1656 = arith.index_cast %get3A_1655 : i32 to index
    %get3A_1657 = arith.constant 896 : index
    %get3A_1658 = tpu.vector_load %arg5[%get3A_1656, %get3A_1657] {strides = array<i32>} : memref<1x1024xf32, #tpu.memory_space<vmem>>, vector<16xf32>,
    %add3A_1659 = arith.constant 896 : i32
    %add3A_1660 = arith.addi %mul3A_32, %add3A_1659 : i32
    %add3A_1661 = vector.broadcast %add3A_1660 : i32 to vector<16xi32>
    %add3A_1662 = arith.addi %iota3A, %add3A_1661 : vector<16xi32>
    %eq3A_1663 = vector.broadcast %reduce_min3A_754 : i32 to vector<16xi32>
    %eq3A_1664 = arith.cmpi eq, %add3A_1662, %eq3A_1663 : vector<16xi32>
    %jit3A_1665 = arith.constant -3.000000e+38 : f32
    %broadcast_in_dim3A_1666 = vector.broadcast %jit3A_1665 : f32 to vector<16xf32>
    %select_n3A_1667 = arith.select %eq3A_1664, %broadcast_in_dim3A_1666, %get3A_1658 : vector<16xi1>, vector<16xf32>
    %gt3A_1668 = arith.cmpf ogt, %select_n3A_1667, %select_n3A_1653 : vector<16xf32>
    %select_n3A_1669 = arith.select %gt3A_1668, %select_n3A_1667, %select_n3A_1653 : vector<16xi1>, vector<16xf32>
    %select_n3A_1670 = arith.select %gt3A_1668, %add3A_1662, %select_n3A_1654 : vector<16xi1>, vector<16xi32>
    %get3A_1671 = arith.constant 0 : i32
    %get3A_1672 = arith.index_cast %get3A_1671 : i32 to index
    %get3A_1673 = arith.constant 912 : index
    %get3A_1674 = tpu.vector_load %arg5[%get3A_1672, %get3A_1673] {strides = array<i32>} : memref<1x1024xf32, #tpu.memory_space<vmem>>, vector<16xf32>,
    %add3A_1675 = arith.constant 912 : i32
    %add3A_1676 = arith.addi %mul3A_32, %add3A_1675 : i32
    %add3A_1677 = vector.broadcast %add3A_1676 : i32 to vector<16xi32>
    %add3A_1678 = arith.addi %iota3A, %add3A_1677 : vector<16xi32>
    %eq3A_1679 = vector.broadcast %reduce_min3A_754 : i32 to vector<16xi32>
    %eq3A_1680 = arith.cmpi eq, %add3A_1678, %eq3A_1679 : vector<16xi32>
    %jit3A_1681 = arith.constant -3.000000e+38 : f32
    %broadcast_in_dim3A_1682 = vector.broadcast %jit3A_1681 : f32 to vector<16xf32>
    %select_n3A_1683 = arith.select %eq3A_1680, %broadcast_in_dim3A_1682, %get3A_1674 : vector<16xi1>, vector<16xf32>
    %gt3A_1684 = arith.cmpf ogt, %select_n3A_1683, %select_n3A_1669 : vector<16xf32>
    %select_n3A_1685 = arith.select %gt3A_1684, %select_n3A_1683, %select_n3A_1669 : vector<16xi1>, vector<16xf32>
    %select_n3A_1686 = arith.select %gt3A_1684, %add3A_1678, %select_n3A_1670 : vector<16xi1>, vector<16xi32>
    %get3A_1687 = arith.constant 0 : i32
    %get3A_1688 = arith.index_cast %get3A_1687 : i32 to index
    %get3A_1689 = arith.constant 928 : index
    %get3A_1690 = tpu.vector_load %arg5[%get3A_1688, %get3A_1689] {strides = array<i32>} : memref<1x1024xf32, #tpu.memory_space<vmem>>, vector<16xf32>,
    %add3A_1691 = arith.constant 928 : i32
    %add3A_1692 = arith.addi %mul3A_32, %add3A_1691 : i32
    %add3A_1693 = vector.broadcast %add3A_1692 : i32 to vector<16xi32>
    %add3A_1694 = arith.addi %iota3A, %add3A_1693 : vector<16xi32>
    %eq3A_1695 = vector.broadcast %reduce_min3A_754 : i32 to vector<16xi32>
    %eq3A_1696 = arith.cmpi eq, %add3A_1694, %eq3A_1695 : vector<16xi32>
    %jit3A_1697 = arith.constant -3.000000e+38 : f32
    %broadcast_in_dim3A_1698 = vector.broadcast %jit3A_1697 : f32 to vector<16xf32>
    %select_n3A_1699 = arith.select %eq3A_1696, %broadcast_in_dim3A_1698, %get3A_1690 : vector<16xi1>, vector<16xf32>
    %gt3A_1700 = arith.cmpf ogt, %select_n3A_1699, %select_n3A_1685 : vector<16xf32>
    %select_n3A_1701 = arith.select %gt3A_1700, %select_n3A_1699, %select_n3A_1685 : vector<16xi1>, vector<16xf32>
    %select_n3A_1702 = arith.select %gt3A_1700, %add3A_1694, %select_n3A_1686 : vector<16xi1>, vector<16xi32>
    %get3A_1703 = arith.constant 0 : i32
    %get3A_1704 = arith.index_cast %get3A_1703 : i32 to index
    %get3A_1705 = arith.constant 944 : index
    %get3A_1706 = tpu.vector_load %arg5[%get3A_1704, %get3A_1705] {strides = array<i32>} : memref<1x1024xf32, #tpu.memory_space<vmem>>, vector<16xf32>,
    %add3A_1707 = arith.constant 944 : i32
    %add3A_1708 = arith.addi %mul3A_32, %add3A_1707 : i32
    %add3A_1709 = vector.broadcast %add3A_1708 : i32 to vector<16xi32>
    %add3A_1710 = arith.addi %iota3A, %add3A_1709 : vector<16xi32>
    %eq3A_1711 = vector.broadcast %reduce_min3A_754 : i32 to vector<16xi32>
    %eq3A_1712 = arith.cmpi eq, %add3A_1710, %eq3A_1711 : vector<16xi32>
    %jit3A_1713 = arith.constant -3.000000e+38 : f32
    %broadcast_in_dim3A_1714 = vector.broadcast %jit3A_1713 : f32 to vector<16xf32>
    %select_n3A_1715 = arith.select %eq3A_1712, %broadcast_in_dim3A_1714, %get3A_1706 : vector<16xi1>, vector<16xf32>
    %gt3A_1716 = arith.cmpf ogt, %select_n3A_1715, %select_n3A_1701 : vector<16xf32>
    %select_n3A_1717 = arith.select %gt3A_1716, %select_n3A_1715, %select_n3A_1701 : vector<16xi1>, vector<16xf32>
    %select_n3A_1718 = arith.select %gt3A_1716, %add3A_1710, %select_n3A_1702 : vector<16xi1>, vector<16xi32>
    %get3A_1719 = arith.constant 0 : i32
    %get3A_1720 = arith.index_cast %get3A_1719 : i32 to index
    %get3A_1721 = arith.constant 960 : index
    %get3A_1722 = tpu.vector_load %arg5[%get3A_1720, %get3A_1721] {strides = array<i32>} : memref<1x1024xf32, #tpu.memory_space<vmem>>, vector<16xf32>,
    %add3A_1723 = arith.constant 960 : i32
    %add3A_1724 = arith.addi %mul3A_32, %add3A_1723 : i32
    %add3A_1725 = vector.broadcast %add3A_1724 : i32 to vector<16xi32>
    %add3A_1726 = arith.addi %iota3A, %add3A_1725 : vector<16xi32>
    %eq3A_1727 = vector.broadcast %reduce_min3A_754 : i32 to vector<16xi32>
    %eq3A_1728 = arith.cmpi eq, %add3A_1726, %eq3A_1727 : vector<16xi32>
    %jit3A_1729 = arith.constant -3.000000e+38 : f32
    %broadcast_in_dim3A_1730 = vector.broadcast %jit3A_1729 : f32 to vector<16xf32>
    %select_n3A_1731 = arith.select %eq3A_1728, %broadcast_in_dim3A_1730, %get3A_1722 : vector<16xi1>, vector<16xf32>
    %gt3A_1732 = arith.cmpf ogt, %select_n3A_1731, %select_n3A_1717 : vector<16xf32>
    %select_n3A_1733 = arith.select %gt3A_1732, %select_n3A_1731, %select_n3A_1717 : vector<16xi1>, vector<16xf32>
    %select_n3A_1734 = arith.select %gt3A_1732, %add3A_1726, %select_n3A_1718 : vector<16xi1>, vector<16xi32>
    %get3A_1735 = arith.constant 0 : i32
    %get3A_1736 = arith.index_cast %get3A_1735 : i32 to index
    %get3A_1737 = arith.constant 976 : index
    %get3A_1738 = tpu.vector_load %arg5[%get3A_1736, %get3A_1737] {strides = array<i32>} : memref<1x1024xf32, #tpu.memory_space<vmem>>, vector<16xf32>,
    %add3A_1739 = arith.constant 976 : i32
    %add3A_1740 = arith.addi %mul3A_32, %add3A_1739 : i32
    %add3A_1741 = vector.broadcast %add3A_1740 : i32 to vector<16xi32>
    %add3A_1742 = arith.addi %iota3A, %add3A_1741 : vector<16xi32>
    %eq3A_1743 = vector.broadcast %reduce_min3A_754 : i32 to vector<16xi32>
    %eq3A_1744 = arith.cmpi eq, %add3A_1742, %eq3A_1743 : vector<16xi32>
    %jit3A_1745 = arith.constant -3.000000e+38 : f32
    %broadcast_in_dim3A_1746 = vector.broadcast %jit3A_1745 : f32 to vector<16xf32>
    %select_n3A_1747 = arith.select %eq3A_1744, %broadcast_in_dim3A_1746, %get3A_1738 : vector<16xi1>, vector<16xf32>
    %gt3A_1748 = arith.cmpf ogt, %select_n3A_1747, %select_n3A_1733 : vector<16xf32>
    %select_n3A_1749 = arith.select %gt3A_1748, %select_n3A_1747, %select_n3A_1733 : vector<16xi1>, vector<16xf32>
    %select_n3A_1750 = arith.select %gt3A_1748, %add3A_1742, %select_n3A_1734 : vector<16xi1>, vector<16xi32>
    %get3A_1751 = arith.constant 0 : i32
    %get3A_1752 = arith.index_cast %get3A_1751 : i32 to index
    %get3A_1753 = arith.constant 992 : index
    %get3A_1754 = tpu.vector_load %arg5[%get3A_1752, %get3A_1753] {strides = array<i32>} : memref<1x1024xf32, #tpu.memory_space<vmem>>, vector<16xf32>,
    %add3A_1755 = arith.constant 992 : i32
    %add3A_1756 = arith.addi %mul3A_32, %add3A_1755 : i32
    %add3A_1757 = vector.broadcast %add3A_1756 : i32 to vector<16xi32>
    %add3A_1758 = arith.addi %iota3A, %add3A_1757 : vector<16xi32>
    %eq3A_1759 = vector.broadcast %reduce_min3A_754 : i32 to vector<16xi32>
    %eq3A_1760 = arith.cmpi eq, %add3A_1758, %eq3A_1759 : vector<16xi32>
    %jit3A_1761 = arith.constant -3.000000e+38 : f32
    %broadcast_in_dim3A_1762 = vector.broadcast %jit3A_1761 : f32 to vector<16xf32>
    %select_n3A_1763 = arith.select %eq3A_1760, %broadcast_in_dim3A_1762, %get3A_1754 : vector<16xi1>, vector<16xf32>
    %gt3A_1764 = arith.cmpf ogt, %select_n3A_1763, %select_n3A_1749 : vector<16xf32>
    %select_n3A_1765 = arith.select %gt3A_1764, %select_n3A_1763, %select_n3A_1749 : vector<16xi1>, vector<16xf32>
    %select_n3A_1766 = arith.select %gt3A_1764, %add3A_1758, %select_n3A_1750 : vector<16xi1>, vector<16xi32>
    %get3A_1767 = arith.constant 0 : i32
    %get3A_1768 = arith.index_cast %get3A_1767 : i32 to index
    %get3A_1769 = arith.constant 1008 : index
    %get3A_1770 = tpu.vector_load %arg5[%get3A_1768, %get3A_1769] {strides = array<i32>} : memref<1x1024xf32, #tpu.memory_space<vmem>>, vector<16xf32>,
    %add3A_1771 = arith.constant 1008 : i32
    %add3A_1772 = arith.addi %mul3A_32, %add3A_1771 : i32
    %add3A_1773 = vector.broadcast %add3A_1772 : i32 to vector<16xi32>
    %add3A_1774 = arith.addi %iota3A, %add3A_1773 : vector<16xi32>
    %eq3A_1775 = vector.broadcast %reduce_min3A_754 : i32 to vector<16xi32>
    %eq3A_1776 = arith.cmpi eq, %add3A_1774, %eq3A_1775 : vector<16xi32>
    %jit3A_1777 = arith.constant -3.000000e+38 : f32
    %broadcast_in_dim3A_1778 = vector.broadcast %jit3A_1777 : f32 to vector<16xf32>
    %select_n3A_1779 = arith.select %eq3A_1776, %broadcast_in_dim3A_1778, %get3A_1770 : vector<16xi1>, vector<16xf32>
    %gt3A_1780 = arith.cmpf ogt, %select_n3A_1779, %select_n3A_1765 : vector<16xf32>
    %select_n3A_1781 = arith.select %gt3A_1780, %select_n3A_1779, %select_n3A_1765 : vector<16xi1>, vector<16xf32>
    %select_n3A_1782 = arith.select %gt3A_1780, %add3A_1774, %select_n3A_1766 : vector<16xi1>, vector<16xi32>
    %reduce_max3A_1783 = arith.constant true
    %reduce_max3A_1784 = vector.broadcast %reduce_max3A_1783 : i1 to vector<16xi1>
    %reduce_max3A_1785 = tpu.scan <max>, %select_n3A_1781 masked %reduce_max3A_1784 : vector<16xf32>, vector<16xi1> -> vector<16xf32>
    %reduce_max3A_1786 = vector.extract %reduce_max3A_1785[15] : f32 from vector<16xf32>
    %eq3A_1787 = vector.broadcast %reduce_max3A_1786 : f32 to vector<16xf32>
    %eq3A_1788 = arith.cmpf oeq, %select_n3A_1781, %eq3A_1787 : vector<16xf32>
    %jit3A_1789 = arith.constant 8192 : i32
    %broadcast_in_dim3A_1790 = vector.broadcast %jit3A_1789 : i32 to vector<16xi32>
    %select_n3A_1791 = arith.select %eq3A_1788, %select_n3A_1782, %broadcast_in_dim3A_1790 : vector<16xi1>, vector<16xi32>
    %reduce_min3A_1792 = arith.constant true
    %reduce_min3A_1793 = vector.broadcast %reduce_min3A_1792 : i1 to vector<16xi1>
    %reduce_min3A_1794 = arith.constant -2147483648 : i32
    %reduce_min3A_1795 = vector.broadcast %reduce_min3A_1794 : i32 to vector<16xi32>
    %reduce_min3A_1796 = arith.xori %select_n3A_1791, %reduce_min3A_1795 : vector<16xi32>
    %reduce_min3A_1797 = tpu.scan <min>, %reduce_min3A_1796 masked %reduce_min3A_1793 : vector<16xi32>, vector<16xi1> -> vector<16xi32>
    %reduce_min3A_1798 = arith.xori %reduce_min3A_1797, %reduce_min3A_1795 : vector<16xi32>
    %reduce_min3A_1799 = vector.extract %reduce_min3A_1798[15] : i32 from vector<16xi32>
    %eq3A_1800 = arith.constant 0 : i32
    %eq3A_1801 = vector.broadcast %eq3A_1800 : i32 to vector<16xi32>
    %eq3A_1802 = arith.cmpi eq, %iota3A, %eq3A_1801 : vector<16xi32>
    %eq3A_1803 = arith.constant 1 : i32
    %eq3A_1804 = vector.broadcast %eq3A_1803 : i32 to vector<16xi32>
    %eq3A_1805 = arith.cmpi eq, %iota3A, %eq3A_1804 : vector<16xi32>
    %jit3A_1806 = arith.constant -3.000000e+38 : f32
    %broadcast_in_dim3A_1807 = vector.broadcast %reduce_max3A_1786 : f32 to vector<16xf32>
    %broadcast_in_dim3A_1808 = vector.broadcast %jit3A_1806 : f32 to vector<16xf32>
    %select_n3A_1809 = arith.select %eq3A_1805, %broadcast_in_dim3A_1807, %broadcast_in_dim3A_1808 : vector<16xi1>, vector<16xf32>
    %broadcast_in_dim3A_1810 = vector.broadcast %reduce_max3A_742 : f32 to vector<16xf32>
    %select_n3A_1811 = arith.select %eq3A_1802, %broadcast_in_dim3A_1810, %select_n3A_1809 : vector<16xi1>, vector<16xf32>
    %swap3A = arith.constant 0 : i32
    %swap3A_1812 = arith.constant 0 : i32
    %swap3A_1813 = arith.index_cast %swap3A : i32 to index
    %swap3A_1814 = arith.index_cast %swap3A_1812 : i32 to index
    %swap3A_1815 = arith.constant 0 : index
    %swap3A_1816 = tpu.vector_load %arg6[%swap3A_1813, %swap3A_1814, %swap3A_1815] {strides = array<i32>} : memref<1x2x16xf32, #tpu.memory_space<vmem>>, vector<16xf32>,
    tpu.vector_store %arg6[%swap3A_1813, %swap3A_1814, %swap3A_1815], %select_n3A_1811 {strides = array<i32>} : memref<1x2x16xf32, #tpu.memory_space<vmem>>, vector<16xf32>,
    %eq3A_1817 = arith.constant 0 : i32
    %eq3A_1818 = vector.broadcast %eq3A_1817 : i32 to vector<16xi32>
    %eq3A_1819 = arith.cmpi eq, %iota3A, %eq3A_1818 : vector<16xi32>
    %eq3A_1820 = arith.constant 1 : i32
    %eq3A_1821 = vector.broadcast %eq3A_1820 : i32 to vector<16xi32>
    %eq3A_1822 = arith.cmpi eq, %iota3A, %eq3A_1821 : vector<16xi32>
    %jit3A_1823 = arith.constant 0 : i32
    %broadcast_in_dim3A_1824 = vector.broadcast %reduce_min3A_1799 : i32 to vector<16xi32>
    %broadcast_in_dim3A_1825 = vector.broadcast %jit3A_1823 : i32 to vector<16xi32>
    %select_n3A_1826 = arith.select %eq3A_1822, %broadcast_in_dim3A_1824, %broadcast_in_dim3A_1825 : vector<16xi1>, vector<16xi32>
    %broadcast_in_dim3A_1827 = vector.broadcast %reduce_min3A_754 : i32 to vector<16xi32>
    %select_n3A_1828 = arith.select %eq3A_1819, %broadcast_in_dim3A_1827, %select_n3A_1826 : vector<16xi1>, vector<16xi32>
    %bitcast3A = vector.bitcast %select_n3A_1828 : vector<16xi32> to vector<16xf32>
    %swap3A_1829 = arith.constant 0 : i32
    %swap3A_1830 = arith.constant 1 : i32
    %swap3A_1831 = arith.index_cast %swap3A_1829 : i32 to index
    %swap3A_1832 = arith.index_cast %swap3A_1830 : i32 to index
    %swap3A_1833 = arith.constant 0 : index
    %swap3A_1834 = tpu.vector_load %arg6[%swap3A_1831, %swap3A_1832, %swap3A_1833] {strides = array<i32>} : memref<1x2x16xf32, #tpu.memory_space<vmem>>, vector<16xf32>,
    tpu.vector_store %arg6[%swap3A_1831, %swap3A_1832, %swap3A_1833], %bitcast3A {strides = array<i32>} : memref<1x2x16xf32, #tpu.memory_space<vmem>>, vector<16xf32>,
    "tpu.region"() ({
      %run_scoped3A = tpu.sem_alloc : memref<!tpu.dma_semaphore, #tpu.memory_space<semaphore_mem>>
      %dma_start3A_2661 = arith.constant 0 : i32
      %dma_start3A_2662 = arith.constant 0 : i32
      %dma_start3A_2663 = tpu.memref_slice %arg11[%arg1, %dma_start3A_2661, %dma_start3A_2662] : memref<16x2x16xf32, #tpu.memory_space<vmem_shared>> -> memref<1x2x16xf32, #tpu.memory_space<vmem_shared>>
      %dma_start3A_2664 = arith.constant 0 : i32
      %dma_start3A_2665 = arith.constant 0 : i32
      %dma_start3A_2666 = tpu.memref_slice %arg11[%arg1, %dma_start3A_2664, %dma_start3A_2665] : memref<16x2x16xf32, #tpu.memory_space<vmem_shared>> -> memref<1x2x16xf32, #tpu.memory_space<vmem_shared>>
      tpu.enqueue_dma source(%arg6 : memref<1x2x16xf32, #tpu.memory_space<vmem>>) target(%dma_start3A_2666 : memref<1x2x16xf32, #tpu.memory_space<vmem_shared>>) target_semaphore(%run_scoped3A : memref<!tpu.dma_semaphore, #tpu.memory_space<semaphore_mem>>)
      %dma_wait3A_2667 = arith.constant 0 : i32
      %dma_wait3A_2668 = arith.constant 0 : i32
      %dma_wait3A_2669 = tpu.memref_slice %arg11[%arg1, %dma_wait3A_2667, %dma_wait3A_2668] : memref<16x2x16xf32, #tpu.memory_space<vmem_shared>> -> memref<1x2x16xf32, #tpu.memory_space<vmem_shared>>
      %dma_wait3A_2670 = arith.constant 0 : i32
      %dma_wait3A_2671 = arith.constant 0 : i32
      %dma_wait3A_2672 = tpu.memref_slice %arg11[%arg1, %dma_wait3A_2670, %dma_wait3A_2671] : memref<16x2x16xf32, #tpu.memory_space<vmem_shared>> -> memref<1x2x16xf32, #tpu.memory_space<vmem_shared>>
      tpu.wait_dma2 semaphore(%run_scoped3A : memref<!tpu.dma_semaphore, #tpu.memory_space<semaphore_mem>>) src(%arg6 : memref<1x2x16xf32, #tpu.memory_space<vmem>>) dst(%dma_wait3A_2672 : memref<1x2x16xf32, #tpu.memory_space<vmem_shared>>)
      tpu.yield
    }) : () -> ()
    %barrier3A_1835 = arith.constant 0 : index
    tpu.barrier barrier_id(%barrier3A_1835)
    %jit3A_1836 = arith.constant 8 : i32
    %div3A_1837 = arith.divsi %arg1, %jit3A_1836 : i32
    %sign3A_1838 = arith.constant 0 : i32
    %sign3A_1839 = arith.cmpi sgt, %arg1, %sign3A_1838 : i32
    %sign3A_1840 = arith.extui %sign3A_1839 : i1 to i32
    %sign3A_1841 = arith.constant 0 : i32
    %sign3A_1842 = arith.cmpi slt, %arg1, %sign3A_1841 : i32
    %sign3A_1843 = arith.extui %sign3A_1842 : i1 to i32
    %sign3A_1844 = arith.subi %sign3A_1840, %sign3A_1843 : i32
    %sign3A_1845 = arith.constant 0 : i32
    %sign3A_1846 = arith.cmpi sgt, %jit3A_1836, %sign3A_1845 : i32
    %sign3A_1847 = arith.extui %sign3A_1846 : i1 to i32
    %sign3A_1848 = arith.constant 0 : i32
    %sign3A_1849 = arith.cmpi slt, %jit3A_1836, %sign3A_1848 : i32
    %sign3A_1850 = arith.extui %sign3A_1849 : i1 to i32
    %sign3A_1851 = arith.subi %sign3A_1847, %sign3A_1850 : i32
    %ne3A_1852 = arith.cmpi ne, %sign3A_1844, %sign3A_1851 : i32
    %rem3A_1853 = arith.remsi %arg1, %jit3A_1836 : i32
    %ne3A_1854 = arith.constant 0 : i32
    %ne3A_1855 = arith.cmpi ne, %rem3A_1853, %ne3A_1854 : i32
    %and3A_1856 = arith.andi %ne3A_1852, %ne3A_1855 : i1
    %sub3A_1857 = arith.constant 1 : i32
    %sub3A_1858 = arith.subi %div3A_1837, %sub3A_1857 : i32
    %select_n3A_1859 = arith.select %and3A_1856, %sub3A_1858, %div3A_1837 : i32
    %mul3A_1860 = arith.constant 8 : i32
    %mul3A_1861 = arith.muli %select_n3A_1859, %mul3A_1860 : i32
    "tpu.region"() ({
      %run_scoped3A = tpu.sem_alloc : memref<!tpu.dma_semaphore, #tpu.memory_space<semaphore_mem>>
      %dma_start3A_2661 = arith.constant 0 : i32
      %dma_start3A_2662 = arith.constant 0 : i32
      %dma_start3A_2663 = tpu.memref_slice %arg11[%mul3A_1861, %dma_start3A_2661, %dma_start3A_2662] : memref<16x2x16xf32, #tpu.memory_space<vmem_shared>> -> memref<8x2x16xf32, #tpu.memory_space<vmem_shared>>
      %dma_start3A_2664 = arith.constant 0 : i32
      %dma_start3A_2665 = arith.constant 0 : i32
      %dma_start3A_2666 = tpu.memref_slice %arg11[%mul3A_1861, %dma_start3A_2664, %dma_start3A_2665] : memref<16x2x16xf32, #tpu.memory_space<vmem_shared>> -> memref<8x2x16xf32, #tpu.memory_space<vmem_shared>>
      tpu.enqueue_dma source(%dma_start3A_2666 : memref<8x2x16xf32, #tpu.memory_space<vmem_shared>>) target(%arg7 : memref<8x2x16xf32, #tpu.memory_space<vmem>>) target_semaphore(%run_scoped3A : memref<!tpu.dma_semaphore, #tpu.memory_space<semaphore_mem>>)
      %dma_wait3A_2667 = arith.constant 0 : i32
      %dma_wait3A_2668 = arith.constant 0 : i32
      %dma_wait3A_2669 = tpu.memref_slice %arg11[%mul3A_1861, %dma_wait3A_2667, %dma_wait3A_2668] : memref<16x2x16xf32, #tpu.memory_space<vmem_shared>> -> memref<8x2x16xf32, #tpu.memory_space<vmem_shared>>
      %dma_wait3A_2670 = arith.constant 0 : i32
      %dma_wait3A_2671 = arith.constant 0 : i32
      %dma_wait3A_2672 = tpu.memref_slice %arg11[%mul3A_1861, %dma_wait3A_2670, %dma_wait3A_2671] : memref<16x2x16xf32, #tpu.memory_space<vmem_shared>> -> memref<8x2x16xf32, #tpu.memory_space<vmem_shared>>
      tpu.wait_dma2 semaphore(%run_scoped3A : memref<!tpu.dma_semaphore, #tpu.memory_space<semaphore_mem>>) src(%dma_wait3A_2672 : memref<8x2x16xf32, #tpu.memory_space<vmem_shared>>) dst(%arg7 : memref<8x2x16xf32, #tpu.memory_space<vmem>>)
      tpu.yield
    }) : () -> ()
    %barrier3A_1862 = arith.constant 0 : index
    tpu.barrier barrier_id(%barrier3A_1862)
    %jit3A_1863 = arith.constant 2 : i32
    %div3A_1864 = vector.broadcast %jit3A_1863 : i32 to vector<16xi32>
    %div3A_1865 = arith.divsi %iota3A, %div3A_1864 : vector<16xi32>
    %sign3A_1866 = arith.constant 0 : i32
    %sign3A_1867 = vector.broadcast %sign3A_1866 : i32 to vector<16xi32>
    %sign3A_1868 = arith.cmpi sgt, %iota3A, %sign3A_1867 : vector<16xi32>
    %sign3A_1869 = arith.extui %sign3A_1868 : vector<16xi1> to vector<16xi32>
    %sign3A_1870 = arith.constant 0 : i32
    %sign3A_1871 = vector.broadcast %sign3A_1870 : i32 to vector<16xi32>
    %sign3A_1872 = arith.cmpi slt, %iota3A, %sign3A_1871 : vector<16xi32>
    %sign3A_1873 = arith.extui %sign3A_1872 : vector<16xi1> to vector<16xi32>
    %sign3A_1874 = arith.subi %sign3A_1869, %sign3A_1873 : vector<16xi32>
    %sign3A_1875 = arith.constant 0 : i32
    %sign3A_1876 = arith.cmpi sgt, %jit3A_1863, %sign3A_1875 : i32
    %sign3A_1877 = arith.extui %sign3A_1876 : i1 to i32
    %sign3A_1878 = arith.constant 0 : i32
    %sign3A_1879 = arith.cmpi slt, %jit3A_1863, %sign3A_1878 : i32
    %sign3A_1880 = arith.extui %sign3A_1879 : i1 to i32
    %sign3A_1881 = arith.subi %sign3A_1877, %sign3A_1880 : i32
    %ne3A_1882 = vector.broadcast %sign3A_1881 : i32 to vector<16xi32>
    %ne3A_1883 = arith.cmpi ne, %sign3A_1874, %ne3A_1882 : vector<16xi32>
    %rem3A_1884 = vector.broadcast %jit3A_1863 : i32 to vector<16xi32>
    %rem3A_1885 = arith.remsi %iota3A, %rem3A_1884 : vector<16xi32>
    %ne3A_1886 = arith.constant 0 : i32
    %ne3A_1887 = vector.broadcast %ne3A_1886 : i32 to vector<16xi32>
    %ne3A_1888 = arith.cmpi ne, %rem3A_1885, %ne3A_1887 : vector<16xi32>
    %and3A_1889 = arith.andi %ne3A_1883, %ne3A_1888 : vector<16xi1>
    %sub3A_1890 = arith.constant 1 : i32
    %sub3A_1891 = vector.broadcast %sub3A_1890 : i32 to vector<16xi32>
    %sub3A_1892 = arith.subi %div3A_1865, %sub3A_1891 : vector<16xi32>
    %select_n3A_1893 = arith.select %and3A_1889, %sub3A_1892, %div3A_1865 : vector<16xi1>, vector<16xi32>
    %mul3A_1894 = arith.constant 0 : i32
    %mul3A_1895 = vector.broadcast %mul3A_1894 : i32 to vector<16xi32>
    %mul3A_1896 = arith.muli %iota3A, %mul3A_1895 : vector<16xi32>
    %mul3A_1897 = arith.constant 2 : i32
    %mul3A_1898 = vector.broadcast %mul3A_1897 : i32 to vector<16xi32>
    %mul3A_1899 = arith.muli %mul3A_1898, %select_n3A_1893 : vector<16xi32>
    %sub3A_1900 = arith.subi %iota3A, %mul3A_1899 : vector<16xi32>
    %gather3A = tpu.vector_load_idx %arg7[%select_n3A_1893, %mul3A_1896, %sub3A_1900] : memref<8x2x16xf32, #tpu.memory_space<vmem>>[vector<16xi32>, vector<16xi32>, vector<16xi32>], vector<16xf32>,
    %add3A_1901 = arith.constant 1 : i32
    %add3A_1902 = vector.broadcast %add3A_1901 : i32 to vector<16xi32>
    %add3A_1903 = arith.addi %mul3A_1896, %add3A_1902 : vector<16xi32>
    %gather3A_1904 = tpu.vector_load_idx %arg7[%select_n3A_1893, %add3A_1903, %sub3A_1900] : memref<8x2x16xf32, #tpu.memory_space<vmem>>[vector<16xi32>, vector<16xi32>, vector<16xi32>], vector<16xf32>,
    %bitcast3A_1905 = vector.bitcast %gather3A_1904 : vector<16xf32> to vector<16xi32>
    %reduce_max3A_1906 = arith.constant true
    %reduce_max3A_1907 = vector.broadcast %reduce_max3A_1906 : i1 to vector<16xi1>
    %reduce_max3A_1908 = tpu.scan <max>, %gather3A masked %reduce_max3A_1907 : vector<16xf32>, vector<16xi1> -> vector<16xf32>
    %reduce_max3A_1909 = vector.extract %reduce_max3A_1908[15] : f32 from vector<16xf32>
    %eq3A_1910 = vector.broadcast %reduce_max3A_1909 : f32 to vector<16xf32>
    %eq3A_1911 = arith.cmpf oeq, %gather3A, %eq3A_1910 : vector<16xf32>
    %jit3A_1912 = arith.constant 8192 : i32
    %broadcast_in_dim3A_1913 = vector.broadcast %jit3A_1912 : i32 to vector<16xi32>
    %select_n3A_1914 = arith.select %eq3A_1911, %bitcast3A_1905, %broadcast_in_dim3A_1913 : vector<16xi1>, vector<16xi32>
    %reduce_min3A_1915 = arith.constant true
    %reduce_min3A_1916 = vector.broadcast %reduce_min3A_1915 : i1 to vector<16xi1>
    %reduce_min3A_1917 = arith.constant -2147483648 : i32
    %reduce_min3A_1918 = vector.broadcast %reduce_min3A_1917 : i32 to vector<16xi32>
    %reduce_min3A_1919 = arith.xori %select_n3A_1914, %reduce_min3A_1918 : vector<16xi32>
    %reduce_min3A_1920 = tpu.scan <min>, %reduce_min3A_1919 masked %reduce_min3A_1916 : vector<16xi32>, vector<16xi1> -> vector<16xi32>
    %reduce_min3A_1921 = arith.xori %reduce_min3A_1920, %reduce_min3A_1918 : vector<16xi32>
    %reduce_min3A_1922 = vector.extract %reduce_min3A_1921[15] : i32 from vector<16xi32>
    %eq3A_1923 = vector.broadcast %reduce_min3A_1922 : i32 to vector<16xi32>
    %eq3A_1924 = arith.cmpi eq, %bitcast3A_1905, %eq3A_1923 : vector<16xi32>
    %jit3A_1925 = arith.constant -3.000000e+38 : f32
    %broadcast_in_dim3A_1926 = vector.broadcast %jit3A_1925 : f32 to vector<16xf32>
    %select_n3A_1927 = arith.select %eq3A_1924, %broadcast_in_dim3A_1926, %gather3A : vector<16xi1>, vector<16xf32>
    %reduce_max3A_1928 = arith.constant true
    %reduce_max3A_1929 = vector.broadcast %reduce_max3A_1928 : i1 to vector<16xi1>
    %reduce_max3A_1930 = tpu.scan <max>, %select_n3A_1927 masked %reduce_max3A_1929 : vector<16xf32>, vector<16xi1> -> vector<16xf32>
    %reduce_max3A_1931 = vector.extract %reduce_max3A_1930[15] : f32 from vector<16xf32>
    %eq3A_1932 = vector.broadcast %reduce_max3A_1931 : f32 to vector<16xf32>
    %eq3A_1933 = arith.cmpf oeq, %select_n3A_1927, %eq3A_1932 : vector<16xf32>
    %jit3A_1934 = arith.constant 8192 : i32
    %broadcast_in_dim3A_1935 = vector.broadcast %jit3A_1934 : i32 to vector<16xi32>
    %select_n3A_1936 = arith.select %eq3A_1933, %bitcast3A_1905, %broadcast_in_dim3A_1935 : vector<16xi1>, vector<16xi32>
    %reduce_min3A_1937 = arith.constant true
    %reduce_min3A_1938 = vector.broadcast %reduce_min3A_1937 : i1 to vector<16xi1>
    %reduce_min3A_1939 = arith.constant -2147483648 : i32
    %reduce_min3A_1940 = vector.broadcast %reduce_min3A_1939 : i32 to vector<16xi32>
    %reduce_min3A_1941 = arith.xori %select_n3A_1936, %reduce_min3A_1940 : vector<16xi32>
    %reduce_min3A_1942 = tpu.scan <min>, %reduce_min3A_1941 masked %reduce_min3A_1938 : vector<16xi32>, vector<16xi1> -> vector<16xi32>
    %reduce_min3A_1943 = arith.xori %reduce_min3A_1942, %reduce_min3A_1940 : vector<16xi32>
    %reduce_min3A_1944 = vector.extract %reduce_min3A_1943[15] : i32 from vector<16xi32>
    %eq3A_1945 = arith.constant 0 : i32
    %eq3A_1946 = vector.broadcast %eq3A_1945 : i32 to vector<16xi32>
    %eq3A_1947 = arith.cmpi eq, %iota3A, %eq3A_1946 : vector<16xi32>
    %mul3A_1948 = arith.constant 8192 : i32
    %mul3A_1949 = arith.muli %add3A, %mul3A_1948 : i32
    %add3A_1950 = arith.addi %mul3A_1949, %reduce_min3A_1922 : i32
    %mul3A_1951 = arith.constant 8192 : i32
    %mul3A_1952 = arith.muli %add3A, %mul3A_1951 : i32
    %add3A_1953 = arith.addi %mul3A_1952, %reduce_min3A_1944 : i32
    %broadcast_in_dim3A_1954 = vector.broadcast %add3A_1950 : i32 to vector<16xi32>
    %broadcast_in_dim3A_1955 = vector.broadcast %add3A_1953 : i32 to vector<16xi32>
    %select_n3A_1956 = arith.select %eq3A_1947, %broadcast_in_dim3A_1954, %broadcast_in_dim3A_1955 : vector<16xi1>, vector<16xi32>
    %swap3A_1957 = arith.constant 0 : index
    %swap3A_1958 = tpu.vector_load %arg8[%swap3A_1957] {strides = array<i32>} : memref<16xi32, #tpu.memory_space<vmem>>, vector<16xi32>,
    tpu.vector_store %arg8[%swap3A_1957], %select_n3A_1956 {strides = array<i32>} : memref<16xi32, #tpu.memory_space<vmem>>, vector<16xi32>,
    %dma_start3A_1959 = arith.constant 0 : i32
    %dma_start3A_1960 = tpu.memref_slice %arg8[%dma_start3A_1959] : memref<16xi32, #tpu.memory_space<vmem>> -> memref<2xi32, #tpu.memory_space<vmem>>
    %dma_start3A_1961 = arith.constant 0 : i32
    %dma_start3A_1962 = arith.constant 0 : i32
    %dma_start3A_1963 = tpu.memref_slice %arg3[%dma_start3A_1961, %dma_start3A_1962] : memref<32768x768xf32, #tpu.memory_space<hbm>> -> memref<32768x768xf32, #tpu.memory_space<hbm>>
    tpu.enqueue_indirect_dma source(%dma_start3A_1963 : memref<32768x768xf32, #tpu.memory_space<hbm>>) target(%arg9 : memref<2x768xf32, #tpu.memory_space<vmem>>) offsets(%dma_start3A_1960 : memref<2xi32, #tpu.memory_space<vmem>>) semaphore(%arg12 : memref<!tpu.dma_semaphore, #tpu.memory_space<semaphore_mem>>)
    %dma_wait3A_1964 = arith.constant 0 : i32
    %dma_wait3A_1965 = tpu.memref_slice %arg8[%dma_wait3A_1964] : memref<16xi32, #tpu.memory_space<vmem>> -> memref<2xi32, #tpu.memory_space<vmem>>
    %dma_wait3A_1966 = arith.constant 0 : i32
    %dma_wait3A_1967 = arith.constant 0 : i32
    %dma_wait3A_1968 = tpu.memref_slice %arg3[%dma_wait3A_1966, %dma_wait3A_1967] : memref<32768x768xf32, #tpu.memory_space<hbm>> -> memref<32768x768xf32, #tpu.memory_space<hbm>>
    tpu.wait_indirect_dma semaphore(%arg12 : memref<!tpu.dma_semaphore, #tpu.memory_space<semaphore_mem>>) src(%dma_wait3A_1968 : memref<32768x768xf32, #tpu.memory_space<hbm>>) dst(%arg9 : memref<2x768xf32, #tpu.memory_space<vmem>>)
    %barrier3A_1969 = arith.constant 0 : index
    tpu.barrier barrier_id(%barrier3A_1969)
    %get3A_1970 = arith.constant 0 : i32
    %get3A_1971 = arith.index_cast %get3A_1970 : i32 to index
    %get3A_1972 = arith.constant 0 : index
    %get3A_1973 = tpu.vector_load %arg9[%get3A_1971, %get3A_1972] {strides = array<i32>} : memref<2x768xf32, #tpu.memory_space<vmem>>, vector<16xf32>,
    %get3A_1974 = arith.constant 1 : i32
    %get3A_1975 = arith.index_cast %get3A_1974 : i32 to index
    %get3A_1976 = arith.constant 0 : index
    %get3A_1977 = tpu.vector_load %arg9[%get3A_1975, %get3A_1976] {strides = array<i32>} : memref<2x768xf32, #tpu.memory_space<vmem>>, vector<16xf32>,
    %add3A_1978 = arith.addf %get3A_1973, %get3A_1977 : vector<16xf32>
    %mul3A_1979 = arith.constant 5.000000e-01 : f32
    %mul3A_1980 = vector.broadcast %mul3A_1979 : f32 to vector<16xf32>
    %mul3A_1981 = arith.mulf %mul3A_1980, %add3A_1978 : vector<16xf32>
    %swap3A_1982 = arith.constant 0 : index
    %swap3A_1983 = tpu.vector_load %arg10[%swap3A_1982] {strides = array<i32>} : memref<768xf32, #tpu.memory_space<vmem>>, vector<16xf32>,
    tpu.vector_store %arg10[%swap3A_1982], %mul3A_1981 {strides = array<i32>} : memref<768xf32, #tpu.memory_space<vmem>>, vector<16xf32>,
    %get3A_1984 = arith.constant 0 : i32
    %get3A_1985 = arith.index_cast %get3A_1984 : i32 to index
    %get3A_1986 = arith.constant 16 : index
    %get3A_1987 = tpu.vector_load %arg9[%get3A_1985, %get3A_1986] {strides = array<i32>} : memref<2x768xf32, #tpu.memory_space<vmem>>, vector<16xf32>,
    %get3A_1988 = arith.constant 1 : i32
    %get3A_1989 = arith.index_cast %get3A_1988 : i32 to index
    %get3A_1990 = arith.constant 16 : index
    %get3A_1991 = tpu.vector_load %arg9[%get3A_1989, %get3A_1990] {strides = array<i32>} : memref<2x768xf32, #tpu.memory_space<vmem>>, vector<16xf32>,
    %add3A_1992 = arith.addf %get3A_1987, %get3A_1991 : vector<16xf32>
    %mul3A_1993 = arith.constant 5.000000e-01 : f32
    %mul3A_1994 = vector.broadcast %mul3A_1993 : f32 to vector<16xf32>
    %mul3A_1995 = arith.mulf %mul3A_1994, %add3A_1992 : vector<16xf32>
    %swap3A_1996 = arith.constant 16 : index
    %swap3A_1997 = tpu.vector_load %arg10[%swap3A_1996] {strides = array<i32>} : memref<768xf32, #tpu.memory_space<vmem>>, vector<16xf32>,
    tpu.vector_store %arg10[%swap3A_1996], %mul3A_1995 {strides = array<i32>} : memref<768xf32, #tpu.memory_space<vmem>>, vector<16xf32>,
    %get3A_1998 = arith.constant 0 : i32
    %get3A_1999 = arith.index_cast %get3A_1998 : i32 to index
    %get3A_2000 = arith.constant 32 : index
    %get3A_2001 = tpu.vector_load %arg9[%get3A_1999, %get3A_2000] {strides = array<i32>} : memref<2x768xf32, #tpu.memory_space<vmem>>, vector<16xf32>,
    %get3A_2002 = arith.constant 1 : i32
    %get3A_2003 = arith.index_cast %get3A_2002 : i32 to index
    %get3A_2004 = arith.constant 32 : index
    %get3A_2005 = tpu.vector_load %arg9[%get3A_2003, %get3A_2004] {strides = array<i32>} : memref<2x768xf32, #tpu.memory_space<vmem>>, vector<16xf32>,
    %add3A_2006 = arith.addf %get3A_2001, %get3A_2005 : vector<16xf32>
    %mul3A_2007 = arith.constant 5.000000e-01 : f32
    %mul3A_2008 = vector.broadcast %mul3A_2007 : f32 to vector<16xf32>
    %mul3A_2009 = arith.mulf %mul3A_2008, %add3A_2006 : vector<16xf32>
    %swap3A_2010 = arith.constant 32 : index
    %swap3A_2011 = tpu.vector_load %arg10[%swap3A_2010] {strides = array<i32>} : memref<768xf32, #tpu.memory_space<vmem>>, vector<16xf32>,
    tpu.vector_store %arg10[%swap3A_2010], %mul3A_2009 {strides = array<i32>} : memref<768xf32, #tpu.memory_space<vmem>>, vector<16xf32>,
    %get3A_2012 = arith.constant 0 : i32
    %get3A_2013 = arith.index_cast %get3A_2012 : i32 to index
    %get3A_2014 = arith.constant 48 : index
    %get3A_2015 = tpu.vector_load %arg9[%get3A_2013, %get3A_2014] {strides = array<i32>} : memref<2x768xf32, #tpu.memory_space<vmem>>, vector<16xf32>,
    %get3A_2016 = arith.constant 1 : i32
    %get3A_2017 = arith.index_cast %get3A_2016 : i32 to index
    %get3A_2018 = arith.constant 48 : index
    %get3A_2019 = tpu.vector_load %arg9[%get3A_2017, %get3A_2018] {strides = array<i32>} : memref<2x768xf32, #tpu.memory_space<vmem>>, vector<16xf32>,
    %add3A_2020 = arith.addf %get3A_2015, %get3A_2019 : vector<16xf32>
    %mul3A_2021 = arith.constant 5.000000e-01 : f32
    %mul3A_2022 = vector.broadcast %mul3A_2021 : f32 to vector<16xf32>
    %mul3A_2023 = arith.mulf %mul3A_2022, %add3A_2020 : vector<16xf32>
    %swap3A_2024 = arith.constant 48 : index
    %swap3A_2025 = tpu.vector_load %arg10[%swap3A_2024] {strides = array<i32>} : memref<768xf32, #tpu.memory_space<vmem>>, vector<16xf32>,
    tpu.vector_store %arg10[%swap3A_2024], %mul3A_2023 {strides = array<i32>} : memref<768xf32, #tpu.memory_space<vmem>>, vector<16xf32>,
    %get3A_2026 = arith.constant 0 : i32
    %get3A_2027 = arith.index_cast %get3A_2026 : i32 to index
    %get3A_2028 = arith.constant 64 : index
    %get3A_2029 = tpu.vector_load %arg9[%get3A_2027, %get3A_2028] {strides = array<i32>} : memref<2x768xf32, #tpu.memory_space<vmem>>, vector<16xf32>,
    %get3A_2030 = arith.constant 1 : i32
    %get3A_2031 = arith.index_cast %get3A_2030 : i32 to index
    %get3A_2032 = arith.constant 64 : index
    %get3A_2033 = tpu.vector_load %arg9[%get3A_2031, %get3A_2032] {strides = array<i32>} : memref<2x768xf32, #tpu.memory_space<vmem>>, vector<16xf32>,
    %add3A_2034 = arith.addf %get3A_2029, %get3A_2033 : vector<16xf32>
    %mul3A_2035 = arith.constant 5.000000e-01 : f32
    %mul3A_2036 = vector.broadcast %mul3A_2035 : f32 to vector<16xf32>
    %mul3A_2037 = arith.mulf %mul3A_2036, %add3A_2034 : vector<16xf32>
    %swap3A_2038 = arith.constant 64 : index
    %swap3A_2039 = tpu.vector_load %arg10[%swap3A_2038] {strides = array<i32>} : memref<768xf32, #tpu.memory_space<vmem>>, vector<16xf32>,
    tpu.vector_store %arg10[%swap3A_2038], %mul3A_2037 {strides = array<i32>} : memref<768xf32, #tpu.memory_space<vmem>>, vector<16xf32>,
    %get3A_2040 = arith.constant 0 : i32
    %get3A_2041 = arith.index_cast %get3A_2040 : i32 to index
    %get3A_2042 = arith.constant 80 : index
    %get3A_2043 = tpu.vector_load %arg9[%get3A_2041, %get3A_2042] {strides = array<i32>} : memref<2x768xf32, #tpu.memory_space<vmem>>, vector<16xf32>,
    %get3A_2044 = arith.constant 1 : i32
    %get3A_2045 = arith.index_cast %get3A_2044 : i32 to index
    %get3A_2046 = arith.constant 80 : index
    %get3A_2047 = tpu.vector_load %arg9[%get3A_2045, %get3A_2046] {strides = array<i32>} : memref<2x768xf32, #tpu.memory_space<vmem>>, vector<16xf32>,
    %add3A_2048 = arith.addf %get3A_2043, %get3A_2047 : vector<16xf32>
    %mul3A_2049 = arith.constant 5.000000e-01 : f32
    %mul3A_2050 = vector.broadcast %mul3A_2049 : f32 to vector<16xf32>
    %mul3A_2051 = arith.mulf %mul3A_2050, %add3A_2048 : vector<16xf32>
    %swap3A_2052 = arith.constant 80 : index
    %swap3A_2053 = tpu.vector_load %arg10[%swap3A_2052] {strides = array<i32>} : memref<768xf32, #tpu.memory_space<vmem>>, vector<16xf32>,
    tpu.vector_store %arg10[%swap3A_2052], %mul3A_2051 {strides = array<i32>} : memref<768xf32, #tpu.memory_space<vmem>>, vector<16xf32>,
    %get3A_2054 = arith.constant 0 : i32
    %get3A_2055 = arith.index_cast %get3A_2054 : i32 to index
    %get3A_2056 = arith.constant 96 : index
    %get3A_2057 = tpu.vector_load %arg9[%get3A_2055, %get3A_2056] {strides = array<i32>} : memref<2x768xf32, #tpu.memory_space<vmem>>, vector<16xf32>,
    %get3A_2058 = arith.constant 1 : i32
    %get3A_2059 = arith.index_cast %get3A_2058 : i32 to index
    %get3A_2060 = arith.constant 96 : index
    %get3A_2061 = tpu.vector_load %arg9[%get3A_2059, %get3A_2060] {strides = array<i32>} : memref<2x768xf32, #tpu.memory_space<vmem>>, vector<16xf32>,
    %add3A_2062 = arith.addf %get3A_2057, %get3A_2061 : vector<16xf32>
    %mul3A_2063 = arith.constant 5.000000e-01 : f32
    %mul3A_2064 = vector.broadcast %mul3A_2063 : f32 to vector<16xf32>
    %mul3A_2065 = arith.mulf %mul3A_2064, %add3A_2062 : vector<16xf32>
    %swap3A_2066 = arith.constant 96 : index
    %swap3A_2067 = tpu.vector_load %arg10[%swap3A_2066] {strides = array<i32>} : memref<768xf32, #tpu.memory_space<vmem>>, vector<16xf32>,
    tpu.vector_store %arg10[%swap3A_2066], %mul3A_2065 {strides = array<i32>} : memref<768xf32, #tpu.memory_space<vmem>>, vector<16xf32>,
    %get3A_2068 = arith.constant 0 : i32
    %get3A_2069 = arith.index_cast %get3A_2068 : i32 to index
    %get3A_2070 = arith.constant 112 : index
    %get3A_2071 = tpu.vector_load %arg9[%get3A_2069, %get3A_2070] {strides = array<i32>} : memref<2x768xf32, #tpu.memory_space<vmem>>, vector<16xf32>,
    %get3A_2072 = arith.constant 1 : i32
    %get3A_2073 = arith.index_cast %get3A_2072 : i32 to index
    %get3A_2074 = arith.constant 112 : index
    %get3A_2075 = tpu.vector_load %arg9[%get3A_2073, %get3A_2074] {strides = array<i32>} : memref<2x768xf32, #tpu.memory_space<vmem>>, vector<16xf32>,
    %add3A_2076 = arith.addf %get3A_2071, %get3A_2075 : vector<16xf32>
    %mul3A_2077 = arith.constant 5.000000e-01 : f32
    %mul3A_2078 = vector.broadcast %mul3A_2077 : f32 to vector<16xf32>
    %mul3A_2079 = arith.mulf %mul3A_2078, %add3A_2076 : vector<16xf32>
    %swap3A_2080 = arith.constant 112 : index
    %swap3A_2081 = tpu.vector_load %arg10[%swap3A_2080] {strides = array<i32>} : memref<768xf32, #tpu.memory_space<vmem>>, vector<16xf32>,
    tpu.vector_store %arg10[%swap3A_2080], %mul3A_2079 {strides = array<i32>} : memref<768xf32, #tpu.memory_space<vmem>>, vector<16xf32>,
    %get3A_2082 = arith.constant 0 : i32
    %get3A_2083 = arith.index_cast %get3A_2082 : i32 to index
    %get3A_2084 = arith.constant 128 : index
    %get3A_2085 = tpu.vector_load %arg9[%get3A_2083, %get3A_2084] {strides = array<i32>} : memref<2x768xf32, #tpu.memory_space<vmem>>, vector<16xf32>,
    %get3A_2086 = arith.constant 1 : i32
    %get3A_2087 = arith.index_cast %get3A_2086 : i32 to index
    %get3A_2088 = arith.constant 128 : index
    %get3A_2089 = tpu.vector_load %arg9[%get3A_2087, %get3A_2088] {strides = array<i32>} : memref<2x768xf32, #tpu.memory_space<vmem>>, vector<16xf32>,
    %add3A_2090 = arith.addf %get3A_2085, %get3A_2089 : vector<16xf32>
    %mul3A_2091 = arith.constant 5.000000e-01 : f32
    %mul3A_2092 = vector.broadcast %mul3A_2091 : f32 to vector<16xf32>
    %mul3A_2093 = arith.mulf %mul3A_2092, %add3A_2090 : vector<16xf32>
    %swap3A_2094 = arith.constant 128 : index
    %swap3A_2095 = tpu.vector_load %arg10[%swap3A_2094] {strides = array<i32>} : memref<768xf32, #tpu.memory_space<vmem>>, vector<16xf32>,
    tpu.vector_store %arg10[%swap3A_2094], %mul3A_2093 {strides = array<i32>} : memref<768xf32, #tpu.memory_space<vmem>>, vector<16xf32>,
    %get3A_2096 = arith.constant 0 : i32
    %get3A_2097 = arith.index_cast %get3A_2096 : i32 to index
    %get3A_2098 = arith.constant 144 : index
    %get3A_2099 = tpu.vector_load %arg9[%get3A_2097, %get3A_2098] {strides = array<i32>} : memref<2x768xf32, #tpu.memory_space<vmem>>, vector<16xf32>,
    %get3A_2100 = arith.constant 1 : i32
    %get3A_2101 = arith.index_cast %get3A_2100 : i32 to index
    %get3A_2102 = arith.constant 144 : index
    %get3A_2103 = tpu.vector_load %arg9[%get3A_2101, %get3A_2102] {strides = array<i32>} : memref<2x768xf32, #tpu.memory_space<vmem>>, vector<16xf32>,
    %add3A_2104 = arith.addf %get3A_2099, %get3A_2103 : vector<16xf32>
    %mul3A_2105 = arith.constant 5.000000e-01 : f32
    %mul3A_2106 = vector.broadcast %mul3A_2105 : f32 to vector<16xf32>
    %mul3A_2107 = arith.mulf %mul3A_2106, %add3A_2104 : vector<16xf32>
    %swap3A_2108 = arith.constant 144 : index
    %swap3A_2109 = tpu.vector_load %arg10[%swap3A_2108] {strides = array<i32>} : memref<768xf32, #tpu.memory_space<vmem>>, vector<16xf32>,
    tpu.vector_store %arg10[%swap3A_2108], %mul3A_2107 {strides = array<i32>} : memref<768xf32, #tpu.memory_space<vmem>>, vector<16xf32>,
    %get3A_2110 = arith.constant 0 : i32
    %get3A_2111 = arith.index_cast %get3A_2110 : i32 to index
    %get3A_2112 = arith.constant 160 : index
    %get3A_2113 = tpu.vector_load %arg9[%get3A_2111, %get3A_2112] {strides = array<i32>} : memref<2x768xf32, #tpu.memory_space<vmem>>, vector<16xf32>,
    %get3A_2114 = arith.constant 1 : i32
    %get3A_2115 = arith.index_cast %get3A_2114 : i32 to index
    %get3A_2116 = arith.constant 160 : index
    %get3A_2117 = tpu.vector_load %arg9[%get3A_2115, %get3A_2116] {strides = array<i32>} : memref<2x768xf32, #tpu.memory_space<vmem>>, vector<16xf32>,
    %add3A_2118 = arith.addf %get3A_2113, %get3A_2117 : vector<16xf32>
    %mul3A_2119 = arith.constant 5.000000e-01 : f32
    %mul3A_2120 = vector.broadcast %mul3A_2119 : f32 to vector<16xf32>
    %mul3A_2121 = arith.mulf %mul3A_2120, %add3A_2118 : vector<16xf32>
    %swap3A_2122 = arith.constant 160 : index
    %swap3A_2123 = tpu.vector_load %arg10[%swap3A_2122] {strides = array<i32>} : memref<768xf32, #tpu.memory_space<vmem>>, vector<16xf32>,
    tpu.vector_store %arg10[%swap3A_2122], %mul3A_2121 {strides = array<i32>} : memref<768xf32, #tpu.memory_space<vmem>>, vector<16xf32>,
    %get3A_2124 = arith.constant 0 : i32
    %get3A_2125 = arith.index_cast %get3A_2124 : i32 to index
    %get3A_2126 = arith.constant 176 : index
    %get3A_2127 = tpu.vector_load %arg9[%get3A_2125, %get3A_2126] {strides = array<i32>} : memref<2x768xf32, #tpu.memory_space<vmem>>, vector<16xf32>,
    %get3A_2128 = arith.constant 1 : i32
    %get3A_2129 = arith.index_cast %get3A_2128 : i32 to index
    %get3A_2130 = arith.constant 176 : index
    %get3A_2131 = tpu.vector_load %arg9[%get3A_2129, %get3A_2130] {strides = array<i32>} : memref<2x768xf32, #tpu.memory_space<vmem>>, vector<16xf32>,
    %add3A_2132 = arith.addf %get3A_2127, %get3A_2131 : vector<16xf32>
    %mul3A_2133 = arith.constant 5.000000e-01 : f32
    %mul3A_2134 = vector.broadcast %mul3A_2133 : f32 to vector<16xf32>
    %mul3A_2135 = arith.mulf %mul3A_2134, %add3A_2132 : vector<16xf32>
    %swap3A_2136 = arith.constant 176 : index
    %swap3A_2137 = tpu.vector_load %arg10[%swap3A_2136] {strides = array<i32>} : memref<768xf32, #tpu.memory_space<vmem>>, vector<16xf32>,
    tpu.vector_store %arg10[%swap3A_2136], %mul3A_2135 {strides = array<i32>} : memref<768xf32, #tpu.memory_space<vmem>>, vector<16xf32>,
    %get3A_2138 = arith.constant 0 : i32
    %get3A_2139 = arith.index_cast %get3A_2138 : i32 to index
    %get3A_2140 = arith.constant 192 : index
    %get3A_2141 = tpu.vector_load %arg9[%get3A_2139, %get3A_2140] {strides = array<i32>} : memref<2x768xf32, #tpu.memory_space<vmem>>, vector<16xf32>,
    %get3A_2142 = arith.constant 1 : i32
    %get3A_2143 = arith.index_cast %get3A_2142 : i32 to index
    %get3A_2144 = arith.constant 192 : index
    %get3A_2145 = tpu.vector_load %arg9[%get3A_2143, %get3A_2144] {strides = array<i32>} : memref<2x768xf32, #tpu.memory_space<vmem>>, vector<16xf32>,
    %add3A_2146 = arith.addf %get3A_2141, %get3A_2145 : vector<16xf32>
    %mul3A_2147 = arith.constant 5.000000e-01 : f32
    %mul3A_2148 = vector.broadcast %mul3A_2147 : f32 to vector<16xf32>
    %mul3A_2149 = arith.mulf %mul3A_2148, %add3A_2146 : vector<16xf32>
    %swap3A_2150 = arith.constant 192 : index
    %swap3A_2151 = tpu.vector_load %arg10[%swap3A_2150] {strides = array<i32>} : memref<768xf32, #tpu.memory_space<vmem>>, vector<16xf32>,
    tpu.vector_store %arg10[%swap3A_2150], %mul3A_2149 {strides = array<i32>} : memref<768xf32, #tpu.memory_space<vmem>>, vector<16xf32>,
    %get3A_2152 = arith.constant 0 : i32
    %get3A_2153 = arith.index_cast %get3A_2152 : i32 to index
    %get3A_2154 = arith.constant 208 : index
    %get3A_2155 = tpu.vector_load %arg9[%get3A_2153, %get3A_2154] {strides = array<i32>} : memref<2x768xf32, #tpu.memory_space<vmem>>, vector<16xf32>,
    %get3A_2156 = arith.constant 1 : i32
    %get3A_2157 = arith.index_cast %get3A_2156 : i32 to index
    %get3A_2158 = arith.constant 208 : index
    %get3A_2159 = tpu.vector_load %arg9[%get3A_2157, %get3A_2158] {strides = array<i32>} : memref<2x768xf32, #tpu.memory_space<vmem>>, vector<16xf32>,
    %add3A_2160 = arith.addf %get3A_2155, %get3A_2159 : vector<16xf32>
    %mul3A_2161 = arith.constant 5.000000e-01 : f32
    %mul3A_2162 = vector.broadcast %mul3A_2161 : f32 to vector<16xf32>
    %mul3A_2163 = arith.mulf %mul3A_2162, %add3A_2160 : vector<16xf32>
    %swap3A_2164 = arith.constant 208 : index
    %swap3A_2165 = tpu.vector_load %arg10[%swap3A_2164] {strides = array<i32>} : memref<768xf32, #tpu.memory_space<vmem>>, vector<16xf32>,
    tpu.vector_store %arg10[%swap3A_2164], %mul3A_2163 {strides = array<i32>} : memref<768xf32, #tpu.memory_space<vmem>>, vector<16xf32>,
    %get3A_2166 = arith.constant 0 : i32
    %get3A_2167 = arith.index_cast %get3A_2166 : i32 to index
    %get3A_2168 = arith.constant 224 : index
    %get3A_2169 = tpu.vector_load %arg9[%get3A_2167, %get3A_2168] {strides = array<i32>} : memref<2x768xf32, #tpu.memory_space<vmem>>, vector<16xf32>,
    %get3A_2170 = arith.constant 1 : i32
    %get3A_2171 = arith.index_cast %get3A_2170 : i32 to index
    %get3A_2172 = arith.constant 224 : index
    %get3A_2173 = tpu.vector_load %arg9[%get3A_2171, %get3A_2172] {strides = array<i32>} : memref<2x768xf32, #tpu.memory_space<vmem>>, vector<16xf32>,
    %add3A_2174 = arith.addf %get3A_2169, %get3A_2173 : vector<16xf32>
    %mul3A_2175 = arith.constant 5.000000e-01 : f32
    %mul3A_2176 = vector.broadcast %mul3A_2175 : f32 to vector<16xf32>
    %mul3A_2177 = arith.mulf %mul3A_2176, %add3A_2174 : vector<16xf32>
    %swap3A_2178 = arith.constant 224 : index
    %swap3A_2179 = tpu.vector_load %arg10[%swap3A_2178] {strides = array<i32>} : memref<768xf32, #tpu.memory_space<vmem>>, vector<16xf32>,
    tpu.vector_store %arg10[%swap3A_2178], %mul3A_2177 {strides = array<i32>} : memref<768xf32, #tpu.memory_space<vmem>>, vector<16xf32>,
    %get3A_2180 = arith.constant 0 : i32
    %get3A_2181 = arith.index_cast %get3A_2180 : i32 to index
    %get3A_2182 = arith.constant 240 : index
    %get3A_2183 = tpu.vector_load %arg9[%get3A_2181, %get3A_2182] {strides = array<i32>} : memref<2x768xf32, #tpu.memory_space<vmem>>, vector<16xf32>,
    %get3A_2184 = arith.constant 1 : i32
    %get3A_2185 = arith.index_cast %get3A_2184 : i32 to index
    %get3A_2186 = arith.constant 240 : index
    %get3A_2187 = tpu.vector_load %arg9[%get3A_2185, %get3A_2186] {strides = array<i32>} : memref<2x768xf32, #tpu.memory_space<vmem>>, vector<16xf32>,
    %add3A_2188 = arith.addf %get3A_2183, %get3A_2187 : vector<16xf32>
    %mul3A_2189 = arith.constant 5.000000e-01 : f32
    %mul3A_2190 = vector.broadcast %mul3A_2189 : f32 to vector<16xf32>
    %mul3A_2191 = arith.mulf %mul3A_2190, %add3A_2188 : vector<16xf32>
    %swap3A_2192 = arith.constant 240 : index
    %swap3A_2193 = tpu.vector_load %arg10[%swap3A_2192] {strides = array<i32>} : memref<768xf32, #tpu.memory_space<vmem>>, vector<16xf32>,
    tpu.vector_store %arg10[%swap3A_2192], %mul3A_2191 {strides = array<i32>} : memref<768xf32, #tpu.memory_space<vmem>>, vector<16xf32>,
    %get3A_2194 = arith.constant 0 : i32
    %get3A_2195 = arith.index_cast %get3A_2194 : i32 to index
    %get3A_2196 = arith.constant 256 : index
    %get3A_2197 = tpu.vector_load %arg9[%get3A_2195, %get3A_2196] {strides = array<i32>} : memref<2x768xf32, #tpu.memory_space<vmem>>, vector<16xf32>,
    %get3A_2198 = arith.constant 1 : i32
    %get3A_2199 = arith.index_cast %get3A_2198 : i32 to index
    %get3A_2200 = arith.constant 256 : index
    %get3A_2201 = tpu.vector_load %arg9[%get3A_2199, %get3A_2200] {strides = array<i32>} : memref<2x768xf32, #tpu.memory_space<vmem>>, vector<16xf32>,
    %add3A_2202 = arith.addf %get3A_2197, %get3A_2201 : vector<16xf32>
    %mul3A_2203 = arith.constant 5.000000e-01 : f32
    %mul3A_2204 = vector.broadcast %mul3A_2203 : f32 to vector<16xf32>
    %mul3A_2205 = arith.mulf %mul3A_2204, %add3A_2202 : vector<16xf32>
    %swap3A_2206 = arith.constant 256 : index
    %swap3A_2207 = tpu.vector_load %arg10[%swap3A_2206] {strides = array<i32>} : memref<768xf32, #tpu.memory_space<vmem>>, vector<16xf32>,
    tpu.vector_store %arg10[%swap3A_2206], %mul3A_2205 {strides = array<i32>} : memref<768xf32, #tpu.memory_space<vmem>>, vector<16xf32>,
    %get3A_2208 = arith.constant 0 : i32
    %get3A_2209 = arith.index_cast %get3A_2208 : i32 to index
    %get3A_2210 = arith.constant 272 : index
    %get3A_2211 = tpu.vector_load %arg9[%get3A_2209, %get3A_2210] {strides = array<i32>} : memref<2x768xf32, #tpu.memory_space<vmem>>, vector<16xf32>,
    %get3A_2212 = arith.constant 1 : i32
    %get3A_2213 = arith.index_cast %get3A_2212 : i32 to index
    %get3A_2214 = arith.constant 272 : index
    %get3A_2215 = tpu.vector_load %arg9[%get3A_2213, %get3A_2214] {strides = array<i32>} : memref<2x768xf32, #tpu.memory_space<vmem>>, vector<16xf32>,
    %add3A_2216 = arith.addf %get3A_2211, %get3A_2215 : vector<16xf32>
    %mul3A_2217 = arith.constant 5.000000e-01 : f32
    %mul3A_2218 = vector.broadcast %mul3A_2217 : f32 to vector<16xf32>
    %mul3A_2219 = arith.mulf %mul3A_2218, %add3A_2216 : vector<16xf32>
    %swap3A_2220 = arith.constant 272 : index
    %swap3A_2221 = tpu.vector_load %arg10[%swap3A_2220] {strides = array<i32>} : memref<768xf32, #tpu.memory_space<vmem>>, vector<16xf32>,
    tpu.vector_store %arg10[%swap3A_2220], %mul3A_2219 {strides = array<i32>} : memref<768xf32, #tpu.memory_space<vmem>>, vector<16xf32>,
    %get3A_2222 = arith.constant 0 : i32
    %get3A_2223 = arith.index_cast %get3A_2222 : i32 to index
    %get3A_2224 = arith.constant 288 : index
    %get3A_2225 = tpu.vector_load %arg9[%get3A_2223, %get3A_2224] {strides = array<i32>} : memref<2x768xf32, #tpu.memory_space<vmem>>, vector<16xf32>,
    %get3A_2226 = arith.constant 1 : i32
    %get3A_2227 = arith.index_cast %get3A_2226 : i32 to index
    %get3A_2228 = arith.constant 288 : index
    %get3A_2229 = tpu.vector_load %arg9[%get3A_2227, %get3A_2228] {strides = array<i32>} : memref<2x768xf32, #tpu.memory_space<vmem>>, vector<16xf32>,
    %add3A_2230 = arith.addf %get3A_2225, %get3A_2229 : vector<16xf32>
    %mul3A_2231 = arith.constant 5.000000e-01 : f32
    %mul3A_2232 = vector.broadcast %mul3A_2231 : f32 to vector<16xf32>
    %mul3A_2233 = arith.mulf %mul3A_2232, %add3A_2230 : vector<16xf32>
    %swap3A_2234 = arith.constant 288 : index
    %swap3A_2235 = tpu.vector_load %arg10[%swap3A_2234] {strides = array<i32>} : memref<768xf32, #tpu.memory_space<vmem>>, vector<16xf32>,
    tpu.vector_store %arg10[%swap3A_2234], %mul3A_2233 {strides = array<i32>} : memref<768xf32, #tpu.memory_space<vmem>>, vector<16xf32>,
    %get3A_2236 = arith.constant 0 : i32
    %get3A_2237 = arith.index_cast %get3A_2236 : i32 to index
    %get3A_2238 = arith.constant 304 : index
    %get3A_2239 = tpu.vector_load %arg9[%get3A_2237, %get3A_2238] {strides = array<i32>} : memref<2x768xf32, #tpu.memory_space<vmem>>, vector<16xf32>,
    %get3A_2240 = arith.constant 1 : i32
    %get3A_2241 = arith.index_cast %get3A_2240 : i32 to index
    %get3A_2242 = arith.constant 304 : index
    %get3A_2243 = tpu.vector_load %arg9[%get3A_2241, %get3A_2242] {strides = array<i32>} : memref<2x768xf32, #tpu.memory_space<vmem>>, vector<16xf32>,
    %add3A_2244 = arith.addf %get3A_2239, %get3A_2243 : vector<16xf32>
    %mul3A_2245 = arith.constant 5.000000e-01 : f32
    %mul3A_2246 = vector.broadcast %mul3A_2245 : f32 to vector<16xf32>
    %mul3A_2247 = arith.mulf %mul3A_2246, %add3A_2244 : vector<16xf32>
    %swap3A_2248 = arith.constant 304 : index
    %swap3A_2249 = tpu.vector_load %arg10[%swap3A_2248] {strides = array<i32>} : memref<768xf32, #tpu.memory_space<vmem>>, vector<16xf32>,
    tpu.vector_store %arg10[%swap3A_2248], %mul3A_2247 {strides = array<i32>} : memref<768xf32, #tpu.memory_space<vmem>>, vector<16xf32>,
    %get3A_2250 = arith.constant 0 : i32
    %get3A_2251 = arith.index_cast %get3A_2250 : i32 to index
    %get3A_2252 = arith.constant 320 : index
    %get3A_2253 = tpu.vector_load %arg9[%get3A_2251, %get3A_2252] {strides = array<i32>} : memref<2x768xf32, #tpu.memory_space<vmem>>, vector<16xf32>,
    %get3A_2254 = arith.constant 1 : i32
    %get3A_2255 = arith.index_cast %get3A_2254 : i32 to index
    %get3A_2256 = arith.constant 320 : index
    %get3A_2257 = tpu.vector_load %arg9[%get3A_2255, %get3A_2256] {strides = array<i32>} : memref<2x768xf32, #tpu.memory_space<vmem>>, vector<16xf32>,
    %add3A_2258 = arith.addf %get3A_2253, %get3A_2257 : vector<16xf32>
    %mul3A_2259 = arith.constant 5.000000e-01 : f32
    %mul3A_2260 = vector.broadcast %mul3A_2259 : f32 to vector<16xf32>
    %mul3A_2261 = arith.mulf %mul3A_2260, %add3A_2258 : vector<16xf32>
    %swap3A_2262 = arith.constant 320 : index
    %swap3A_2263 = tpu.vector_load %arg10[%swap3A_2262] {strides = array<i32>} : memref<768xf32, #tpu.memory_space<vmem>>, vector<16xf32>,
    tpu.vector_store %arg10[%swap3A_2262], %mul3A_2261 {strides = array<i32>} : memref<768xf32, #tpu.memory_space<vmem>>, vector<16xf32>,
    %get3A_2264 = arith.constant 0 : i32
    %get3A_2265 = arith.index_cast %get3A_2264 : i32 to index
    %get3A_2266 = arith.constant 336 : index
    %get3A_2267 = tpu.vector_load %arg9[%get3A_2265, %get3A_2266] {strides = array<i32>} : memref<2x768xf32, #tpu.memory_space<vmem>>, vector<16xf32>,
    %get3A_2268 = arith.constant 1 : i32
    %get3A_2269 = arith.index_cast %get3A_2268 : i32 to index
    %get3A_2270 = arith.constant 336 : index
    %get3A_2271 = tpu.vector_load %arg9[%get3A_2269, %get3A_2270] {strides = array<i32>} : memref<2x768xf32, #tpu.memory_space<vmem>>, vector<16xf32>,
    %add3A_2272 = arith.addf %get3A_2267, %get3A_2271 : vector<16xf32>
    %mul3A_2273 = arith.constant 5.000000e-01 : f32
    %mul3A_2274 = vector.broadcast %mul3A_2273 : f32 to vector<16xf32>
    %mul3A_2275 = arith.mulf %mul3A_2274, %add3A_2272 : vector<16xf32>
    %swap3A_2276 = arith.constant 336 : index
    %swap3A_2277 = tpu.vector_load %arg10[%swap3A_2276] {strides = array<i32>} : memref<768xf32, #tpu.memory_space<vmem>>, vector<16xf32>,
    tpu.vector_store %arg10[%swap3A_2276], %mul3A_2275 {strides = array<i32>} : memref<768xf32, #tpu.memory_space<vmem>>, vector<16xf32>,
    %get3A_2278 = arith.constant 0 : i32
    %get3A_2279 = arith.index_cast %get3A_2278 : i32 to index
    %get3A_2280 = arith.constant 352 : index
    %get3A_2281 = tpu.vector_load %arg9[%get3A_2279, %get3A_2280] {strides = array<i32>} : memref<2x768xf32, #tpu.memory_space<vmem>>, vector<16xf32>,
    %get3A_2282 = arith.constant 1 : i32
    %get3A_2283 = arith.index_cast %get3A_2282 : i32 to index
    %get3A_2284 = arith.constant 352 : index
    %get3A_2285 = tpu.vector_load %arg9[%get3A_2283, %get3A_2284] {strides = array<i32>} : memref<2x768xf32, #tpu.memory_space<vmem>>, vector<16xf32>,
    %add3A_2286 = arith.addf %get3A_2281, %get3A_2285 : vector<16xf32>
    %mul3A_2287 = arith.constant 5.000000e-01 : f32
    %mul3A_2288 = vector.broadcast %mul3A_2287 : f32 to vector<16xf32>
    %mul3A_2289 = arith.mulf %mul3A_2288, %add3A_2286 : vector<16xf32>
    %swap3A_2290 = arith.constant 352 : index
    %swap3A_2291 = tpu.vector_load %arg10[%swap3A_2290] {strides = array<i32>} : memref<768xf32, #tpu.memory_space<vmem>>, vector<16xf32>,
    tpu.vector_store %arg10[%swap3A_2290], %mul3A_2289 {strides = array<i32>} : memref<768xf32, #tpu.memory_space<vmem>>, vector<16xf32>,
    %get3A_2292 = arith.constant 0 : i32
    %get3A_2293 = arith.index_cast %get3A_2292 : i32 to index
    %get3A_2294 = arith.constant 368 : index
    %get3A_2295 = tpu.vector_load %arg9[%get3A_2293, %get3A_2294] {strides = array<i32>} : memref<2x768xf32, #tpu.memory_space<vmem>>, vector<16xf32>,
    %get3A_2296 = arith.constant 1 : i32
    %get3A_2297 = arith.index_cast %get3A_2296 : i32 to index
    %get3A_2298 = arith.constant 368 : index
    %get3A_2299 = tpu.vector_load %arg9[%get3A_2297, %get3A_2298] {strides = array<i32>} : memref<2x768xf32, #tpu.memory_space<vmem>>, vector<16xf32>,
    %add3A_2300 = arith.addf %get3A_2295, %get3A_2299 : vector<16xf32>
    %mul3A_2301 = arith.constant 5.000000e-01 : f32
    %mul3A_2302 = vector.broadcast %mul3A_2301 : f32 to vector<16xf32>
    %mul3A_2303 = arith.mulf %mul3A_2302, %add3A_2300 : vector<16xf32>
    %swap3A_2304 = arith.constant 368 : index
    %swap3A_2305 = tpu.vector_load %arg10[%swap3A_2304] {strides = array<i32>} : memref<768xf32, #tpu.memory_space<vmem>>, vector<16xf32>,
    tpu.vector_store %arg10[%swap3A_2304], %mul3A_2303 {strides = array<i32>} : memref<768xf32, #tpu.memory_space<vmem>>, vector<16xf32>,
    %get3A_2306 = arith.constant 0 : i32
    %get3A_2307 = arith.index_cast %get3A_2306 : i32 to index
    %get3A_2308 = arith.constant 384 : index
    %get3A_2309 = tpu.vector_load %arg9[%get3A_2307, %get3A_2308] {strides = array<i32>} : memref<2x768xf32, #tpu.memory_space<vmem>>, vector<16xf32>,
    %get3A_2310 = arith.constant 1 : i32
    %get3A_2311 = arith.index_cast %get3A_2310 : i32 to index
    %get3A_2312 = arith.constant 384 : index
    %get3A_2313 = tpu.vector_load %arg9[%get3A_2311, %get3A_2312] {strides = array<i32>} : memref<2x768xf32, #tpu.memory_space<vmem>>, vector<16xf32>,
    %add3A_2314 = arith.addf %get3A_2309, %get3A_2313 : vector<16xf32>
    %mul3A_2315 = arith.constant 5.000000e-01 : f32
    %mul3A_2316 = vector.broadcast %mul3A_2315 : f32 to vector<16xf32>
    %mul3A_2317 = arith.mulf %mul3A_2316, %add3A_2314 : vector<16xf32>
    %swap3A_2318 = arith.constant 384 : index
    %swap3A_2319 = tpu.vector_load %arg10[%swap3A_2318] {strides = array<i32>} : memref<768xf32, #tpu.memory_space<vmem>>, vector<16xf32>,
    tpu.vector_store %arg10[%swap3A_2318], %mul3A_2317 {strides = array<i32>} : memref<768xf32, #tpu.memory_space<vmem>>, vector<16xf32>,
    %get3A_2320 = arith.constant 0 : i32
    %get3A_2321 = arith.index_cast %get3A_2320 : i32 to index
    %get3A_2322 = arith.constant 400 : index
    %get3A_2323 = tpu.vector_load %arg9[%get3A_2321, %get3A_2322] {strides = array<i32>} : memref<2x768xf32, #tpu.memory_space<vmem>>, vector<16xf32>,
    %get3A_2324 = arith.constant 1 : i32
    %get3A_2325 = arith.index_cast %get3A_2324 : i32 to index
    %get3A_2326 = arith.constant 400 : index
    %get3A_2327 = tpu.vector_load %arg9[%get3A_2325, %get3A_2326] {strides = array<i32>} : memref<2x768xf32, #tpu.memory_space<vmem>>, vector<16xf32>,
    %add3A_2328 = arith.addf %get3A_2323, %get3A_2327 : vector<16xf32>
    %mul3A_2329 = arith.constant 5.000000e-01 : f32
    %mul3A_2330 = vector.broadcast %mul3A_2329 : f32 to vector<16xf32>
    %mul3A_2331 = arith.mulf %mul3A_2330, %add3A_2328 : vector<16xf32>
    %swap3A_2332 = arith.constant 400 : index
    %swap3A_2333 = tpu.vector_load %arg10[%swap3A_2332] {strides = array<i32>} : memref<768xf32, #tpu.memory_space<vmem>>, vector<16xf32>,
    tpu.vector_store %arg10[%swap3A_2332], %mul3A_2331 {strides = array<i32>} : memref<768xf32, #tpu.memory_space<vmem>>, vector<16xf32>,
    %get3A_2334 = arith.constant 0 : i32
    %get3A_2335 = arith.index_cast %get3A_2334 : i32 to index
    %get3A_2336 = arith.constant 416 : index
    %get3A_2337 = tpu.vector_load %arg9[%get3A_2335, %get3A_2336] {strides = array<i32>} : memref<2x768xf32, #tpu.memory_space<vmem>>, vector<16xf32>,
    %get3A_2338 = arith.constant 1 : i32
    %get3A_2339 = arith.index_cast %get3A_2338 : i32 to index
    %get3A_2340 = arith.constant 416 : index
    %get3A_2341 = tpu.vector_load %arg9[%get3A_2339, %get3A_2340] {strides = array<i32>} : memref<2x768xf32, #tpu.memory_space<vmem>>, vector<16xf32>,
    %add3A_2342 = arith.addf %get3A_2337, %get3A_2341 : vector<16xf32>
    %mul3A_2343 = arith.constant 5.000000e-01 : f32
    %mul3A_2344 = vector.broadcast %mul3A_2343 : f32 to vector<16xf32>
    %mul3A_2345 = arith.mulf %mul3A_2344, %add3A_2342 : vector<16xf32>
    %swap3A_2346 = arith.constant 416 : index
    %swap3A_2347 = tpu.vector_load %arg10[%swap3A_2346] {strides = array<i32>} : memref<768xf32, #tpu.memory_space<vmem>>, vector<16xf32>,
    tpu.vector_store %arg10[%swap3A_2346], %mul3A_2345 {strides = array<i32>} : memref<768xf32, #tpu.memory_space<vmem>>, vector<16xf32>,
    %get3A_2348 = arith.constant 0 : i32
    %get3A_2349 = arith.index_cast %get3A_2348 : i32 to index
    %get3A_2350 = arith.constant 432 : index
    %get3A_2351 = tpu.vector_load %arg9[%get3A_2349, %get3A_2350] {strides = array<i32>} : memref<2x768xf32, #tpu.memory_space<vmem>>, vector<16xf32>,
    %get3A_2352 = arith.constant 1 : i32
    %get3A_2353 = arith.index_cast %get3A_2352 : i32 to index
    %get3A_2354 = arith.constant 432 : index
    %get3A_2355 = tpu.vector_load %arg9[%get3A_2353, %get3A_2354] {strides = array<i32>} : memref<2x768xf32, #tpu.memory_space<vmem>>, vector<16xf32>,
    %add3A_2356 = arith.addf %get3A_2351, %get3A_2355 : vector<16xf32>
    %mul3A_2357 = arith.constant 5.000000e-01 : f32
    %mul3A_2358 = vector.broadcast %mul3A_2357 : f32 to vector<16xf32>
    %mul3A_2359 = arith.mulf %mul3A_2358, %add3A_2356 : vector<16xf32>
    %swap3A_2360 = arith.constant 432 : index
    %swap3A_2361 = tpu.vector_load %arg10[%swap3A_2360] {strides = array<i32>} : memref<768xf32, #tpu.memory_space<vmem>>, vector<16xf32>,
    tpu.vector_store %arg10[%swap3A_2360], %mul3A_2359 {strides = array<i32>} : memref<768xf32, #tpu.memory_space<vmem>>, vector<16xf32>,
    %get3A_2362 = arith.constant 0 : i32
    %get3A_2363 = arith.index_cast %get3A_2362 : i32 to index
    %get3A_2364 = arith.constant 448 : index
    %get3A_2365 = tpu.vector_load %arg9[%get3A_2363, %get3A_2364] {strides = array<i32>} : memref<2x768xf32, #tpu.memory_space<vmem>>, vector<16xf32>,
    %get3A_2366 = arith.constant 1 : i32
    %get3A_2367 = arith.index_cast %get3A_2366 : i32 to index
    %get3A_2368 = arith.constant 448 : index
    %get3A_2369 = tpu.vector_load %arg9[%get3A_2367, %get3A_2368] {strides = array<i32>} : memref<2x768xf32, #tpu.memory_space<vmem>>, vector<16xf32>,
    %add3A_2370 = arith.addf %get3A_2365, %get3A_2369 : vector<16xf32>
    %mul3A_2371 = arith.constant 5.000000e-01 : f32
    %mul3A_2372 = vector.broadcast %mul3A_2371 : f32 to vector<16xf32>
    %mul3A_2373 = arith.mulf %mul3A_2372, %add3A_2370 : vector<16xf32>
    %swap3A_2374 = arith.constant 448 : index
    %swap3A_2375 = tpu.vector_load %arg10[%swap3A_2374] {strides = array<i32>} : memref<768xf32, #tpu.memory_space<vmem>>, vector<16xf32>,
    tpu.vector_store %arg10[%swap3A_2374], %mul3A_2373 {strides = array<i32>} : memref<768xf32, #tpu.memory_space<vmem>>, vector<16xf32>,
    %get3A_2376 = arith.constant 0 : i32
    %get3A_2377 = arith.index_cast %get3A_2376 : i32 to index
    %get3A_2378 = arith.constant 464 : index
    %get3A_2379 = tpu.vector_load %arg9[%get3A_2377, %get3A_2378] {strides = array<i32>} : memref<2x768xf32, #tpu.memory_space<vmem>>, vector<16xf32>,
    %get3A_2380 = arith.constant 1 : i32
    %get3A_2381 = arith.index_cast %get3A_2380 : i32 to index
    %get3A_2382 = arith.constant 464 : index
    %get3A_2383 = tpu.vector_load %arg9[%get3A_2381, %get3A_2382] {strides = array<i32>} : memref<2x768xf32, #tpu.memory_space<vmem>>, vector<16xf32>,
    %add3A_2384 = arith.addf %get3A_2379, %get3A_2383 : vector<16xf32>
    %mul3A_2385 = arith.constant 5.000000e-01 : f32
    %mul3A_2386 = vector.broadcast %mul3A_2385 : f32 to vector<16xf32>
    %mul3A_2387 = arith.mulf %mul3A_2386, %add3A_2384 : vector<16xf32>
    %swap3A_2388 = arith.constant 464 : index
    %swap3A_2389 = tpu.vector_load %arg10[%swap3A_2388] {strides = array<i32>} : memref<768xf32, #tpu.memory_space<vmem>>, vector<16xf32>,
    tpu.vector_store %arg10[%swap3A_2388], %mul3A_2387 {strides = array<i32>} : memref<768xf32, #tpu.memory_space<vmem>>, vector<16xf32>,
    %get3A_2390 = arith.constant 0 : i32
    %get3A_2391 = arith.index_cast %get3A_2390 : i32 to index
    %get3A_2392 = arith.constant 480 : index
    %get3A_2393 = tpu.vector_load %arg9[%get3A_2391, %get3A_2392] {strides = array<i32>} : memref<2x768xf32, #tpu.memory_space<vmem>>, vector<16xf32>,
    %get3A_2394 = arith.constant 1 : i32
    %get3A_2395 = arith.index_cast %get3A_2394 : i32 to index
    %get3A_2396 = arith.constant 480 : index
    %get3A_2397 = tpu.vector_load %arg9[%get3A_2395, %get3A_2396] {strides = array<i32>} : memref<2x768xf32, #tpu.memory_space<vmem>>, vector<16xf32>,
    %add3A_2398 = arith.addf %get3A_2393, %get3A_2397 : vector<16xf32>
    %mul3A_2399 = arith.constant 5.000000e-01 : f32
    %mul3A_2400 = vector.broadcast %mul3A_2399 : f32 to vector<16xf32>
    %mul3A_2401 = arith.mulf %mul3A_2400, %add3A_2398 : vector<16xf32>
    %swap3A_2402 = arith.constant 480 : index
    %swap3A_2403 = tpu.vector_load %arg10[%swap3A_2402] {strides = array<i32>} : memref<768xf32, #tpu.memory_space<vmem>>, vector<16xf32>,
    tpu.vector_store %arg10[%swap3A_2402], %mul3A_2401 {strides = array<i32>} : memref<768xf32, #tpu.memory_space<vmem>>, vector<16xf32>,
    %get3A_2404 = arith.constant 0 : i32
    %get3A_2405 = arith.index_cast %get3A_2404 : i32 to index
    %get3A_2406 = arith.constant 496 : index
    %get3A_2407 = tpu.vector_load %arg9[%get3A_2405, %get3A_2406] {strides = array<i32>} : memref<2x768xf32, #tpu.memory_space<vmem>>, vector<16xf32>,
    %get3A_2408 = arith.constant 1 : i32
    %get3A_2409 = arith.index_cast %get3A_2408 : i32 to index
    %get3A_2410 = arith.constant 496 : index
    %get3A_2411 = tpu.vector_load %arg9[%get3A_2409, %get3A_2410] {strides = array<i32>} : memref<2x768xf32, #tpu.memory_space<vmem>>, vector<16xf32>,
    %add3A_2412 = arith.addf %get3A_2407, %get3A_2411 : vector<16xf32>
    %mul3A_2413 = arith.constant 5.000000e-01 : f32
    %mul3A_2414 = vector.broadcast %mul3A_2413 : f32 to vector<16xf32>
    %mul3A_2415 = arith.mulf %mul3A_2414, %add3A_2412 : vector<16xf32>
    %swap3A_2416 = arith.constant 496 : index
    %swap3A_2417 = tpu.vector_load %arg10[%swap3A_2416] {strides = array<i32>} : memref<768xf32, #tpu.memory_space<vmem>>, vector<16xf32>,
    tpu.vector_store %arg10[%swap3A_2416], %mul3A_2415 {strides = array<i32>} : memref<768xf32, #tpu.memory_space<vmem>>, vector<16xf32>,
    %get3A_2418 = arith.constant 0 : i32
    %get3A_2419 = arith.index_cast %get3A_2418 : i32 to index
    %get3A_2420 = arith.constant 512 : index
    %get3A_2421 = tpu.vector_load %arg9[%get3A_2419, %get3A_2420] {strides = array<i32>} : memref<2x768xf32, #tpu.memory_space<vmem>>, vector<16xf32>,
    %get3A_2422 = arith.constant 1 : i32
    %get3A_2423 = arith.index_cast %get3A_2422 : i32 to index
    %get3A_2424 = arith.constant 512 : index
    %get3A_2425 = tpu.vector_load %arg9[%get3A_2423, %get3A_2424] {strides = array<i32>} : memref<2x768xf32, #tpu.memory_space<vmem>>, vector<16xf32>,
    %add3A_2426 = arith.addf %get3A_2421, %get3A_2425 : vector<16xf32>
    %mul3A_2427 = arith.constant 5.000000e-01 : f32
    %mul3A_2428 = vector.broadcast %mul3A_2427 : f32 to vector<16xf32>
    %mul3A_2429 = arith.mulf %mul3A_2428, %add3A_2426 : vector<16xf32>
    %swap3A_2430 = arith.constant 512 : index
    %swap3A_2431 = tpu.vector_load %arg10[%swap3A_2430] {strides = array<i32>} : memref<768xf32, #tpu.memory_space<vmem>>, vector<16xf32>,
    tpu.vector_store %arg10[%swap3A_2430], %mul3A_2429 {strides = array<i32>} : memref<768xf32, #tpu.memory_space<vmem>>, vector<16xf32>,
    %get3A_2432 = arith.constant 0 : i32
    %get3A_2433 = arith.index_cast %get3A_2432 : i32 to index
    %get3A_2434 = arith.constant 528 : index
    %get3A_2435 = tpu.vector_load %arg9[%get3A_2433, %get3A_2434] {strides = array<i32>} : memref<2x768xf32, #tpu.memory_space<vmem>>, vector<16xf32>,
    %get3A_2436 = arith.constant 1 : i32
    %get3A_2437 = arith.index_cast %get3A_2436 : i32 to index
    %get3A_2438 = arith.constant 528 : index
    %get3A_2439 = tpu.vector_load %arg9[%get3A_2437, %get3A_2438] {strides = array<i32>} : memref<2x768xf32, #tpu.memory_space<vmem>>, vector<16xf32>,
    %add3A_2440 = arith.addf %get3A_2435, %get3A_2439 : vector<16xf32>
    %mul3A_2441 = arith.constant 5.000000e-01 : f32
    %mul3A_2442 = vector.broadcast %mul3A_2441 : f32 to vector<16xf32>
    %mul3A_2443 = arith.mulf %mul3A_2442, %add3A_2440 : vector<16xf32>
    %swap3A_2444 = arith.constant 528 : index
    %swap3A_2445 = tpu.vector_load %arg10[%swap3A_2444] {strides = array<i32>} : memref<768xf32, #tpu.memory_space<vmem>>, vector<16xf32>,
    tpu.vector_store %arg10[%swap3A_2444], %mul3A_2443 {strides = array<i32>} : memref<768xf32, #tpu.memory_space<vmem>>, vector<16xf32>,
    %get3A_2446 = arith.constant 0 : i32
    %get3A_2447 = arith.index_cast %get3A_2446 : i32 to index
    %get3A_2448 = arith.constant 544 : index
    %get3A_2449 = tpu.vector_load %arg9[%get3A_2447, %get3A_2448] {strides = array<i32>} : memref<2x768xf32, #tpu.memory_space<vmem>>, vector<16xf32>,
    %get3A_2450 = arith.constant 1 : i32
    %get3A_2451 = arith.index_cast %get3A_2450 : i32 to index
    %get3A_2452 = arith.constant 544 : index
    %get3A_2453 = tpu.vector_load %arg9[%get3A_2451, %get3A_2452] {strides = array<i32>} : memref<2x768xf32, #tpu.memory_space<vmem>>, vector<16xf32>,
    %add3A_2454 = arith.addf %get3A_2449, %get3A_2453 : vector<16xf32>
    %mul3A_2455 = arith.constant 5.000000e-01 : f32
    %mul3A_2456 = vector.broadcast %mul3A_2455 : f32 to vector<16xf32>
    %mul3A_2457 = arith.mulf %mul3A_2456, %add3A_2454 : vector<16xf32>
    %swap3A_2458 = arith.constant 544 : index
    %swap3A_2459 = tpu.vector_load %arg10[%swap3A_2458] {strides = array<i32>} : memref<768xf32, #tpu.memory_space<vmem>>, vector<16xf32>,
    tpu.vector_store %arg10[%swap3A_2458], %mul3A_2457 {strides = array<i32>} : memref<768xf32, #tpu.memory_space<vmem>>, vector<16xf32>,
    %get3A_2460 = arith.constant 0 : i32
    %get3A_2461 = arith.index_cast %get3A_2460 : i32 to index
    %get3A_2462 = arith.constant 560 : index
    %get3A_2463 = tpu.vector_load %arg9[%get3A_2461, %get3A_2462] {strides = array<i32>} : memref<2x768xf32, #tpu.memory_space<vmem>>, vector<16xf32>,
    %get3A_2464 = arith.constant 1 : i32
    %get3A_2465 = arith.index_cast %get3A_2464 : i32 to index
    %get3A_2466 = arith.constant 560 : index
    %get3A_2467 = tpu.vector_load %arg9[%get3A_2465, %get3A_2466] {strides = array<i32>} : memref<2x768xf32, #tpu.memory_space<vmem>>, vector<16xf32>,
    %add3A_2468 = arith.addf %get3A_2463, %get3A_2467 : vector<16xf32>
    %mul3A_2469 = arith.constant 5.000000e-01 : f32
    %mul3A_2470 = vector.broadcast %mul3A_2469 : f32 to vector<16xf32>
    %mul3A_2471 = arith.mulf %mul3A_2470, %add3A_2468 : vector<16xf32>
    %swap3A_2472 = arith.constant 560 : index
    %swap3A_2473 = tpu.vector_load %arg10[%swap3A_2472] {strides = array<i32>} : memref<768xf32, #tpu.memory_space<vmem>>, vector<16xf32>,
    tpu.vector_store %arg10[%swap3A_2472], %mul3A_2471 {strides = array<i32>} : memref<768xf32, #tpu.memory_space<vmem>>, vector<16xf32>,
    %get3A_2474 = arith.constant 0 : i32
    %get3A_2475 = arith.index_cast %get3A_2474 : i32 to index
    %get3A_2476 = arith.constant 576 : index
    %get3A_2477 = tpu.vector_load %arg9[%get3A_2475, %get3A_2476] {strides = array<i32>} : memref<2x768xf32, #tpu.memory_space<vmem>>, vector<16xf32>,
    %get3A_2478 = arith.constant 1 : i32
    %get3A_2479 = arith.index_cast %get3A_2478 : i32 to index
    %get3A_2480 = arith.constant 576 : index
    %get3A_2481 = tpu.vector_load %arg9[%get3A_2479, %get3A_2480] {strides = array<i32>} : memref<2x768xf32, #tpu.memory_space<vmem>>, vector<16xf32>,
    %add3A_2482 = arith.addf %get3A_2477, %get3A_2481 : vector<16xf32>
    %mul3A_2483 = arith.constant 5.000000e-01 : f32
    %mul3A_2484 = vector.broadcast %mul3A_2483 : f32 to vector<16xf32>
    %mul3A_2485 = arith.mulf %mul3A_2484, %add3A_2482 : vector<16xf32>
    %swap3A_2486 = arith.constant 576 : index
    %swap3A_2487 = tpu.vector_load %arg10[%swap3A_2486] {strides = array<i32>} : memref<768xf32, #tpu.memory_space<vmem>>, vector<16xf32>,
    tpu.vector_store %arg10[%swap3A_2486], %mul3A_2485 {strides = array<i32>} : memref<768xf32, #tpu.memory_space<vmem>>, vector<16xf32>,
    %get3A_2488 = arith.constant 0 : i32
    %get3A_2489 = arith.index_cast %get3A_2488 : i32 to index
    %get3A_2490 = arith.constant 592 : index
    %get3A_2491 = tpu.vector_load %arg9[%get3A_2489, %get3A_2490] {strides = array<i32>} : memref<2x768xf32, #tpu.memory_space<vmem>>, vector<16xf32>,
    %get3A_2492 = arith.constant 1 : i32
    %get3A_2493 = arith.index_cast %get3A_2492 : i32 to index
    %get3A_2494 = arith.constant 592 : index
    %get3A_2495 = tpu.vector_load %arg9[%get3A_2493, %get3A_2494] {strides = array<i32>} : memref<2x768xf32, #tpu.memory_space<vmem>>, vector<16xf32>,
    %add3A_2496 = arith.addf %get3A_2491, %get3A_2495 : vector<16xf32>
    %mul3A_2497 = arith.constant 5.000000e-01 : f32
    %mul3A_2498 = vector.broadcast %mul3A_2497 : f32 to vector<16xf32>
    %mul3A_2499 = arith.mulf %mul3A_2498, %add3A_2496 : vector<16xf32>
    %swap3A_2500 = arith.constant 592 : index
    %swap3A_2501 = tpu.vector_load %arg10[%swap3A_2500] {strides = array<i32>} : memref<768xf32, #tpu.memory_space<vmem>>, vector<16xf32>,
    tpu.vector_store %arg10[%swap3A_2500], %mul3A_2499 {strides = array<i32>} : memref<768xf32, #tpu.memory_space<vmem>>, vector<16xf32>,
    %get3A_2502 = arith.constant 0 : i32
    %get3A_2503 = arith.index_cast %get3A_2502 : i32 to index
    %get3A_2504 = arith.constant 608 : index
    %get3A_2505 = tpu.vector_load %arg9[%get3A_2503, %get3A_2504] {strides = array<i32>} : memref<2x768xf32, #tpu.memory_space<vmem>>, vector<16xf32>,
    %get3A_2506 = arith.constant 1 : i32
    %get3A_2507 = arith.index_cast %get3A_2506 : i32 to index
    %get3A_2508 = arith.constant 608 : index
    %get3A_2509 = tpu.vector_load %arg9[%get3A_2507, %get3A_2508] {strides = array<i32>} : memref<2x768xf32, #tpu.memory_space<vmem>>, vector<16xf32>,
    %add3A_2510 = arith.addf %get3A_2505, %get3A_2509 : vector<16xf32>
    %mul3A_2511 = arith.constant 5.000000e-01 : f32
    %mul3A_2512 = vector.broadcast %mul3A_2511 : f32 to vector<16xf32>
    %mul3A_2513 = arith.mulf %mul3A_2512, %add3A_2510 : vector<16xf32>
    %swap3A_2514 = arith.constant 608 : index
    %swap3A_2515 = tpu.vector_load %arg10[%swap3A_2514] {strides = array<i32>} : memref<768xf32, #tpu.memory_space<vmem>>, vector<16xf32>,
    tpu.vector_store %arg10[%swap3A_2514], %mul3A_2513 {strides = array<i32>} : memref<768xf32, #tpu.memory_space<vmem>>, vector<16xf32>,
    %get3A_2516 = arith.constant 0 : i32
    %get3A_2517 = arith.index_cast %get3A_2516 : i32 to index
    %get3A_2518 = arith.constant 624 : index
    %get3A_2519 = tpu.vector_load %arg9[%get3A_2517, %get3A_2518] {strides = array<i32>} : memref<2x768xf32, #tpu.memory_space<vmem>>, vector<16xf32>,
    %get3A_2520 = arith.constant 1 : i32
    %get3A_2521 = arith.index_cast %get3A_2520 : i32 to index
    %get3A_2522 = arith.constant 624 : index
    %get3A_2523 = tpu.vector_load %arg9[%get3A_2521, %get3A_2522] {strides = array<i32>} : memref<2x768xf32, #tpu.memory_space<vmem>>, vector<16xf32>,
    %add3A_2524 = arith.addf %get3A_2519, %get3A_2523 : vector<16xf32>
    %mul3A_2525 = arith.constant 5.000000e-01 : f32
    %mul3A_2526 = vector.broadcast %mul3A_2525 : f32 to vector<16xf32>
    %mul3A_2527 = arith.mulf %mul3A_2526, %add3A_2524 : vector<16xf32>
    %swap3A_2528 = arith.constant 624 : index
    %swap3A_2529 = tpu.vector_load %arg10[%swap3A_2528] {strides = array<i32>} : memref<768xf32, #tpu.memory_space<vmem>>, vector<16xf32>,
    tpu.vector_store %arg10[%swap3A_2528], %mul3A_2527 {strides = array<i32>} : memref<768xf32, #tpu.memory_space<vmem>>, vector<16xf32>,
    %get3A_2530 = arith.constant 0 : i32
    %get3A_2531 = arith.index_cast %get3A_2530 : i32 to index
    %get3A_2532 = arith.constant 640 : index
    %get3A_2533 = tpu.vector_load %arg9[%get3A_2531, %get3A_2532] {strides = array<i32>} : memref<2x768xf32, #tpu.memory_space<vmem>>, vector<16xf32>,
    %get3A_2534 = arith.constant 1 : i32
    %get3A_2535 = arith.index_cast %get3A_2534 : i32 to index
    %get3A_2536 = arith.constant 640 : index
    %get3A_2537 = tpu.vector_load %arg9[%get3A_2535, %get3A_2536] {strides = array<i32>} : memref<2x768xf32, #tpu.memory_space<vmem>>, vector<16xf32>,
    %add3A_2538 = arith.addf %get3A_2533, %get3A_2537 : vector<16xf32>
    %mul3A_2539 = arith.constant 5.000000e-01 : f32
    %mul3A_2540 = vector.broadcast %mul3A_2539 : f32 to vector<16xf32>
    %mul3A_2541 = arith.mulf %mul3A_2540, %add3A_2538 : vector<16xf32>
    %swap3A_2542 = arith.constant 640 : index
    %swap3A_2543 = tpu.vector_load %arg10[%swap3A_2542] {strides = array<i32>} : memref<768xf32, #tpu.memory_space<vmem>>, vector<16xf32>,
    tpu.vector_store %arg10[%swap3A_2542], %mul3A_2541 {strides = array<i32>} : memref<768xf32, #tpu.memory_space<vmem>>, vector<16xf32>,
    %get3A_2544 = arith.constant 0 : i32
    %get3A_2545 = arith.index_cast %get3A_2544 : i32 to index
    %get3A_2546 = arith.constant 656 : index
    %get3A_2547 = tpu.vector_load %arg9[%get3A_2545, %get3A_2546] {strides = array<i32>} : memref<2x768xf32, #tpu.memory_space<vmem>>, vector<16xf32>,
    %get3A_2548 = arith.constant 1 : i32
    %get3A_2549 = arith.index_cast %get3A_2548 : i32 to index
    %get3A_2550 = arith.constant 656 : index
    %get3A_2551 = tpu.vector_load %arg9[%get3A_2549, %get3A_2550] {strides = array<i32>} : memref<2x768xf32, #tpu.memory_space<vmem>>, vector<16xf32>,
    %add3A_2552 = arith.addf %get3A_2547, %get3A_2551 : vector<16xf32>
    %mul3A_2553 = arith.constant 5.000000e-01 : f32
    %mul3A_2554 = vector.broadcast %mul3A_2553 : f32 to vector<16xf32>
    %mul3A_2555 = arith.mulf %mul3A_2554, %add3A_2552 : vector<16xf32>
    %swap3A_2556 = arith.constant 656 : index
    %swap3A_2557 = tpu.vector_load %arg10[%swap3A_2556] {strides = array<i32>} : memref<768xf32, #tpu.memory_space<vmem>>, vector<16xf32>,
    tpu.vector_store %arg10[%swap3A_2556], %mul3A_2555 {strides = array<i32>} : memref<768xf32, #tpu.memory_space<vmem>>, vector<16xf32>,
    %get3A_2558 = arith.constant 0 : i32
    %get3A_2559 = arith.index_cast %get3A_2558 : i32 to index
    %get3A_2560 = arith.constant 672 : index
    %get3A_2561 = tpu.vector_load %arg9[%get3A_2559, %get3A_2560] {strides = array<i32>} : memref<2x768xf32, #tpu.memory_space<vmem>>, vector<16xf32>,
    %get3A_2562 = arith.constant 1 : i32
    %get3A_2563 = arith.index_cast %get3A_2562 : i32 to index
    %get3A_2564 = arith.constant 672 : index
    %get3A_2565 = tpu.vector_load %arg9[%get3A_2563, %get3A_2564] {strides = array<i32>} : memref<2x768xf32, #tpu.memory_space<vmem>>, vector<16xf32>,
    %add3A_2566 = arith.addf %get3A_2561, %get3A_2565 : vector<16xf32>
    %mul3A_2567 = arith.constant 5.000000e-01 : f32
    %mul3A_2568 = vector.broadcast %mul3A_2567 : f32 to vector<16xf32>
    %mul3A_2569 = arith.mulf %mul3A_2568, %add3A_2566 : vector<16xf32>
    %swap3A_2570 = arith.constant 672 : index
    %swap3A_2571 = tpu.vector_load %arg10[%swap3A_2570] {strides = array<i32>} : memref<768xf32, #tpu.memory_space<vmem>>, vector<16xf32>,
    tpu.vector_store %arg10[%swap3A_2570], %mul3A_2569 {strides = array<i32>} : memref<768xf32, #tpu.memory_space<vmem>>, vector<16xf32>,
    %get3A_2572 = arith.constant 0 : i32
    %get3A_2573 = arith.index_cast %get3A_2572 : i32 to index
    %get3A_2574 = arith.constant 688 : index
    %get3A_2575 = tpu.vector_load %arg9[%get3A_2573, %get3A_2574] {strides = array<i32>} : memref<2x768xf32, #tpu.memory_space<vmem>>, vector<16xf32>,
    %get3A_2576 = arith.constant 1 : i32
    %get3A_2577 = arith.index_cast %get3A_2576 : i32 to index
    %get3A_2578 = arith.constant 688 : index
    %get3A_2579 = tpu.vector_load %arg9[%get3A_2577, %get3A_2578] {strides = array<i32>} : memref<2x768xf32, #tpu.memory_space<vmem>>, vector<16xf32>,
    %add3A_2580 = arith.addf %get3A_2575, %get3A_2579 : vector<16xf32>
    %mul3A_2581 = arith.constant 5.000000e-01 : f32
    %mul3A_2582 = vector.broadcast %mul3A_2581 : f32 to vector<16xf32>
    %mul3A_2583 = arith.mulf %mul3A_2582, %add3A_2580 : vector<16xf32>
    %swap3A_2584 = arith.constant 688 : index
    %swap3A_2585 = tpu.vector_load %arg10[%swap3A_2584] {strides = array<i32>} : memref<768xf32, #tpu.memory_space<vmem>>, vector<16xf32>,
    tpu.vector_store %arg10[%swap3A_2584], %mul3A_2583 {strides = array<i32>} : memref<768xf32, #tpu.memory_space<vmem>>, vector<16xf32>,
    %get3A_2586 = arith.constant 0 : i32
    %get3A_2587 = arith.index_cast %get3A_2586 : i32 to index
    %get3A_2588 = arith.constant 704 : index
    %get3A_2589 = tpu.vector_load %arg9[%get3A_2587, %get3A_2588] {strides = array<i32>} : memref<2x768xf32, #tpu.memory_space<vmem>>, vector<16xf32>,
    %get3A_2590 = arith.constant 1 : i32
    %get3A_2591 = arith.index_cast %get3A_2590 : i32 to index
    %get3A_2592 = arith.constant 704 : index
    %get3A_2593 = tpu.vector_load %arg9[%get3A_2591, %get3A_2592] {strides = array<i32>} : memref<2x768xf32, #tpu.memory_space<vmem>>, vector<16xf32>,
    %add3A_2594 = arith.addf %get3A_2589, %get3A_2593 : vector<16xf32>
    %mul3A_2595 = arith.constant 5.000000e-01 : f32
    %mul3A_2596 = vector.broadcast %mul3A_2595 : f32 to vector<16xf32>
    %mul3A_2597 = arith.mulf %mul3A_2596, %add3A_2594 : vector<16xf32>
    %swap3A_2598 = arith.constant 704 : index
    %swap3A_2599 = tpu.vector_load %arg10[%swap3A_2598] {strides = array<i32>} : memref<768xf32, #tpu.memory_space<vmem>>, vector<16xf32>,
    tpu.vector_store %arg10[%swap3A_2598], %mul3A_2597 {strides = array<i32>} : memref<768xf32, #tpu.memory_space<vmem>>, vector<16xf32>,
    %get3A_2600 = arith.constant 0 : i32
    %get3A_2601 = arith.index_cast %get3A_2600 : i32 to index
    %get3A_2602 = arith.constant 720 : index
    %get3A_2603 = tpu.vector_load %arg9[%get3A_2601, %get3A_2602] {strides = array<i32>} : memref<2x768xf32, #tpu.memory_space<vmem>>, vector<16xf32>,
    %get3A_2604 = arith.constant 1 : i32
    %get3A_2605 = arith.index_cast %get3A_2604 : i32 to index
    %get3A_2606 = arith.constant 720 : index
    %get3A_2607 = tpu.vector_load %arg9[%get3A_2605, %get3A_2606] {strides = array<i32>} : memref<2x768xf32, #tpu.memory_space<vmem>>, vector<16xf32>,
    %add3A_2608 = arith.addf %get3A_2603, %get3A_2607 : vector<16xf32>
    %mul3A_2609 = arith.constant 5.000000e-01 : f32
    %mul3A_2610 = vector.broadcast %mul3A_2609 : f32 to vector<16xf32>
    %mul3A_2611 = arith.mulf %mul3A_2610, %add3A_2608 : vector<16xf32>
    %swap3A_2612 = arith.constant 720 : index
    %swap3A_2613 = tpu.vector_load %arg10[%swap3A_2612] {strides = array<i32>} : memref<768xf32, #tpu.memory_space<vmem>>, vector<16xf32>,
    tpu.vector_store %arg10[%swap3A_2612], %mul3A_2611 {strides = array<i32>} : memref<768xf32, #tpu.memory_space<vmem>>, vector<16xf32>,
    %get3A_2614 = arith.constant 0 : i32
    %get3A_2615 = arith.index_cast %get3A_2614 : i32 to index
    %get3A_2616 = arith.constant 736 : index
    %get3A_2617 = tpu.vector_load %arg9[%get3A_2615, %get3A_2616] {strides = array<i32>} : memref<2x768xf32, #tpu.memory_space<vmem>>, vector<16xf32>,
    %get3A_2618 = arith.constant 1 : i32
    %get3A_2619 = arith.index_cast %get3A_2618 : i32 to index
    %get3A_2620 = arith.constant 736 : index
    %get3A_2621 = tpu.vector_load %arg9[%get3A_2619, %get3A_2620] {strides = array<i32>} : memref<2x768xf32, #tpu.memory_space<vmem>>, vector<16xf32>,
    %add3A_2622 = arith.addf %get3A_2617, %get3A_2621 : vector<16xf32>
    %mul3A_2623 = arith.constant 5.000000e-01 : f32
    %mul3A_2624 = vector.broadcast %mul3A_2623 : f32 to vector<16xf32>
    %mul3A_2625 = arith.mulf %mul3A_2624, %add3A_2622 : vector<16xf32>
    %swap3A_2626 = arith.constant 736 : index
    %swap3A_2627 = tpu.vector_load %arg10[%swap3A_2626] {strides = array<i32>} : memref<768xf32, #tpu.memory_space<vmem>>, vector<16xf32>,
    tpu.vector_store %arg10[%swap3A_2626], %mul3A_2625 {strides = array<i32>} : memref<768xf32, #tpu.memory_space<vmem>>, vector<16xf32>,
    %get3A_2628 = arith.constant 0 : i32
    %get3A_2629 = arith.index_cast %get3A_2628 : i32 to index
    %get3A_2630 = arith.constant 752 : index
    %get3A_2631 = tpu.vector_load %arg9[%get3A_2629, %get3A_2630] {strides = array<i32>} : memref<2x768xf32, #tpu.memory_space<vmem>>, vector<16xf32>,
    %get3A_2632 = arith.constant 1 : i32
    %get3A_2633 = arith.index_cast %get3A_2632 : i32 to index
    %get3A_2634 = arith.constant 752 : index
    %get3A_2635 = tpu.vector_load %arg9[%get3A_2633, %get3A_2634] {strides = array<i32>} : memref<2x768xf32, #tpu.memory_space<vmem>>, vector<16xf32>,
    %add3A_2636 = arith.addf %get3A_2631, %get3A_2635 : vector<16xf32>
    %mul3A_2637 = arith.constant 5.000000e-01 : f32
    %mul3A_2638 = vector.broadcast %mul3A_2637 : f32 to vector<16xf32>
    %mul3A_2639 = arith.mulf %mul3A_2638, %add3A_2636 : vector<16xf32>
    %swap3A_2640 = arith.constant 752 : index
    %swap3A_2641 = tpu.vector_load %arg10[%swap3A_2640] {strides = array<i32>} : memref<768xf32, #tpu.memory_space<vmem>>, vector<16xf32>,
    tpu.vector_store %arg10[%swap3A_2640], %mul3A_2639 {strides = array<i32>} : memref<768xf32, #tpu.memory_space<vmem>>, vector<16xf32>,
    %jit3A_2642 = arith.constant 8 : i32
    %eq3A_2643 = arith.constant 0 : i32
    %eq3A_2644 = arith.cmpi eq, %jit3A_2642, %eq3A_2643 : i32
    %jit3A_2645 = arith.constant 1 : i32
    %select_n3A_2646 = arith.select %eq3A_2644, %jit3A_2645, %jit3A_2642 : i32
    %rem3A_2647 = arith.remsi %arg1, %select_n3A_2646 : i32
    %ne3A_2648 = arith.constant 0 : i32
    %ne3A_2649 = arith.cmpi ne, %rem3A_2647, %ne3A_2648 : i32
    %lt3A_2650 = arith.constant 0 : i32
    %lt3A_2651 = arith.cmpi slt, %rem3A_2647, %lt3A_2650 : i32
    %lt3A_2652 = arith.constant 0 : i32
    %lt3A_2653 = arith.cmpi slt, %select_n3A_2646, %lt3A_2652 : i32
    %ne3A_2654 = arith.xori %lt3A_2651, %lt3A_2653 : i1
    %and3A_2655 = arith.andi %ne3A_2654, %ne3A_2649 : i1
    %add3A_2656 = arith.addi %rem3A_2647, %select_n3A_2646 : i32
    %select_n3A_2657 = arith.select %and3A_2655, %add3A_2656, %rem3A_2647 : i32
    %eq3A_2658 = arith.constant 0 : i32
    %eq3A_2659 = arith.cmpi eq, %select_n3A_2657, %eq3A_2658 : i32
    %convert_element_type3A = arith.extui %eq3A_2659 : i1 to i32
    %cond3A = arith.constant 0 : i32
    %cond3A_2660 = arith.cmpi ne, %convert_element_type3A, %cond3A : i32
    scf.if %cond3A_2660 {
      "tpu.region"() ({
        %run_scoped3A = tpu.sem_alloc : memref<!tpu.dma_semaphore, #tpu.memory_space<semaphore_mem>>
        %dma_start3A_2661 = arith.constant 0 : i32
        %dma_start3A_2662 = tpu.memref_slice %arg4[%add3A, %dma_start3A_2661] : memref<4x768xf32, #tpu.memory_space<hbm>> -> memref<1x768xf32, #tpu.memory_space<hbm>>
        %dma_start3A_2663 = tpu.memref_squeeze %dma_start3A_2662 : memref<1x768xf32, #tpu.memory_space<hbm>> -> memref<768xf32, #tpu.memory_space<hbm>>
        %dma_start3A_2664 = arith.constant 0 : i32
        %dma_start3A_2665 = tpu.memref_slice %arg4[%add3A, %dma_start3A_2664] : memref<4x768xf32, #tpu.memory_space<hbm>> -> memref<1x768xf32, #tpu.memory_space<hbm>>
        %dma_start3A_2666 = tpu.memref_squeeze %dma_start3A_2665 : memref<1x768xf32, #tpu.memory_space<hbm>> -> memref<768xf32, #tpu.memory_space<hbm>>
        tpu.enqueue_dma source(%arg10 : memref<768xf32, #tpu.memory_space<vmem>>) target(%dma_start3A_2666 : memref<768xf32, #tpu.memory_space<hbm>>) target_semaphore(%run_scoped3A : memref<!tpu.dma_semaphore, #tpu.memory_space<semaphore_mem>>)
        %dma_wait3A_2667 = arith.constant 0 : i32
        %dma_wait3A_2668 = tpu.memref_slice %arg4[%add3A, %dma_wait3A_2667] : memref<4x768xf32, #tpu.memory_space<hbm>> -> memref<1x768xf32, #tpu.memory_space<hbm>>
        %dma_wait3A_2669 = tpu.memref_squeeze %dma_wait3A_2668 : memref<1x768xf32, #tpu.memory_space<hbm>> -> memref<768xf32, #tpu.memory_space<hbm>>
        %dma_wait3A_2670 = arith.constant 0 : i32
        %dma_wait3A_2671 = tpu.memref_slice %arg4[%add3A, %dma_wait3A_2670] : memref<4x768xf32, #tpu.memory_space<hbm>> -> memref<1x768xf32, #tpu.memory_space<hbm>>
        %dma_wait3A_2672 = tpu.memref_squeeze %dma_wait3A_2671 : memref<1x768xf32, #tpu.memory_space<hbm>> -> memref<768xf32, #tpu.memory_space<hbm>>
        tpu.wait_dma2 semaphore(%run_scoped3A : memref<!tpu.dma_semaphore, #tpu.memory_space<semaphore_mem>>) src(%arg10 : memref<768xf32, #tpu.memory_space<vmem>>) dst(%dma_wait3A_2672 : memref<768xf32, #tpu.memory_space<hbm>>)
        tpu.yield
      }) : () -> ()
    } else {
    }
    return
  }
}

module attributes {stable_mosaic.version = 14 : i64} {
  func.func @_scores_kernel(%arg0: i32, %arg1: memref<4x1024x768xf32, #tpu.memory_space<vmem>>, %arg2: memref<8x768xf32, #tpu.memory_space<vmem>>, %arg3: memref<4x8192xf32, #tpu.memory_space<vmem>>) attributes {dimension_semantics = [#tpu.dimension_semantics<arbitrary>], iteration_bounds = array<i64: 8>, scalar_prefetch = 0 : i64, scratch_operands = 0 : i64, tpu.core_type = #tpu.core_type<tc>, window_params = [{transform_indices = @transform_0, window_bounds = array<i64: 4, 1024, 768>}, {pipeline_mode = #tpu.pipeline_mode<synchronous>, transform_indices = @transform_1, window_bounds = array<i64: 8, 768>}, {pipeline_mode = #tpu.pipeline_mode<synchronous>, transform_indices = @transform_2, window_bounds = array<i64: 4, 8192>}]} {
    %get3A = arith.constant 0 : index
    %get3A_0 = arith.constant 0 : index
    %get3A_1 = arith.constant 0 : index
    %get3A_2 = vector.load %arg1[%get3A, %get3A_0, %get3A_1] : memref<4x1024x768xf32, #tpu.memory_space<vmem>>, vector<4x1024x768xf32>
    %convert_element_type3A = arith.truncf %get3A_2 : vector<4x1024x768xf32> to vector<4x1024x768xbf16>
    %reshape3A = vector.shape_cast %convert_element_type3A : vector<4x1024x768xbf16> to vector<4096x768xbf16>
    %get3A_3 = arith.constant 0 : index
    %get3A_4 = arith.constant 0 : index
    %get3A_5 = vector.load %arg2[%get3A_3, %get3A_4] : memref<8x768xf32, #tpu.memory_space<vmem>>, vector<8x768xf32>
    %convert_element_type3A_6 = arith.truncf %get3A_5 : vector<8x768xf32> to vector<8x768xbf16>
    %dot_general3A = arith.constant dense<0.000000e+00> : vector<4096x8xf32>
    %dot_general3A_7 = tpu.matmul %reshape3A, %convert_element_type3A_6, %dot_general3A {dimension_numbers = #tpu.dot_dimension_numbers<[1], [1], [0], [0], [0, 0, 1, 0], [], []>, transpose_lhs_hint = false} : vector<4096x768xbf16>, vector<8x768xbf16>, vector<4096x8xf32> -> vector<4096x8xf32>
    %slice3A = vector.extract_strided_slice %dot_general3A_7 {offsets = [0, 0], sizes = [4096, 1], strides = [1, 1]} : vector<4096x8xf32> to vector<4096x1xf32>
    %squeeze3A = vector.shape_cast %slice3A : vector<4096x1xf32> to vector<4096xf32>
    %reshape3A_8 = vector.shape_cast %squeeze3A : vector<4096xf32> to vector<4x1024xf32>
    %mul3A = arith.constant 1024 : i32
    %mul3A_9 = arith.muli %arg0, %mul3A : i32
    %swap3A = arith.constant 0 : index
    %swap3A_10 = arith.index_cast %mul3A_9 : i32 to index
    %swap3A_11 = vector.load %arg3[%swap3A, %swap3A_10] : memref<4x8192xf32, #tpu.memory_space<vmem>>, vector<4x1024xf32>
    tpu.vector_store %arg3[%swap3A, %swap3A_10], %reshape3A_8 {strides = array<i32>} : memref<4x8192xf32, #tpu.memory_space<vmem>>, vector<4x1024xf32>,
    return
  }
  func.func @transform_0(%arg0: i32) -> (i32, i32, i32) {
    %c0_i32 = arith.constant 0 : i32
    %c0_i32_0 = arith.constant 0 : i32
    %c0_i32_1 = arith.constant 0 : i32
    return %c0_i32, %arg0, %c0_i32_0 : i32, i32, i32
  }
  func.func @transform_1(%arg0: i32) -> (i32, i32) {
    %c0_i32 = arith.constant 0 : i32
    %c0_i32_0 = arith.constant 0 : i32
    %c0_i32_1 = arith.constant 0 : i32
    return %c0_i32, %c0_i32_0 : i32, i32
  }
  func.func @transform_2(%arg0: i32) -> (i32, i32) {
    %c0_i32 = arith.constant 0 : i32
    %c0_i32_0 = arith.constant 0 : i32
    %c0_i32_1 = arith.constant 0 : i32
    return %c0_i32, %c0_i32_0 : i32, i32
  }
}

module attributes {stable_mosaic.version = 14 : i64} {
  func.func @_summary_ln_kernel(%arg0: i32, %arg1: memref<4x768xf32, #tpu.memory_space<vmem>>, %arg2: memref<768x768xf32, #tpu.memory_space<vmem>>, %arg3: memref<1x768xf32, #tpu.memory_space<vmem>>, %arg4: memref<4x512x768xf32, #tpu.memory_space<vmem>>, %arg5: memref<1x768xf32, #tpu.memory_space<vmem>>, %arg6: memref<1x768xf32, #tpu.memory_space<vmem>>, %arg7: memref<4x512x768xf32, #tpu.memory_space<vmem>>, %arg8: memref<4x768xf32, #tpu.memory_space<vmem>>) attributes {dimension_semantics = [#tpu.dimension_semantics<arbitrary>], iteration_bounds = array<i64: 16>, scalar_prefetch = 0 : i64, scratch_operands = 1 : i64, tpu.core_type = #tpu.core_type<tc>, window_params = [{pipeline_mode = #tpu.pipeline_mode<synchronous>, transform_indices = @transform_0, window_bounds = array<i64: 4, 768>}, {pipeline_mode = #tpu.pipeline_mode<synchronous>, transform_indices = @transform_1, window_bounds = array<i64: 768, 768>}, {pipeline_mode = #tpu.pipeline_mode<synchronous>, transform_indices = @transform_2, window_bounds = array<i64: 1, 768>}, {transform_indices = @transform_3, window_bounds = array<i64: 4, 512, 768>}, {pipeline_mode = #tpu.pipeline_mode<synchronous>, transform_indices = @transform_4, window_bounds = array<i64: 1, 768>}, {pipeline_mode = #tpu.pipeline_mode<synchronous>, transform_indices = @transform_5, window_bounds = array<i64: 1, 768>}, {transform_indices = @transform_6, window_bounds = array<i64: 4, 512, 768>}]} {
    %eq3A = arith.constant 0 : i32
    %eq3A_0 = arith.cmpi eq, %arg0, %eq3A : i32
    %convert_element_type3A = arith.extui %eq3A_0 : i1 to i32
    %cond3A = arith.constant 0 : i32
    %cond3A_1 = arith.cmpi ne, %convert_element_type3A, %cond3A : i32
    scf.if %cond3A_1 {
      %get3A_40 = arith.constant 0 : index
      %get3A_41 = arith.constant 0 : index
      %get3A_42 = vector.load %arg1[%get3A_40, %get3A_41] : memref<4x768xf32, #tpu.memory_space<vmem>>, vector<4x768xf32>
      %get3A_43 = arith.constant 0 : index
      %get3A_44 = arith.constant 0 : index
      %get3A_45 = vector.load %arg2[%get3A_43, %get3A_44] : memref<768x768xf32, #tpu.memory_space<vmem>>, vector<768x768xf32>
      %dot_general3A = arith.constant dense<0.000000e+00> : vector<4x768xf32>
      %dot_general3A_46 = tpu.matmul %get3A_42, %get3A_45, %dot_general3A {dimension_numbers = #tpu.dot_dimension_numbers<[1], [1], [0], [0], [0, 0, 1, 0], [], []>, transpose_lhs_hint = false} : vector<4x768xf32>, vector<768x768xf32>, vector<4x768xf32> -> vector<4x768xf32>
      %get3A_47 = arith.constant 0 : index
      %get3A_48 = arith.constant 0 : index
      %get3A_49 = vector.load %arg3[%get3A_47, %get3A_48] : memref<1x768xf32, #tpu.memory_space<vmem>>, vector<1x768xf32>
      %add3A_50 = vector.broadcast %get3A_49 : vector<1x768xf32> to vector<4x768xf32>
      %add3A_51 = arith.addf %dot_general3A_46, %add3A_50 : vector<4x768xf32>
      %swap3A_52 = arith.constant 0 : index
      %swap3A_53 = arith.constant 0 : index
      %swap3A_54 = vector.load %arg8[%swap3A_52, %swap3A_53] : memref<4x768xf32, #tpu.memory_space<vmem>>, vector<4x768xf32>
      tpu.vector_store %arg8[%swap3A_52, %swap3A_53], %add3A_51 {strides = array<i32>} : memref<4x768xf32, #tpu.memory_space<vmem>>, vector<4x768xf32>,
    } else {
    }
    %get3A = arith.constant 0 : index
    %get3A_2 = arith.constant 0 : index
    %get3A_3 = arith.constant 0 : index
    %get3A_4 = vector.load %arg4[%get3A, %get3A_2, %get3A_3] : memref<4x512x768xf32, #tpu.memory_space<vmem>>, vector<4x512x768xf32>
    %get3A_5 = arith.constant 0 : index
    %get3A_6 = arith.constant 0 : index
    %get3A_7 = vector.load %arg8[%get3A_5, %get3A_6] : memref<4x768xf32, #tpu.memory_space<vmem>>, vector<4x768xf32>
    %broadcast_in_dim3A = vector.shape_cast %get3A_7 : vector<4x768xf32> to vector<4x1x768xf32>
    %add3A = vector.broadcast %broadcast_in_dim3A : vector<4x1x768xf32> to vector<4x512x768xf32>
    %add3A_8 = arith.addf %get3A_4, %add3A : vector<4x512x768xf32>
    %reduce_sum3A = arith.constant dense<0.000000e+00> : vector<4x512xf32>
    %reduce_sum3A_9 = vector.multi_reduction <add>, %add3A_8, %reduce_sum3A [2] : vector<4x512x768xf32> to vector<4x512xf32>
    %broadcast_in_dim3A_10 = vector.shape_cast %reduce_sum3A_9 : vector<4x512xf32> to vector<4x512x1xf32>
    %div3A = arith.constant 7.680000e+02 : f32
    %div3A_11 = vector.broadcast %div3A : f32 to vector<4x512x1xf32>
    %div3A_12 = arith.divf %broadcast_in_dim3A_10, %div3A_11 : vector<4x512x1xf32>
    %sub3A = vector.broadcast %div3A_12 : vector<4x512x1xf32> to vector<4x512x768xf32>
    %sub3A_13 = arith.subf %add3A_8, %sub3A : vector<4x512x768xf32>
    %mul3A = arith.mulf %sub3A_13, %sub3A_13 : vector<4x512x768xf32>
    %reduce_sum3A_14 = arith.constant dense<0.000000e+00> : vector<4x512xf32>
    %reduce_sum3A_15 = vector.multi_reduction <add>, %mul3A, %reduce_sum3A_14 [2] : vector<4x512x768xf32> to vector<4x512xf32>
    %broadcast_in_dim3A_16 = vector.shape_cast %reduce_sum3A_15 : vector<4x512xf32> to vector<4x512x1xf32>
    %div3A_17 = arith.constant 7.680000e+02 : f32
    %div3A_18 = vector.broadcast %div3A_17 : f32 to vector<4x512x1xf32>
    %div3A_19 = arith.divf %broadcast_in_dim3A_16, %div3A_18 : vector<4x512x1xf32>
    %add3A_20 = arith.constant 9.99999974E-6 : f32
    %add3A_21 = vector.broadcast %add3A_20 : f32 to vector<4x512x1xf32>
    %add3A_22 = arith.addf %div3A_19, %add3A_21 : vector<4x512x1xf32>
    %rsqrt3A = math.rsqrt %add3A_22 : vector<4x512x1xf32>
    %mul3A_23 = vector.broadcast %rsqrt3A : vector<4x512x1xf32> to vector<4x512x768xf32>
    %mul3A_24 = arith.mulf %sub3A_13, %mul3A_23 : vector<4x512x768xf32>
    %get3A_25 = arith.constant 0 : index
    %get3A_26 = arith.constant 0 : index
    %get3A_27 = vector.load %arg5[%get3A_25, %get3A_26] : memref<1x768xf32, #tpu.memory_space<vmem>>, vector<1x768xf32>
    %broadcast_in_dim3A_28 = vector.shape_cast %get3A_27 : vector<1x768xf32> to vector<1x1x768xf32>
    %mul3A_29 = vector.broadcast %broadcast_in_dim3A_28 : vector<1x1x768xf32> to vector<4x512x768xf32>
    %mul3A_30 = arith.mulf %mul3A_24, %mul3A_29 : vector<4x512x768xf32>
    %get3A_31 = arith.constant 0 : index
    %get3A_32 = arith.constant 0 : index
    %get3A_33 = vector.load %arg6[%get3A_31, %get3A_32] : memref<1x768xf32, #tpu.memory_space<vmem>>, vector<1x768xf32>
    %broadcast_in_dim3A_34 = vector.shape_cast %get3A_33 : vector<1x768xf32> to vector<1x1x768xf32>
    %add3A_35 = vector.broadcast %broadcast_in_dim3A_34 : vector<1x1x768xf32> to vector<4x512x768xf32>
    %add3A_36 = arith.addf %mul3A_30, %add3A_35 : vector<4x512x768xf32>
    %swap3A = arith.constant 0 : index
    %swap3A_37 = arith.constant 0 : index
    %swap3A_38 = arith.constant 0 : index
    %swap3A_39 = vector.load %arg7[%swap3A, %swap3A_37, %swap3A_38] : memref<4x512x768xf32, #tpu.memory_space<vmem>>, vector<4x512x768xf32>
    tpu.vector_store %arg7[%swap3A, %swap3A_37, %swap3A_38], %add3A_36 {strides = array<i32>} : memref<4x512x768xf32, #tpu.memory_space<vmem>>, vector<4x512x768xf32>,
    return
  }
  func.func @transform_0(%arg0: i32) -> (i32, i32) {
    %c0_i32 = arith.constant 0 : i32
    %c0_i32_0 = arith.constant 0 : i32
    %c0_i32_1 = arith.constant 0 : i32
    return %c0_i32, %c0_i32_0 : i32, i32
  }
  func.func @transform_1(%arg0: i32) -> (i32, i32) {
    %c0_i32 = arith.constant 0 : i32
    %c0_i32_0 = arith.constant 0 : i32
    %c0_i32_1 = arith.constant 0 : i32
    return %c0_i32, %c0_i32_0 : i32, i32
  }
  func.func @transform_2(%arg0: i32) -> (i32, i32) {
    %c0_i32 = arith.constant 0 : i32
    %c0_i32_0 = arith.constant 0 : i32
    %c0_i32_1 = arith.constant 0 : i32
    return %c0_i32, %c0_i32_0 : i32, i32
  }
  func.func @transform_3(%arg0: i32) -> (i32, i32, i32) {
    %c0_i32 = arith.constant 0 : i32
    %c0_i32_0 = arith.constant 0 : i32
    %c0_i32_1 = arith.constant 0 : i32
    return %c0_i32, %arg0, %c0_i32_0 : i32, i32, i32
  }
  func.func @transform_4(%arg0: i32) -> (i32, i32) {
    %c0_i32 = arith.constant 0 : i32
    %c0_i32_0 = arith.constant 0 : i32
    %c0_i32_1 = arith.constant 0 : i32
    return %c0_i32, %c0_i32_0 : i32, i32
  }
  func.func @transform_5(%arg0: i32) -> (i32, i32) {
    %c0_i32 = arith.constant 0 : i32
    %c0_i32_0 = arith.constant 0 : i32
    %c0_i32_1 = arith.constant 0 : i32
    return %c0_i32, %c0_i32_0 : i32, i32
  }
  func.func @transform_6(%arg0: i32) -> (i32, i32, i32) {
    %c0_i32 = arith.constant 0 : i32
    %c0_i32_0 = arith.constant 0 : i32
    %c0_i32_1 = arith.constant 0 : i32
    return %c0_i32, %arg0, %c0_i32_0 : i32, i32, i32
  }
}

</mosaic_0001>

<sc_bundles>
// kernel: kernel.5.cloned.1.call-start
scs
__scs_entry_jumppad:
0x0: {  	(pc) =	sbr.rel $0x88, $3  }
0x1: {  	(tag) =	ssettag $0x0;
	lr =	simm.s32 $0x1  }
0x2: {  	[smem:$0x3F9B] =	sst lr;
	_ =	strace $0xD0000000  }
0x3: {  	_ = 	snop  }
0x4: {  	_ = 	snop  }
0x5: {  	_ = 	snop  }
0x6: {  	_ = 	snop  }
0x7: {  	_ = 	snop  }
__scs_overlays_trampoline_lowered:
0x8: {  	[smem:$0x3FAA] =	sst s0  }
0x9: {  	[smem:$0x3FAB] =	sst s1  }
0xa: {  	[smem:$0x3FAC] =	sst s2  }
0xb: {  	[smem:$0x3FAD] =	sst s3  }
0xc: {  	[smem:$0x3FAE] =	sst s4  }
0xd: {  	[smem:$0x3FAF] =	sst s5  }
0xe: {  	[smem:$0x3FB0] =	sst s6  }
0xf: {  	[smem:$0x3FB1] =	sst s7  }
0x10: {  	[smem:$0x3FB2] =	sst s8  }
0x11: {  	[smem:$0x3FB3] =	sst s9;
	s0 =	simm.s32 @!p0 $0x0  }
0x12: {  	s1 =	sld [smem:$0x3F99];
	s0 =	simm.s32 @p0 $0x1  }
0x13: {  	[smem:$0x3FB4] =	sst s0;
	s0 =	simm.s32 @!p1 $0x0  }
0x14: {  	s2 =	sld [smem:$0x3F98];
	s0 =	simm.s32 @p1 $0x1  }
0x15: {  	[smem:$0x3FB5] =	sst s0;
	s0 =	simm.s32 @!p2 $0x0  }
0x16: {  	s3 =	sld [smem:$0x3FDB];
	s0 =	simm.s32 @p2 $0x1  }
0x17: {  	s4 =	simm.s32 $0x1BF5;
	[smem:$0x3FB7] =	sst s0  }
0x18: {  	s0 =	sld [smem:$0x3F9A];
	_ =	swait.ge [sflag:s4], $0x0  }
0x19: {  	s7 =	sld [smem:$0x3F9B]  }
0x1a: {  	s8 =	sadd.s32 $0xFFFFE003, lr  }
0x1b: {  	s9 =	sadd.s32 $0xFFFFFEF7, lr;
	s5 =	simm.s32 $0xFFFFFFFF;
	p2 =	slt.u32 s8, $0xFFFFF086  }
0x1c: {  	p1 =	slt.u32 s9, $0xF7A;
	s5 =	simm.s32 @!p2 $0x0  }
0x1d: {  	s5 =	simm.s32 @p1 $0x1;
	p0 =	seq.s32 s7, s2  }
0x1e: {  	s7 =	smul.u32 @!p0 $0xF7A, s2;
	p2 =	seq.s32 @!p0 s5, $0x0  }
0x1f: {  	s9 =	smul.u32 $0xF7A, s1;
	s8 =	simm.s32 @!p0 $0x1BF5;
	p2 =	por !p2, p0  }
0x20: {  	[sflag:s8] =	ssyncset.s32 @!p0 $0xFFFFF086;
	s6 =	sadd.s32 @!p0 s3, s7;
	s7 =	simm.s32 @!p0 $0x108  }
0x21: {  	s3 =	sadd.s32 s3, s9;
	s6 =	sadd.s32 @!p0 $0x88, s6;
	s7 =	simm.s32 @p2 $0x1082  }
0x22: {  	[simem:s7], [sflag:s8] =	dma.local @!p0 [hbm:s6], $0xF7A  }
0x23: {  	s9 =	sor.u32 $0xD0000000, s2;
	s6 =	simm.s32 $0x108;
	_ =	swait.ge @!p0 [sflag:s8], $0x0  }
0x24: {  	s3 =	sadd.s32 $0x88, s3;
	s6 =	simm.s32 @!p1 $0x1082;
	[sflag:s4] =	ssyncset.s32 $0xFFFFF086  }
0x25: {  	[simem:s6], [sflag:s4] =	dma.local [hbm:s3], $0xF7A  }
0x26: {  	[smem:$0x3F9B] =	sst s1;
	(tag) =	ssettag s2;
	_ =	strace s9  }
0x27: {  	s1 =	sld [smem:$0x3FAB]  }
0x28: {  	s2 =	sld [smem:$0x3FAC]  }
0x29: {  	s4 =	sld [smem:$0x3FAE]  }
0x2a: {  	p0 =	seq.s32 s5, $0x0;
	s5 =	sld [smem:$0x3FAF]  }
0x2b: {  	s6 =	sld [smem:$0x3FB0]  }
0x2c: {  	s7 =	sld [smem:$0x3FB1]  }
0x2d: {  	s3 =	simm.s32 $0x108;
	s8 =	sld [smem:$0x3FB2]  }
0x2e: {  	s3 =	simm.s32 @!p0 $0x1082;
	s9 =	sld [smem:$0x3FB3]  }
0x2f: {  	lr =	sadd.s32 s0, s3;
	s0 =	sld [smem:$0x3FAA]  }
0x30: {  	s3 =	sld [smem:$0x3FAD]  }
0x31: {  	[smem:$0x3FB6] =	sst s10  }
0x32: {  	s10 =	sld [smem:$0x3FB4];
	_ =	sdelay $0x3  }
0x33: {  	p0 =	seq.s32 s10, $0x1;
	s10 =	sld [smem:$0x3FB6];
	_ =	sdelay $0x3  }
0x34: {  	[smem:$0x3FB6] =	sst s10  }
0x35: {  	s10 =	sld [smem:$0x3FB5];
	_ =	sdelay $0x3  }
0x36: {  	p1 =	seq.s32 s10, $0x1;
	s10 =	sld [smem:$0x3FB6];
	_ =	sdelay $0x3  }
0x37: {  	[smem:$0x3FB6] =	sst s10  }
0x38: {  	s10 =	sld [smem:$0x3FB7]  }
0x39: {  	_ = 	snop;
	(pc) =	sbr.ind lr, $3  }
0x3a: {  	_ = 	snop  }
0x3b: {  	_ = 	snop  }
0x3c: {  	p2 =	seq.s32 s10, $0x1;
	s10 =	sld [smem:$0x3FB6]  }
0x3d: {  	_ =	shalt  }
0x3e: {  	_ =	shalt  }
0x3f: {  	_ =	shalt  }
0x40: {  	_ =	shalt  }
0x41: {  	_ =	shalt  }
0x42: {  	_ =	shalt  }
0x43: {  	_ =	shalt  }
0x44: {  	_ =	shalt  }
0x45: {  	_ =	shalt  }
0x46: {  	_ =	shalt  }
0x47: {  	_ =	shalt  }
0x48: {  	_ =	shalt  }
0x49: {  	_ =	shalt  }
0x4a: {  	_ =	shalt  }
0x4b: {  	_ =	shalt  }
0x4c: {  	_ =	shalt  }
0x4d: {  	_ =	shalt  }
0x4e: {  	_ =	shalt  }
0x4f: {  	_ =	shalt  }
0x50: {  	_ =	shalt  }
0x51: {  	_ =	shalt  }
0x52: {  	_ =	shalt  }
0x53: {  	_ =	shalt  }
0x54: {  	_ =	shalt  }
0x55: {  	_ =	shalt  }
0x56: {  	_ =	shalt  }
0x57: {  	_ =	shalt  }
0x58: {  	_ =	shalt  }
0x59: {  	_ =	shalt  }
0x5a: {  	_ =	shalt  }
0x5b: {  	_ =	shalt  }
0x5c: {  	_ =	shalt  }
0x5d: {  	_ =	shalt  }
0x5e: {  	_ =	shalt  }
0x5f: {  	_ =	shalt  }
0x60: {  	_ =	shalt  }
0x61: {  	_ =	shalt  }
0x62: {  	_ =	shalt  }
0x63: {  	_ =	shalt  }
0x64: {  	_ =	shalt  }
0x65: {  	_ =	shalt  }
0x66: {  	_ =	shalt  }
0x67: {  	_ =	shalt  }
0x68: {  	_ =	shalt  }
0x69: {  	_ =	shalt  }
0x6a: {  	_ =	shalt  }
0x6b: {  	_ =	shalt  }
0x6c: {  	_ =	shalt  }
0x6d: {  	_ =	shalt  }
0x6e: {  	_ =	shalt  }
0x6f: {  	_ =	shalt  }
0x70: {  	_ =	shalt  }
0x71: {  	_ =	shalt  }
0x72: {  	_ =	shalt  }
0x73: {  	_ =	shalt  }
0x74: {  	_ =	shalt  }
0x75: {  	_ =	shalt  }
0x76: {  	_ =	shalt  }
0x77: {  	_ =	shalt  }
0x78: {  	_ =	shalt  }
0x79: {  	_ =	shalt  }
0x7a: {  	_ =	shalt  }
0x7b: {  	_ =	shalt  }
0x7c: {  	_ =	shalt  }
0x7d: {  	_ =	shalt  }
0x7e: {  	_ =	shalt  }
0x7f: {  	_ =	shalt  }
0x80: {  	_ =	shalt  }
0x81: {  	_ =	shalt  }
0x82: {  	_ =	shalt  }
0x83: {  	_ =	shalt  }
0x84: {  	_ =	shalt  }
0x85: {  	_ =	shalt  }
0x86: {  	_ =	shalt  }
0x87: {  	_ =	shalt  }
.Lfunc_end0:
.L_simem_size_0:
called_computation_lowered:
.L_overlay_start_0:
0x88: {  	s2 =	sld [smem:$0x3FD9]  }
0x89: {  	s3 =	sld [smem:$0x3FFE];
	_ =	sdelay $0x1  }
0x8a: {  	s1 =	srdreg.scid  }
0x8b: {  	s0 =	sand.u32 $0x1, s1  }
0x8c: {  	s17 =	sshll.u32 s0, $0xA;
	s2 =	sadd.s32 s3, s2  }
0x8d: {  	s2 =	sadd.s32 s2, s17  }
0x8e: {  	[smem:$0x3FC2] =	sst s2  }
0x8f: {  	_ = 	snop  }
0x90: {  	s2 =	sld [smem:$0x3FC9]  }
0x91: {  	s18 =	sld [smem:$0x3FD0];
	(tm) =	ssettm $0x1  }
0x92: {  	s4 =	sld [smem:$0x3FFB];
	_ =	sdelay $0x3  }
0x93: {  	_ =	strace s4  }
0x94: {  	s4 =	sld [smem:$0x3FFC];
	_ =	sdelay $0x3  }
0x95: {  	_ =	strace s4  }
0x96: {  	s4 =	sld [smem:$0x3FFD];
	_ =	sdelay $0x3  }
0x97: {  	_ =	strace s4  }
0x98: {  	_ =	strace $0x8FFFFFFF  }
0x99: {  	s19 =	sld [smem:$0x3FDB];
	_ =	sdelay $0x1  }
0x9a: {  	s5 =	simm.s32 $_scs_section_size  }
0x9b: {  	s6 =	simm.s32 $_size__tile_overlayer_lowered;
	s7 =	simm.s32 $_tile_overlayer_lowered  }
0x9c: {  	s22 =	simm.s32 $0x1BFF;
	s21 =	sshll.u32 s7, $0x1;
	s4 =	sadd.s32 s5, s19  }
0x9d: {  	s8 =	simm.s32 $0x0;
	s20 =	sshll.u32 s6, $0x1;
	s6 =	sadd.s32 s21, s4  }
0x9e: {  	[timem:s8], [sflag:s22] =	dma.local [hbm:s6], s20  }
0x9f: {  	_ =	swait.ge [sflag:s22], s20  }
0xa0: {  	s5 =	ssub.s32 $0x0, s20;
	[sflag:s22] =	ssyncset.done $0x0  }
0xa1: {  	[sflag:s22] =	ssyncadd.s32 s5;
	_ =	sdelay $0x1  }
0xa2: {  	s23 =	simm.s32 $0x1B8B  }
0xa3: {  	_ =	swait.ge [sflag:s23], $0x1  }
0xa4: {  	[sflag:s23] =	ssyncset.done $0x0  }
0xa5: {  	s25 =	simm.s32 $0x1B8E;
	s24 =	sld [smem:$0x3FFE];
	[sflag:s23] =	ssyncadd.s32 $0xFFFFFFFF  }
0xa6: {  	s26 =	simm.s32 $execute0_lowered;
	[smem:$0x3FD2] =	sst s25  }
0xa7: {  	s6 =	sshll.u32 s26, $0x1;
	_ =	strace $0x80000046;
	[dreg:$0x1] =	wrdreg $0xFFFFFFFF  }
0xa8: {  	s28 =	simm.s32 $_size_execute0_lowered;
	s4 =	sadd.s32 s4, s6;
	[dreg:$0x0] =	wrdreg $0x0  }
0xa9: {  	s6 =	sshll.u32 s28, $0x1;
	[dreg:$0x2] =	wrdreg s4  }
0xaa: {  	[dreg:$0x3] =	wrdreg s6  }
0xab: {  	[dreg:$0x4] =	wrdreg $0xC0  }
0xac: {  	_ =	task [dreg:s8], $0x5FFFF  }
0xad: {  	[dreg:$0x1] =	wrdreg $0xFFFFFFFF  }
0xae: {  	[dreg:$0x0] =	wrdreg $0x60  }
0xaf: {  	[dreg:$0x2] =	wrdreg s18  }
0xb0: {  	[dreg:$0x3] =	wrdreg s2  }
0xb1: {  	[dreg:$0x4] =	wrdreg s24  }
0xb2: {  	[dreg:$0x5] =	wrdreg $0x16800  }
0xb3: {  	[dreg:$0x6] =	wrdreg $0x9  }
0xb4: {  	_ =	task.clear_ibuf [dreg:s8], $0x7FFFF;
	_ =	strace $0x90000046  }
0xb5: {  	s29 =	simm.s32 $0x9;
	_ =	strace $0x80000048  }
0xb6: {  	_ =	swait.ge [sflag:s29], $0x1  }
0xb7: {  	[sflag:s29] =	ssyncadd.s32 $0xFFFFFFFF  }
0xb8: {  	_ =	strace $0x90000048  }
0xb9: {  	_ =	sfence  }
0xba: {  	s30 =	sld [smem:$0x0];
	_ =	sdelay $0x2  }
0xbb: {  	s31 =	sshll.u32 s1, $0xD;
	s1 =	sshrl.u32 s1, $0x2  }
0xbc: {  	s3 =	sand.u32 $0x4000, s31;
	s1 =	sadd.s32 s1, s30  }
0xbd: {  	s0 =	sor.u32 s3, s0;
	s1 =	sshll.u32 s1, $0x11  }
0xbe: {  	s0 =	sor.u32 s1, s0  }
0xbf: {  	s0 =	sadd.s32 $0x8F2B, s0  }
0xc0: {  	[sflag:s0] =	ssyncadd.remote.s32 $0x1  }
0xc1: {  	_ =	sfence.sel $0xFFFF  }
0xc2: {  	[dreg:$0x0] =	wrdreg $0xFFFFFFFF;
	(pc) =	sbr.abs _section_cstart, $3  }
0xc3: {  	[dreg:$0x1] =	wrdreg $0xFFFFFFFF  }
0xc4: {  	_ =	task.clear_ibuf [dreg:s8], $0x2FFFF;
	_ =	strace $0x9FFFFFFF  }
0xc5: {  	(tm) =	ssettm $0x7FFFFFFF  }
tec
execute0_lowered:
.L_overlay_start_1:
0x0: {  	(tag) =	ssettag $0x1  }
0x1: {  	s0 =	stileid.u32  }
0x2: {  	s10 =	sand.u32 $0x7, s0  }
0x3: {  	v2 =	vlaneseq.u32;
	s5 =	sshll.u32 s10, $0xA  }
0x4: {  	s1 =	sor.u32 $0x10, s5;
	v0 =	vor.u32 s5, v2  }
0x5: {  	s2 =	sor.u32 $0x20, s5;
	[tilespmem:$0x1FBD0] =	vst v0;
	v58 =	vor.u32 s1, v2  }
0x6: {  	s23 =	sor.u32 $0x30, s5;
	v59 =	vor.u32 s2, v2;
	[tilespmem:$0x1FBE0] =	vst v58  }
0x7: {  	s24 =	sor.u32 $0x40, s5;
	v60 =	vor.u32 s23, v2;
	[tilespmem:$0x1FBF0] =	vst v59  }
0x8: {  	s3 =	sor.u32 $0x50, s5;
	v61 =	vor.u32 s24, v2;
	[tilespmem:$0x1FC00] =	vst v60  }
0x9: {  	s25 =	sor.u32 $0x60, s5;
	v62 =	vor.u32 s3, v2;
	[tilespmem:$0x1FC10] =	vst v61  }
0xa: {  	s26 =	sor.u32 $0x70, s5;
	v63 =	vor.u32 s25, v2;
	[tilespmem:$0x1FC20] =	vst v62  }
0xb: {  	s28 =	sor.u32 $0x80, s5;
	v4 =	vor.u32 s26, v2;
	[tilespmem:$0x1FC30] =	vst v63  }
0xc: {  	s29 =	sor.u32 $0x90, s5;
	v5 =	vor.u32 s28, v2;
	[tilespmem:$0x1FC40] =	vst v4  }
0xd: {  	s30 =	sor.u32 $0xA0, s5;
	v6 =	vor.u32 s29, v2;
	[tilespmem:$0x1FC50] =	vst v5  }
0xe: {  	s31 =	sor.u32 $0xB0, s5;
	v7 =	vor.u32 s30, v2;
	[tilespmem:$0x1FC60] =	vst v6  }
0xf: {  	s4 =	sor.u32 $0xE0, s5;
	v8 =	vor.u32 s31, v2;
	[tilespmem:$0x1FC70] =	vst v7  }
0x10: {  	s6 =	sor.u32 $0xF0, s5;
	v11 =	vor.u32 s4, v2;
	[tilespmem:$0x1FC80] =	vst v8  }
0x11: {  	s7 =	sor.u32 $0x100, s5;
	v12 =	vor.u32 s6, v2;
	[tilespmem:$0x1FCB0] =	vst v11  }
0x12: {  	s8 =	sor.u32 $0x110, s5;
	v13 =	vor.u32 s7, v2;
	[tilespmem:$0x1FCC0] =	vst v12  }
0x13: {  	s9 =	sor.u32 $0x120, s5;
	v14 =	vor.u32 s8, v2;
	[tilespmem:$0x1FCD0] =	vst v13  }
0x14: {  	s11 =	sor.u32 $0x130, s5;
	v15 =	vor.u32 s9, v2;
	[tilespmem:$0x1FCE0] =	vst v14  }
0x15: {  	s12 =	sor.u32 $0x140, s5;
	v16 =	vor.u32 s11, v2;
	[tilespmem:$0x1FCF0] =	vst v15  }
0x16: {  	s13 =	sor.u32 $0x150, s5;
	v17 =	vor.u32 s12, v2;
	[tilespmem:$0x1FD00] =	vst v16  }
0x17: {  	s14 =	sor.u32 $0x160, s5;
	v18 =	vor.u32 s13, v2;
	[tilespmem:$0x1FD10] =	vst v17  }
0x18: {  	s15 =	sor.u32 $0x170, s5;
	v19 =	vor.u32 s14, v2;
	[tilespmem:$0x1FD20] =	vst v18  }
0x19: {  	s16 =	sor.u32 $0x180, s5;
	v20 =	vor.u32 s15, v2;
	[tilespmem:$0x1FD30] =	vst v19  }
0x1a: {  	s17 =	sor.u32 $0x190, s5;
	v21 =	vor.u32 s16, v2;
	[tilespmem:$0x1FD40] =	vst v20  }
0x1b: {  	s18 =	sor.u32 $0x1A0, s5;
	v22 =	vor.u32 s17, v2;
	[tilespmem:$0x1FD50] =	vst v21  }
0x1c: {  	s19 =	sor.u32 $0x1B0, s5;
	v23 =	vor.u32 s18, v2;
	[tilespmem:$0x1FD60] =	vst v22  }
0x1d: {  	s20 =	sor.u32 $0x1C0, s5;
	v24 =	vor.u32 s19, v2;
	[tilespmem:$0x1FD70] =	vst v23  }
0x1e: {  	s21 =	sor.u32 $0x1D0, s5;
	v25 =	vor.u32 s20, v2;
	[tilespmem:$0x1FD80] =	vst v24  }
0x1f: {  	s22 =	sor.u32 $0x1E0, s5;
	v26 =	vor.u32 s21, v2;
	[tilespmem:$0x1FD90] =	vst v25  }
0x20: {  	s2 =	sor.u32 $0xC0, s5;
	v27 =	vor.u32 s22, v2;
	[tilespmem:$0x1FDA0] =	vst v26  }
0x21: {  	s3 =	sor.u32 $0xD0, s5;
	v9 =	vor.u32 s2, v2;
	[tilespmem:$0x1FDB0] =	vst v27  }
0x22: {  	s23 =	sor.u32 $0x1F0, s5;
	v10 =	vor.u32 s3, v2;
	[tilespmem:$0x1FC90] =	vst v9  }
0x23: {  	s24 =	sor.u32 $0x200, s5;
	v28 =	vor.u32 s23, v2;
	[tilespmem:$0x1FCA0] =	vst v10  }
0x24: {  	s25 =	sor.u32 $0x210, s5;
	v29 =	vor.u32 s24, v2;
	[tilespmem:$0x1FDC0] =	vst v28  }
0x25: {  	s26 =	sor.u32 $0x220, s5;
	v30 =	vor.u32 s25, v2;
	[tilespmem:$0x1FDD0] =	vst v29  }
0x26: {  	s28 =	sor.u32 $0x230, s5;
	v31 =	vor.u32 s26, v2;
	[tilespmem:$0x1FDE0] =	vst v30  }
0x27: {  	s29 =	sor.u32 $0x240, s5;
	v32 =	vor.u32 s28, v2;
	[tilespmem:$0x1FDF0] =	vst v31  }
0x28: {  	s30 =	sor.u32 $0x250, s5;
	v33 =	vor.u32 s29, v2;
	[tilespmem:$0x1FE00] =	vst v32  }
0x29: {  	s31 =	sor.u32 $0x260, s5;
	v34 =	vor.u32 s30, v2;
	[tilespmem:$0x1FE10] =	vst v33  }
0x2a: {  	s4 =	sor.u32 $0x270, s5;
	v35 =	vor.u32 s31, v2;
	[tilespmem:$0x1FE20] =	vst v34  }
0x2b: {  	s6 =	sor.u32 $0x280, s5;
	v36 =	vor.u32 s4, v2;
	[tilespmem:$0x1FE30] =	vst v35  }
0x2c: {  	s7 =	sor.u32 $0x290, s5;
	v37 =	vor.u32 s6, v2;
	[tilespmem:$0x1FE40] =	vst v36  }
0x2d: {  	vm1 =	vcmask $0x704;
	s8 =	sor.u32 $0x2A0, s5;
	v38 =	vor.u32 s7, v2;
	[tilespmem:$0x1FE50] =	vst v37  }
0x2e: {  	vm2 =	vcmask $0x300;
	v1 =	vimm.s32 $0x781;
	s9 =	sor.u32 $0x2B0, s5;
	v39 =	vor.u32 s8, v2;
	[tilespmem:$0x1FE60] =	vst v38  }
0x2f: {  	vm0 =	vcmask $0x700;
	vm14 =	vcmask $0xB08;
	s11 =	sor.u32 $0x2C0, s5;
	v40 =	vor.u32 s9, v2;
	[tilespmem:$0x1FE70] =	vst v39  }
0x30: {  	vm15 =	vcmask $0xF0C;
	vm4 =	vcmask $0x1310;
	s12 =	sor.u32 $0x2D0, s5;
	v41 =	vor.u32 s11, v2;
	[tilespmem:$0x1FE80] =	vst v40  }
0x31: {  	vm5 =	vcmask $0x1714;
	vm6 =	vcmask $0x1B18;
	s13 =	sor.u32 $0x2E0, s5;
	v42 =	vor.u32 s12, v2;
	[tilespmem:$0x1FE90] =	vst v41  }
0x32: {  	vm7 =	vcmask $0x1F1C;
	vm8 =	vcmask $0x2320;
	s14 =	sor.u32 $0x2F0, s5;
	v43 =	vor.u32 s13, v2;
	[tilespmem:$0x1FEA0] =	vst v42  }
0x33: {  	vm9 =	vcmask $0x2724;
	vm10 =	vcmask $0x2B28;
	s15 =	sor.u32 $0x300, s5;
	v44 =	vor.u32 s14, v2;
	[tilespmem:$0x1FEB0] =	vst v43  }
0x34: {  	vm11 =	vcmask $0x2F2C;
	vm12 =	vcmask $0x3330;
	s16 =	sor.u32 $0x310, s5;
	v45 =	vor.u32 s15, v2;
	[tilespmem:$0x1FEC0] =	vst v44  }
0x35: {  	v1 =	vsel vm2, $0x80, v1;
	s17 =	sor.u32 $0x320, s5;
	v46 =	vor.u32 s16, v2;
	v58 =	vimm.s32 $0x100;
	[tilespmem:$0x1FED0] =	vst v45  }
0x36: {  	v1 =	vsel vm1, $0x81, v1;
	s18 =	sor.u32 $0x330, s5;
	v47 =	vor.u32 s17, v2;
	[tilespmem:$0x1FEE0] =	vst v46;
	v0 =	vunpack.c.0.s8.s32 v58  }
0x37: {  	vm13 =	vcmask $0x3734;
	v1 =	vsel vm14, $0x180, v1;
	s19 =	sor.u32 $0x340, s5;
	v48 =	vor.u32 s18, v2;
	[tilespmem:$0x1FEF0] =	vst v47  }
0x38: {  	s20 =	sor.u32 $0x350, s5;
	s21 =	sor.u32 $0x360, s5;
	s1 =	rddreg [dreg:$0x1];
	v1 =	vsel vm15, $0x181, v1;
	v49 =	vor.u32 s19, v2;
	[tilespmem:$0x1FF00] =	vst v48;
	v0 =	vnsel vm0, $0x701, v0  }
0x39: {  	s22 =	sor.u32 $0x370, s5;
	v50 =	vor.u32 s20, v2;
	v51 =	vor.u32 s21, v2;
	s4 =	rddreg [dreg:$0x0];
	[tilespmem:$0x1FF10] =	vst v49;
	v0 =	vsel vm14, $0x100, v0  }
0x3a: {  	p0 =	sne.s32 s10, $0x0;
	s23 =	sor.u32 $0x380, s5;
	v52 =	vor.u32 s22, v2;
	s6 =	rddreg [dreg:$0x2];
	v1 =	vsel vm4, $0x280, v1;
	[tilespmem:$0x1FF20] =	vst v50;
	v0 =	vsel vm15, $0x101, v0  }
0x3b: {  	s24 =	sor.u32 $0x390, s5;
	s25 =	sor.u32 $0x3A0, s5;
	s7 =	rddreg [dreg:$0x3];
	[tilespmem:$0x1FF30] =	vst v51;
	v53 =	vor.u32 s23, v2;
	v1 =	vsel vm5, $0x281, v1;
	v0 =	vsel vm4, $0x200, v0  }
0x3c: {  	s26 =	sor.u32 $0x3B0, s5;
	s28 =	sor.u32 $0x3C0, s5;
	s2 =	rddreg [dreg:$0x4];
	[tilespmem:$0x1FF40] =	vst v52;
	v54 =	vor.u32 s24, v2;
	v1 =	vsel vm6, $0x380, v1;
	v0 =	vsel vm5, $0x201, v0  }
0x3d: {  	s3 =	simm.s32 $0x0;
	s8 =	srdreg.scid;
	s9 =	sshrl.u32 s0, $0x3;
	v55 =	vor.u32 s25, v2;
	[tilespmem:$0x1FF50] =	vst v53;
	v1 =	vsel vm7, $0x381, v1;
	v0 =	vsel vm6, $0x300, v0  }
0x3e: {  	s12 =	sshll.u32 s10, $0x9;
	s17 =	sor.u32 $0x3D0, s5;
	s18 =	sor.u32 $0x3E0, s5;
	v56 =	vor.u32 s26, v2;
	[tilespmem:$0x1FF60] =	vst v54;
	v1 =	vsel vm8, $0x480, v1;
	v0 =	vsel vm7, $0x301, v0  }
0x3f: {  	s30 =	sshll.u32 s0, $0x8;
	s19 =	sor.u32 $0x3F0, s5;
	s10 =	simm.s32 $0x80;
	v57 =	vor.u32 s28, v2;
	[tilespmem:$0x1FF70] =	vst v55;
	v1 =	vsel vm9, $0x481, v1;
	v0 =	vsel vm8, $0x400, v0  }
0x40: {  	s15 =	simm.s32 $0x500;
	s16 =	simm.s32 $0xD80;
	[smem:$0x7FF] =	sst s3;
	v61 =	vor.u32 s17, v2;
	[tilespmem:$0x1FF80] =	vst v56;
	v1 =	vsel vm10, $0x580, v1;
	v0 =	vsel vm9, $0x401, v0  }
0x41: {  	s8 =	sand.u32 $0x1, s8;
	s11 =	sshll.u32 s9, $0x1;
	s4 =	sadd.s32 s4, s12;
	v62 =	vor.u32 s18, v2;
	[tilespmem:$0x1FF90] =	vst v57;
	v1 =	vsel vm11, $0x581, v1;
	v0 =	vsel vm10, $0x500, v0  }
0x42: {  	s5 =	sadd.s32 s30, s7;
	v63 =	vor.u32 s19, v2;
	s11 =	sor.u32 s8, s11;
	_ =	strace $0x80000047;
	[tilespmem:$0x1FFD0] =	vst v61;
	v1 =	vsel vm12, $0x680, v1;
	v0 =	vsel vm11, $0x501, v0  }
0x43: {  	s31 =	sshll.u32 s9, $0xB;
	s8 =	ssub.s32 $0x2, s8;
	s13 =	sshll.u32 s11, $0x4;
	[tilespmem:$0x1FFE0] =	vst v62;
	vm14 =	vcmask $0x3B38;
	v1 =	vsel vm13, $0x681, v1;
	v0 =	vsel vm12, $0x600, v0  }
0x44: {  	s12 =	simm.s32 $0x1;
	s14 =	sshrl.u32 s8, $0x1;
	[tilespmem:$0x1FFF0] =	vst v63;
	s29 =	sadd.s32 s13, s6;
	v59 =	vsel vm14, $0x780, v1;
	v0 =	vsel vm13, $0x601, v0  }
0x45: {  	v60 =	vimm.s32 $0x0;
	s14 =	ssub.s32 s8, s14;
	s4 =	sadd.s32 s13, s4;
	s6 =	sadd.s32 s31, s7;
	vm15 =	vmmov $0xfff;
	[tilespmem:$0x1FFB0] =	vst v59;
	v0 =	vsel vm14, $0x700, v0  }
0x46: {  	s7 =	sshll.u32 s11, $0xD;
	s11 =	simm.s32 $0x200;
	s13 =	simm.s32 $0x400;
	[tilespmem:$0x1FFA0] =	vst v0;
	v0 =	vsel vm15, $0xFFFFFFFF, v60  }
0x47: {  	s8 =	sadd.s32 $0xC00, s29;
	s9 =	smax.u32 s14, $0x1;
	s14 =	simm.s32 $0x2;
	[tilespmem:$0x1FFC0] =	vst v0  }
.LBB2_1:
0x48: {  	[tilespmem:s3], [sflag:$0x1] =	stream.strided.gather [hbm4b:s4+s10], $0x400, s11, s10, $0x38;
	[tilespmem:$0x16A0] =	vst v63  }
0x49: {  	_ =	swait.ge [sflag:s12], $0x400  }
0x4a: {  	[sflag:s12] =	ssyncset.done $0x0  }
0x4b: {  	[sflag:s12] =	ssyncadd.s32 $0xFFFFFC00  }
0x4c: {  	[bflag:$0x0] =	sbarrier.arrive $0xFFFF  }
0x4d: {  	v7 =	vld [tilespmem:$0x0];
	_ =	sdelay $0x1  }
0x4e: {  	v8 =	vld [tilespmem:$0x10];
	_ =	sdelay $0x1  }
0x4f: {  	v63 =	vld [tilespmem:$0x20]  }
0x50: {  	vm0 =	vgt.f32 v7, $-3.000000010e+38  }
0x51: {  	v62 =	vld [tilespmem:$0x30];
	v2 =	vnsel vm0, $0xFF61B1E6, v7  }
0x52: {  	vm1 =	vgt.f32 v8, v2  }
0x53: {  	v61 =	vld [tilespmem:$0x40];
	v2 =	vsel vm1, v8, v2  }
0x54: {  	vm2 =	vgt.f32 v63, v2  }
0x55: {  	v60 =	vld [tilespmem:$0x50];
	v2 =	vsel vm2, v63, v2  }
0x56: {  	vm3 =	vgt.f32 v62, v2  }
0x57: {  	v59 =	vld [tilespmem:$0x60];
	v2 =	vsel vm3, v62, v2  }
0x58: {  	vm4 =	vgt.f32 v61, v2  }
0x59: {  	v58 =	vld [tilespmem:$0x70];
	v2 =	vsel vm4, v61, v2  }
0x5a: {  	vm5 =	vgt.f32 v60, v2  }
0x5b: {  	v57 =	vld [tilespmem:$0x80];
	v2 =	vsel vm5, v60, v2  }
0x5c: {  	vm6 =	vgt.f32 v59, v2  }
0x5d: {  	v56 =	vld [tilespmem:$0x90];
	v2 =	vsel vm6, v59, v2  }
0x5e: {  	vm7 =	vgt.f32 v58, v2  }
0x5f: {  	v55 =	vld [tilespmem:$0xA0];
	v2 =	vsel vm7, v58, v2  }
0x60: {  	vm8 =	vgt.f32 v57, v2  }
0x61: {  	v54 =	vld [tilespmem:$0xB0];
	v2 =	vsel vm8, v57, v2  }
0x62: {  	vm9 =	vgt.f32 v56, v2  }
0x63: {  	v53 =	vld [tilespmem:$0xC0];
	v2 =	vsel vm9, v56, v2  }
0x64: {  	vm10 =	vgt.f32 v55, v2  }
0x65: {  	v52 =	vld [tilespmem:$0xD0];
	v2 =	vsel vm10, v55, v2  }
0x66: {  	vm11 =	vgt.f32 v54, v2  }
0x67: {  	v51 =	vld [tilespmem:$0xE0];
	v2 =	vsel vm11, v54, v2  }
0x68: {  	vm12 =	vgt.f32 v53, v2  }
0x69: {  	v49 =	vld [tilespmem:$0xF0];
	v2 =	vsel vm12, v53, v2  }
0x6a: {  	vm13 =	vgt.f32 v52, v2  }
0x6b: {  	v50 =	vld [tilespmem:$0x100];
	v2 =	vsel vm13, v52, v2  }
0x6c: {  	vm14 =	vgt.f32 v51, v2  }
0x6d: {  	v0 =	vimm.s32 $0x0;
	v48 =	vld [tilespmem:$0x110];
	v2 =	vsel vm14, v51, v2  }
0x6e: {  	v0 =	vsel vm14, $0xFFFFFFFF, v0;
	vm14 =	vgt.f32 v49, v2  }
0x6f: {  	v43 =	vimm.s32 $0x0;
	v47 =	vld [tilespmem:$0x120];
	v2 =	vsel vm14, v49, v2  }
0x70: {  	[tilespmem:$0x1F6A0] =	vst v0;
	v0 =	vsel vm14, $0xFFFFFFFF, v43;
	vm14 =	vgt.f32 v50, v2  }
0x71: {  	v44 =	vimm.s32 $0x0;
	v2 =	vsel vm14, v50, v2  }
0x72: {  	[tilespmem:$0x1F6B0] =	vst v0;
	v0 =	vsel vm14, $0xFFFFFFFF, v44;
	vm14 =	vgt.f32 v48, v2  }
0x73: {  	v45 =	vimm.s32 $0x0;
	v46 =	vld [tilespmem:$0x130];
	v2 =	vsel vm14, v48, v2  }
0x74: {  	v4 =	vimm.s32 $0x0;
	[tilespmem:$0x1F6C0] =	vst v0;
	v0 =	vsel vm14, $0xFFFFFFFF, v45;
	vm14 =	vgt.f32 v47, v2  }
0x75: {  	v45 =	vld [tilespmem:$0x140];
	[tilespmem:$0x1F6D0] =	vst v0;
	v0 =	vsel vm14, $0xFFFFFFFF, v4  }
0x76: {  	[tilespmem:$0x1F6E0] =	vst v0  }
0x77: {  	v2 =	vsel vm14, v47, v2;
	v44 =	vld [tilespmem:$0x150]  }
0x78: {  	vm14 =	vgt.f32 v46, v2  }
0x79: {  	v5 =	vimm.s32 $0x0;
	v2 =	vsel vm14, v46, v2;
	v43 =	vld [tilespmem:$0x160]  }
0x7a: {  	v0 =	vsel vm14, $0xFFFFFFFF, v5;
	vm14 =	vgt.f32 v45, v2  }
0x7b: {  	v6 =	vimm.s32 $0x0;
	v42 =	vld [tilespmem:$0x170];
	v2 =	vsel vm14, v45, v2  }
0x7c: {  	[tilespmem:$0x1F6F0] =	vst v0;
	v0 =	vsel vm14, $0xFFFFFFFF, v6;
	vm14 =	vgt.f32 v44, v2  }
0x7d: {  	v9 =	vimm.s32 $0x0;
	v41 =	vld [tilespmem:$0x180];
	v2 =	vsel vm14, v44, v2  }
0x7e: {  	[tilespmem:$0x1F700] =	vst v0;
	v0 =	vsel vm14, $0xFFFFFFFF, v9;
	vm14 =	vgt.f32 v43, v2  }
0x7f: {  	v10 =	vimm.s32 $0x0;
	v40 =	vld [tilespmem:$0x190];
	v2 =	vsel vm14, v43, v2  }
0x80: {  	[tilespmem:$0x1F710] =	vst v0;
	v0 =	vsel vm14, $0xFFFFFFFF, v10;
	vm14 =	vgt.f32 v42, v2  }
0x81: {  	v11 =	vimm.s32 $0x0;
	v39 =	vld [tilespmem:$0x1A0];
	v2 =	vsel vm14, v42, v2  }
0x82: {  	[tilespmem:$0x1F720] =	vst v0;
	v0 =	vsel vm14, $0xFFFFFFFF, v11;
	vm14 =	vgt.f32 v41, v2  }
0x83: {  	v12 =	vimm.s32 $0x0;
	v38 =	vld [tilespmem:$0x1B0];
	v2 =	vsel vm14, v41, v2  }
0x84: {  	[tilespmem:$0x1F730] =	vst v0;
	v0 =	vsel vm14, $0xFFFFFFFF, v12;
	vm14 =	vgt.f32 v40, v2  }
0x85: {  	v13 =	vimm.s32 $0x0;
	v37 =	vld [tilespmem:$0x1C0];
	v2 =	vsel vm14, v40, v2  }
0x86: {  	[tilespmem:$0x1F740] =	vst v0;
	v0 =	vsel vm14, $0xFFFFFFFF, v13;
	vm14 =	vgt.f32 v39, v2  }
0x87: {  	v14 =	vimm.s32 $0x0;
	v36 =	vld [tilespmem:$0x1D0];
	v2 =	vsel vm14, v39, v2  }
0x88: {  	[tilespmem:$0x1F750] =	vst v0;
	v0 =	vsel vm14, $0xFFFFFFFF, v14;
	vm14 =	vgt.f32 v38, v2  }
0x89: {  	v15 =	vimm.s32 $0x0;
	v35 =	vld [tilespmem:$0x1E0];
	v2 =	vsel vm14, v38, v2  }
0x8a: {  	[tilespmem:$0x1F760] =	vst v0;
	v0 =	vsel vm14, $0xFFFFFFFF, v15;
	vm14 =	vgt.f32 v37, v2  }
0x8b: {  	v16 =	vimm.s32 $0x0;
	v34 =	vld [tilespmem:$0x1F0];
	v2 =	vsel vm14, v37, v2  }
0x8c: {  	[tilespmem:$0x1F770] =	vst v0;
	v0 =	vsel vm14, $0xFFFFFFFF, v16;
	vm14 =	vgt.f32 v36, v2  }
0x8d: {  	v17 =	vimm.s32 $0x0;
	v33 =	vld [tilespmem:$0x200];
	v2 =	vsel vm14, v36, v2  }
0x8e: {  	[tilespmem:$0x1F780] =	vst v0;
	v0 =	vsel vm14, $0xFFFFFFFF, v17;
	vm14 =	vgt.f32 v35, v2  }
0x8f: {  	v18 =	vimm.s32 $0x0;
	v32 =	vld [tilespmem:$0x210];
	v2 =	vsel vm14, v35, v2  }
0x90: {  	[tilespmem:$0x1F790] =	vst v0;
	v0 =	vsel vm14, $0xFFFFFFFF, v18;
	vm14 =	vgt.f32 v34, v2  }
0x91: {  	v19 =	vimm.s32 $0x0;
	v31 =	vld [tilespmem:$0x220];
	v2 =	vsel vm14, v34, v2  }
0x92: {  	v30 =	vld [tilespmem:$0x230];
	[tilespmem:$0x1F7A0] =	vst v0;
	v0 =	vsel vm14, $0xFFFFFFFF, v19;
	vm14 =	vgt.f32 v33, v2  }
0x93: {  	v20 =	vimm.s32 $0x0;
	v29 =	vld [tilespmem:$0x240];
	v2 =	vsel vm14, v33, v2  }
0x94: {  	v28 =	vld [tilespmem:$0x250];
	[tilespmem:$0x1F7B0] =	vst v0;
	v0 =	vsel vm14, $0xFFFFFFFF, v20;
	vm14 =	vgt.f32 v32, v2  }
0x95: {  	v21 =	vimm.s32 $0x0;
	v1 =	vld [tilespmem:$0x260];
	v2 =	vsel vm14, v32, v2  }
0x96: {  	v10 =	vld [tilespmem:$0x1FBD0];
	[tilespmem:$0x1F7C0] =	vst v0;
	v0 =	vsel vm14, $0xFFFFFFFF, v21;
	vm14 =	vgt.f32 v31, v2  }
0x97: {  	v22 =	vimm.s32 $0x0;
	v9 =	vld [tilespmem:$0x1FBE0];
	v2 =	vsel vm14, v31, v2  }
0x98: {  	v4 =	vld [tilespmem:$0x270];
	[tilespmem:$0x1F7D0] =	vst v0;
	v0 =	vsel vm14, $0xFFFFFFFF, v22;
	vm14 =	vgt.f32 v30, v2  }
0x99: {  	v23 =	vimm.s32 $0x0;
	v25 =	vld [tilespmem:$0x280];
	v2 =	vsel vm14, v30, v2  }
0x9a: {  	v27 =	vld [tilespmem:$0x2A0];
	[tilespmem:$0x1F7E0] =	vst v0;
	v0 =	vsel vm14, $0xFFFFFFFF, v23;
	vm14 =	vgt.f32 v29, v2  }
0x9b: {  	v6 =	vld [tilespmem:$0x1F6E0];
	v3 =	vnsel vm0, $0x0, v10;
	v2 =	vsel vm14, v29, v2  }
0x9c: {  	v11 =	vld [tilespmem:$0x1FBF0];
	v3 =	vsel vm1, v9, v3;
	vm1 =	vgt.f32 v28, v2  }
0x9d: {  	v12 =	vld [tilespmem:$0x1FC00];
	v2 =	vsel vm1, v28, v2  }
0x9e: {  	v13 =	vld [tilespmem:$0x1FC20];
	vm15 =	vgt.f32 v1, v2  }
0x9f: {  	[tilespmem:$0x1F850] =	vst v1;
	v2 =	vsel vm15, v1, v2;
	v1 =	vld [tilespmem:$0x290]  }
0xa0: {  	v5 =	vimm.s32 $0x0;
	v14 =	vld [tilespmem:$0x1FC10];
	vm0 =	vgt.f32 v4, v2  }
0xa1: {  	v26 =	vimm.s32 $0x0;
	v15 =	vld [tilespmem:$0x1FC40];
	v5 =	vsel vm15, $0xFFFFFFFF, v5;
	v2 =	vsel vm0, v4, v2  }
0xa2: {  	v24 =	vimm.s32 $0x0;
	v16 =	vld [tilespmem:$0x1FC30];
	[tilespmem:$0x1F810] =	vst v5;
	v5 =	vsel vm0, $0xFFFFFFFF, v26;
	vm0 =	vgt.f32 v25, v2  }
0xa3: {  	v17 =	vld [tilespmem:$0x1FC60];
	[tilespmem:$0x1F7F0] =	vst v0;
	v0 =	vsel vm14, $0xFFFFFFFF, v24;
	v24 =	vimm.s32 $0x0;
	v2 =	vsel vm0, v25, v2  }
0xa4: {  	v3 =	vsel vm2, v11, v3;
	v18 =	vld [tilespmem:$0x1FC50];
	[tilespmem:$0x1F820] =	vst v5;
	v5 =	vsel vm0, $0xFFFFFFFF, v24;
	vm0 =	vgt.f32 v1, v2  }
0xa5: {  	v3 =	vsel vm3, v12, v3;
	v19 =	vld [tilespmem:$0x1FC80];
	v2 =	vsel vm0, v1, v2  }
0xa6: {  	v3 =	vsel vm4, v14, v3;
	v20 =	vld [tilespmem:$0x1FC70];
	vm14 =	vgt.f32 v27, v2  }
0xa7: {  	[tilespmem:$0x1F890] =	vst v27;
	v3 =	vsel vm5, v13, v3;
	v2 =	vsel vm14, v27, v2;
	v27 =	vld [tilespmem:$0x1F6B0]  }
0xa8: {  	v3 =	vsel vm6, v16, v3;
	v21 =	vld [tilespmem:$0x1FCA0]  }
0xa9: {  	v3 =	vsel vm7, v15, v3;
	v22 =	vld [tilespmem:$0x1FC90]  }
0xaa: {  	[tilespmem:$0x1F870] =	vst v25;
	v3 =	vsel vm8, v18, v3;
	v26 =	vld [tilespmem:$0x1F6A0];
	v25 =	vimm.s32 $0x0  }
0xab: {  	v3 =	vsel vm9, v17, v3;
	[tilespmem:$0x1F830] =	vst v5;
	v5 =	vsel vm0, $0xFFFFFFFF, v25;
	v25 =	vld [tilespmem:$0x1F6C0]  }
0xac: {  	v3 =	vsel vm10, v20, v3;
	vm10 =	vnez.u8 v27;
	v27 =	vld [tilespmem:$0x1F6D0]  }
0xad: {  	v24 =	vld [tilespmem:$0x1FCB0]  }
0xae: {  	v23 =	vld [tilespmem:$0x1FCC0]  }
0xaf: {  	v3 =	vsel vm11, v19, v3;
	vm9 =	vnez.u8 v26;
	v26 =	vld [tilespmem:$0x1FCD0]  }
0xb0: {  	v3 =	vsel vm12, v22, v3;
	vm11 =	vnez.u8 v25;
	v25 =	vld [tilespmem:$0x1FCE0]  }
0xb1: {  	v3 =	vsel vm13, v21, v3;
	vm15 =	vnez.u8 v27;
	v27 =	vld [tilespmem:$0x1FCF0]  }
0xb2: {  	[tilespmem:$0x1F840] =	vst v5;
	v5 =	vld [tilespmem:$0x1F6F0];
	v3 =	vsel vm9, v24, v3  }
0xb3: {  	v3 =	vsel vm10, v23, v3  }
0xb4: {  	v3 =	vsel vm11, v26, v3  }
0xb5: {  	vm4 =	vnez.u8 v6;
	v6 =	vld [tilespmem:$0x1F700];
	v3 =	vsel vm15, v25, v3  }
0xb6: {  	v3 =	vsel vm4, v27, v3;
	v27 =	vld [tilespmem:$0x1FD00]  }
0xb7: {  	vm5 =	vnez.u8 v5;
	v5 =	vld [tilespmem:$0x1FD10];
	_ =	sdelay $0x3  }
0xb8: {  	vm6 =	vnez.u8 v6;
	v6 =	vld [tilespmem:$0x1F710];
	v3 =	vsel vm5, v27, v3  }
0xb9: {  	v3 =	vsel vm6, v5, v3;
	v5 =	vld [tilespmem:$0x1FD20];
	_ =	sdelay $0x3  }
0xba: {  	vm7 =	vnez.u8 v6;
	v6 =	vld [tilespmem:$0x1F720]  }
0xbb: {  	v3 =	vsel vm7, v5, v3;
	v5 =	vld [tilespmem:$0x1FD30];
	_ =	sdelay $0x3  }
0xbc: {  	vm8 =	vnez.u8 v6;
	v6 =	vld [tilespmem:$0x1F730]  }
0xbd: {  	v3 =	vsel vm8, v5, v3;
	v5 =	vld [tilespmem:$0x1FD40];
	_ =	sdelay $0x3  }
0xbe: {  	vm15 =	vnez.u8 v6;
	v6 =	vld [tilespmem:$0x1F740]  }
0xbf: {  	v3 =	vsel vm15, v5, v3;
	v5 =	vld [tilespmem:$0x1FD50];
	_ =	sdelay $0x3  }
0xc0: {  	vm4 =	vnez.u8 v6;
	v6 =	vld [tilespmem:$0x1F750]  }
0xc1: {  	v3 =	vsel vm4, v5, v3;
	v5 =	vld [tilespmem:$0x1FD60];
	_ =	sdelay $0x3  }
0xc2: {  	vm5 =	vnez.u8 v6;
	v6 =	vld [tilespmem:$0x1F760]  }
0xc3: {  	v3 =	vsel vm5, v5, v3;
	v5 =	vld [tilespmem:$0x1FD70];
	_ =	sdelay $0x3  }
0xc4: {  	vm6 =	vnez.u8 v6;
	v6 =	vld [tilespmem:$0x1F770]  }
0xc5: {  	v3 =	vsel vm6, v5, v3;
	v5 =	vld [tilespmem:$0x1FD80];
	_ =	sdelay $0x3  }
0xc6: {  	vm15 =	vnez.u8 v6;
	v6 =	vld [tilespmem:$0x1F780]  }
0xc7: {  	v3 =	vsel vm15, v5, v3;
	v5 =	vld [tilespmem:$0x1FD90];
	_ =	sdelay $0x3  }
0xc8: {  	vm4 =	vnez.u8 v6;
	v6 =	vld [tilespmem:$0x1F790]  }
0xc9: {  	v3 =	vsel vm4, v5, v3;
	v5 =	vld [tilespmem:$0x1FDA0];
	_ =	sdelay $0x3  }
0xca: {  	vm5 =	vnez.u8 v6;
	v6 =	vld [tilespmem:$0x1F7A0]  }
0xcb: {  	v3 =	vsel vm5, v5, v3;
	v5 =	vld [tilespmem:$0x1FDB0];
	_ =	sdelay $0x3  }
0xcc: {  	vm15 =	vnez.u8 v6;
	v6 =	vld [tilespmem:$0x1F7B0]  }
0xcd: {  	v3 =	vsel vm15, v5, v3;
	v5 =	vld [tilespmem:$0x1FDC0];
	_ =	sdelay $0x3  }
0xce: {  	vm4 =	vnez.u8 v6;
	v6 =	vld [tilespmem:$0x1F7C0]  }
0xcf: {  	v3 =	vsel vm4, v5, v3;
	v5 =	vld [tilespmem:$0x1FDD0];
	_ =	sdelay $0x3  }
0xd0: {  	vm15 =	vnez.u8 v6;
	v6 =	vld [tilespmem:$0x1F7D0]  }
0xd1: {  	v3 =	vsel vm15, v5, v3;
	v5 =	vld [tilespmem:$0x1FDE0];
	_ =	sdelay $0x3  }
0xd2: {  	vm15 =	vnez.u8 v6;
	v6 =	vld [tilespmem:$0x1F7E0]  }
0xd3: {  	v3 =	vsel vm15, v5, v3;
	v5 =	vld [tilespmem:$0x1FDF0];
	_ =	sdelay $0x3  }
0xd4: {  	vm15 =	vnez.u8 v6;
	v6 =	vld [tilespmem:$0x1F7F0]  }
0xd5: {  	v3 =	vsel vm15, v5, v3;
	v5 =	vld [tilespmem:$0x1FE00];
	_ =	sdelay $0x2  }
0xd6: {  	[tilespmem:$0x1F800] =	vst v0  }
0xd7: {  	vm15 =	vnez.u8 v6;
	v6 =	vld [tilespmem:$0x1F800]  }
0xd8: {  	v3 =	vsel vm15, v5, v3;
	v5 =	vld [tilespmem:$0x1FE10];
	_ =	sdelay $0x3  }
0xd9: {  	vm15 =	vnez.u8 v6  }
0xda: {  	v3 =	vsel vm15, v5, v3;
	v5 =	vld [tilespmem:$0x1FE20];
	_ =	sdelay $0x3  }
0xdb: {  	v6 =	vld [tilespmem:$0x1F810]  }
0xdc: {  	v3 =	vsel vm1, v5, v3;
	v5 =	vld [tilespmem:$0x1FE30];
	_ =	sdelay $0x3  }
0xdd: {  	vm15 =	vnez.u8 v6;
	v6 =	vld [tilespmem:$0x1F820]  }
0xde: {  	v3 =	vsel vm15, v5, v3;
	v5 =	vld [tilespmem:$0x1FE40];
	_ =	sdelay $0x3  }
0xdf: {  	vm15 =	vnez.u8 v6;
	v6 =	vld [tilespmem:$0x1F830]  }
0xe0: {  	v3 =	vsel vm15, v5, v3;
	v5 =	vld [tilespmem:$0x1FE50];
	_ =	sdelay $0x1  }
0xe1: {  	v0 =	vld [tilespmem:$0x2B0]  }
0xe2: {  	[tilespmem:$0x1F880] =	vst v1;
	v1 =	vld [tilespmem:$0x2C0]  }
0xe3: {  	vm15 =	vnez.u8 v6;
	v6 =	vld [tilespmem:$0x1F840]  }
0xe4: {  	v3 =	vsel vm15, v5, v3;
	v5 =	vld [tilespmem:$0x1FE60];
	_ =	sdelay $0x1  }
0xe5: {  	[tilespmem:$0x1F860] =	vst v4;
	v4 =	vld [tilespmem:$0x2D0]  }
0xe6: {  	vm13 =	vgt.f32 v0, v2  }
0xe7: {  	[tilespmem:$0x1F8A0] =	vst v0;
	v2 =	vsel vm13, v0, v2;
	v0 =	vld [tilespmem:$0x2E0];
	vm15 =	vnez.u8 v6  }
0xe8: {  	vm12 =	vgt.f32 v1, v2;
	v3 =	vsel vm15, v5, v3;
	v5 =	vld [tilespmem:$0x1FE70]  }
0xe9: {  	[tilespmem:$0x1F8C0] =	vst v1;
	v2 =	vsel vm12, v1, v2;
	v1 =	vld [tilespmem:$0x2F0]  }
0xea: {  	vm11 =	vgt.f32 v4, v2  }
0xeb: {  	[tilespmem:$0x1F8F0] =	vst v4;
	v2 =	vsel vm11, v4, v2;
	v4 =	vld [tilespmem:$0x300]  }
0xec: {  	vm10 =	vgt.f32 v0, v2  }
0xed: {  	v2 =	vsel vm10, v0, v2;
	v3 =	vsel vm14, v5, v3;
	v5 =	vld [tilespmem:$0x1FE80]  }
0xee: {  	vm9 =	vgt.f32 v1, v2  }
0xef: {  	[tilespmem:$0x1F920] =	vst v0;
	v0 =	vld [tilespmem:$0x310];
	v2 =	vsel vm9, v1, v2  }
0xf0: {  	[tilespmem:$0x1F950] =	vst v1;
	v1 =	vld [tilespmem:$0x320];
	vm8 =	vgt.f32 v4, v2  }
0xf1: {  	[tilespmem:$0x1F980] =	vst v4;
	v2 =	vsel vm8, v4, v2;
	v4 =	vld [tilespmem:$0x330]  }
0xf2: {  	v3 =	vsel vm13, v5, v3;
	v5 =	vld [tilespmem:$0x1FE90]  }
0xf3: {  	v6 =	vld [tilespmem:$0x1FEA0]  }
0xf4: {  	vm7 =	vgt.f32 v0, v2  }
0xf5: {  	[tilespmem:$0x1F9B0] =	vst v0;
	v2 =	vsel vm7, v0, v2;
	v0 =	vld [tilespmem:$0x340]  }
0xf6: {  	vm6 =	vgt.f32 v1, v2  }
0xf7: {  	[tilespmem:$0x1F9E0] =	vst v1;
	v2 =	vsel vm6, v1, v2;
	v1 =	vld [tilespmem:$0x350];
	v5 =	vsel vm12, v5, v3  }
0xf8: {  	vm5 =	vgt.f32 v4, v2;
	v5 =	vsel vm11, v6, v5;
	v6 =	vld [tilespmem:$0x1FEB0]  }
0xf9: {  	[tilespmem:$0x1FA10] =	vst v4;
	v2 =	vsel vm5, v4, v2;
	v4 =	vld [tilespmem:$0x360]  }
0xfa: {  	vm4 =	vgt.f32 v0, v2  }
0xfb: {  	[tilespmem:$0x1FA40] =	vst v0;
	v2 =	vsel vm4, v0, v2;
	v0 =	vld [tilespmem:$0x370]  }
0xfc: {  	vm3 =	vgt.f32 v1, v2  }
0xfd: {  	v2 =	vsel vm3, v1, v2;
	v5 =	vsel vm10, v6, v5;
	v6 =	vld [tilespmem:$0x1FEC0]  }
0xfe: {  	[tilespmem:$0x1FA70] =	vst v1;
	v1 =	vld [tilespmem:$0x380];
	vm2 =	vgt.f32 v4, v2  }
0xff: {  	v2 =	vsel vm2, v4, v2  }
0x100: {  	[tilespmem:$0x1FAA0] =	vst v4;
	v4 =	vld [tilespmem:$0x390];
	vm1 =	vgt.f32 v0, v2  }
0x101: {  	[tilespmem:$0x1FAD0] =	vst v0;
	v2 =	vsel vm1, v0, v2;
	v0 =	vld [tilespmem:$0x3A0]  }
0x102: {  	v6 =	vsel vm9, v6, v5;
	v5 =	vld [tilespmem:$0x1FED0]  }
0x103: {  	vm0 =	vgt.f32 v1, v2  }
0x104: {  	[tilespmem:$0x1FAF0] =	vst v1;
	v2 =	vsel vm0, v1, v2;
	v1 =	vld [tilespmem:$0x3B0]  }
0x105: {  	vm15 =	vgt.f32 v4, v2  }
0x106: {  	[tilespmem:$0x1FB20] =	vst v4;
	v2 =	vsel vm15, v4, v2;
	v4 =	vld [tilespmem:$0x3C0]  }
0x107: {  	vm13 =	vgt.f32 v0, v2;
	v6 =	vsel vm8, v5, v6;
	v5 =	vld [tilespmem:$0x1FEE0]  }
0x108: {  	v3 =	vsel vm13, v0, v2  }
0x109: {  	vm11 =	vgt.f32 v1, v3  }
0x10a: {  	v3 =	vsel vm11, v1, v3  }
0x10b: {  	vm12 =	vgt.f32 v4, v3  }
0x10c: {  	[tilespmem:$0x1FB50] =	vst v0;
	v0 =	vsel vm12, v4, v3;
	v3 =	vsel vm7, v5, v6;
	v6 =	vmov v5;
	v5 =	vld [tilespmem:$0x1FEF0];
	_ =	sdelay $0x4  }
0x10d: {  	v3 =	vsel vm6, v5, v3;
	v5 =	vld [tilespmem:$0x1FF00];
	_ =	sdelay $0x1  }
0x10e: {  	v2 =	vld [tilespmem:$0x3D0];
	_ =	sdelay $0x1  }
0x10f: {  	[tilespmem:$0x1FB70] =	vst v1;
	v1 =	vld [tilespmem:$0x3E0]  }
0x110: {  	v3 =	vsel vm5, v5, v3;
	v5 =	vld [tilespmem:$0x1FF10]  }
0x111: {  	[tilespmem:$0x1FB80] =	vst v4;
	v4 =	vld [tilespmem:$0x3F0]  }
0x112: {  	vm14 =	vgt.f32 v2, v0  }
0x113: {  	v0 =	vsel vm14, v2, v0  }
0x114: {  	vm8 =	vgt.f32 v1, v0  }
0x115: {  	v0 =	vsel vm8, v1, v0;
	v3 =	vsel vm4, v5, v3;
	v5 =	vld [tilespmem:$0x1FF20]  }
0x116: {  	[tilespmem:$0x1FBA0] =	vst v1;
	v1 =	vld [tilespmem:$0x1FF30];
	vm10 =	vgt.f32 v4, v0  }
0x117: {  	[tilespmem:$0x1FBB0] =	vst v4;
	v0 =	vsel vm10, v4, v0;
	v4 =	vld [tilespmem:$0x1FF40];
	_ =	sdelay $0x2  }
0x118: {  	v3 =	vsel vm3, v5, v3  }
0x119: {  	v3 =	vsel vm2, v1, v3  }
0x11a: {  	v3 =	vsel vm1, v4, v3;
	v4 =	vld [tilespmem:$0x1FF50];
	_ =	sdelay $0x4  }
0x11b: {  	v3 =	vsel vm0, v4, v3;
	v4 =	vld [tilespmem:$0x1FF60];
	_ =	sdelay $0x4  }
0x11c: {  	v3 =	vsel vm15, v4, v3;
	v4 =	vld [tilespmem:$0x1FF70];
	_ =	sdelay $0x4  }
0x11d: {  	v3 =	vsel vm13, v4, v3;
	v4 =	vld [tilespmem:$0x1FF80];
	_ =	sdelay $0x4  }
0x11e: {  	v3 =	vsel vm11, v4, v3;
	v4 =	vld [tilespmem:$0x1FF90];
	_ =	sdelay $0x4  }
0x11f: {  	v3 =	vsel vm12, v4, v3;
	v4 =	vld [tilespmem:$0x1FFD0];
	_ =	sdelay $0x4  }
0x120: {  	v3 =	vsel vm14, v4, v3;
	v4 =	vld [tilespmem:$0x1FFE0];
	_ =	sdelay $0x1  }
0x121: {  	(xrf0) =	vmax.scan.msk.f32 $0xffff, v0;
	_ =	sdelay $0x2  }
0x122: {  	v3 =	vsel vm8, v4, v3;
	v4 =	vld [tilespmem:$0x1FFF0];
	_ =	sdelay $0x2  }
0x123: {  	v1, _, _ =	vpop (xrf0)  }
0x124: {  	v1 =	vbroadcast v1, $0xF  }
0x125: {  	v3 =	vsel vm10, v4, v3  }
0x126: {  	vm12 =	veq.f32 v0, v1;
	v4 =	vxor.u32 $0x80000000, v3  }
0x127: {  	v0 =	vnsel vm12, $0x80002000, v4  }
0x128: {  	(xrf0) =	vmin.scan.msk.u32 $0xffff, v0;
	_ =	sdelay $0x5  }
0x129: {  	v0, _, _ =	vpop (xrf0)  }
0x12a: {  	(v2sf) =	vpush v0, $0xF;
	_ =	sdelay $0xe  }
0x12b: {  	s17 =	spop (v2sf)  }
0x12c: {  	s17 =	sxor.u32 $0x80000000, s17  }
0x12d: {  	vm13 =	veq.s32 v10, s17  }
0x12e: {  	v7 =	vsel vm13, $0xFF61B1E6, v7  }
0x12f: {  	vm14 =	veq.s32 v9, s17;
	vm1 =	vgt.f32 v7, $-3.000000010e+38  }
0x130: {  	v8 =	vsel vm14, $0xFF61B1E6, v8;
	v0 =	vnsel vm1, $0xFF61B1E6, v7  }
0x131: {  	vm15 =	veq.s32 v11, s17;
	vm2 =	vgt.f32 v8, v0  }
0x132: {  	v63 =	vsel vm15, $0xFF61B1E6, v63;
	v0 =	vsel vm2, v8, v0  }
0x133: {  	vm4 =	veq.s32 v12, s17;
	vm3 =	vgt.f32 v63, v0  }
0x134: {  	v4 =	vsel vm4, $0xFF61B1E6, v62;
	v0 =	vsel vm3, v63, v0  }
0x135: {  	vm5 =	veq.s32 v14, s17;
	vm4 =	vgt.f32 v4, v0  }
0x136: {  	v7 =	vsel vm5, $0xFF61B1E6, v61;
	v0 =	vsel vm4, v4, v0  }
0x137: {  	vm6 =	veq.s32 v13, s17;
	vm5 =	vgt.f32 v7, v0  }
0x138: {  	v8 =	vsel vm6, $0xFF61B1E6, v60;
	v0 =	vsel vm5, v7, v0  }
0x139: {  	vm7 =	veq.s32 v16, s17;
	vm6 =	vgt.f32 v8, v0  }
0x13a: {  	v60 =	vsel vm7, $0xFF61B1E6, v59;
	v0 =	vsel vm6, v8, v0  }
0x13b: {  	vm8 =	veq.s32 v15, s17;
	vm7 =	vgt.f32 v60, v0  }
0x13c: {  	v61 =	vsel vm8, $0xFF61B1E6, v58;
	v0 =	vsel vm7, v60, v0  }
0x13d: {  	vm9 =	veq.s32 v18, s17;
	vm8 =	vgt.f32 v61, v0  }
0x13e: {  	v62 =	vsel vm9, $0xFF61B1E6, v57;
	v0 =	vsel vm8, v61, v0  }
0x13f: {  	vm10 =	veq.s32 v17, s17;
	vm9 =	vgt.f32 v62, v0  }
0x140: {  	v63 =	vsel vm10, $0xFF61B1E6, v56;
	v0 =	vsel vm9, v62, v0  }
0x141: {  	vm11 =	veq.s32 v20, s17;
	vm10 =	vgt.f32 v63, v0  }
0x142: {  	v4 =	vsel vm11, $0xFF61B1E6, v55;
	v0 =	vsel vm10, v63, v0  }
0x143: {  	vm12 =	veq.s32 v19, s17;
	vm0 =	veq.s32 v23, s17;
	vm11 =	vgt.f32 v4, v0  }
0x144: {  	vm13 =	veq.s32 v22, s17;
	v7 =	vsel vm12, $0xFF61B1E6, v54;
	v0 =	vsel vm11, v4, v0  }
0x145: {  	vm14 =	veq.s32 v21, s17;
	v55 =	vsel vm0, $0xFF61B1E6, v49;
	vm12 =	vgt.f32 v7, v0  }
0x146: {  	vm0 =	veq.s32 v26, s17;
	v8 =	vsel vm13, $0xFF61B1E6, v53;
	v0 =	vsel vm12, v7, v0  }
0x147: {  	v57 =	vsel vm0, $0xFF61B1E6, v50;
	vm0 =	veq.s32 v25, s17;
	vm13 =	vgt.f32 v8, v0  }
0x148: {  	v52 =	vsel vm14, $0xFF61B1E6, v52;
	v59 =	vsel vm0, $0xFF61B1E6, v48;
	v48 =	vld [tilespmem:$0x1FCF0];
	v0 =	vsel vm13, v8, v0  }
0x149: {  	vm15 =	veq.s32 v24, s17;
	vm14 =	vgt.f32 v52, v0  }
0x14a: {  	v53 =	vsel vm15, $0xFF61B1E6, v51;
	v0 =	vsel vm14, v52, v0  }
0x14b: {  	vm15 =	vgt.f32 v53, v0  }
0x14c: {  	v54 =	vimm.s32 $0x0;
	v0 =	vsel vm15, v53, v0  }
0x14d: {  	[tilespmem:$0x1FB90] =	vst v2;
	vm0 =	veq.s32 v48, s17;
	v2 =	vsel vm15, $0xFFFFFFFF, v54;
	vm15 =	vgt.f32 v55, v0  }
0x14e: {  	v56 =	vimm.s32 $0x0;
	v61 =	vsel vm0, $0xFF61B1E6, v47;
	v0 =	vsel vm15, v55, v0  }
0x14f: {  	vm0 =	veq.s32 v27, s17;
	[tilespmem:$0x1F8B0] =	vst v2;
	v2 =	vsel vm15, $0xFFFFFFFF, v56;
	vm15 =	vgt.f32 v57, v0  }
0x150: {  	v58 =	vimm.s32 $0x0;
	v63 =	vsel vm0, $0xFF61B1E6, v46;
	v46 =	vld [tilespmem:$0x1FD10];
	v0 =	vsel vm15, v57, v0  }
0x151: {  	[tilespmem:$0x1FBC0] =	vst v1;
	v1 =	vsel vm15, $0xFFFFFFFF, v58;
	vm15 =	vgt.f32 v59, v0  }
0x152: {  	v60 =	vimm.s32 $0x0;
	v0 =	vsel vm15, v59, v0  }
0x153: {  	[tilespmem:$0x1F8D0] =	vst v2;
	v2 =	vsel vm15, $0xFFFFFFFF, v60;
	vm15 =	vgt.f32 v61, v0  }
0x154: {  	v62 =	vimm.s32 $0x0;
	v0 =	vsel vm15, v61, v0  }
0x155: {  	vm0 =	veq.s32 v46, s17;
	[tilespmem:$0x1F8E0] =	vst v1;
	v1 =	vsel vm15, $0xFFFFFFFF, v62;
	vm15 =	vgt.f32 v63, v0  }
0x156: {  	v7 =	vimm.s32 $0x0;
	v8 =	vsel vm0, $0xFF61B1E6, v45;
	v0 =	vsel vm15, v63, v0  }
0x157: {  	v47 =	vimm.s32 $0x0;
	[tilespmem:$0x1F900] =	vst v2;
	v2 =	vsel vm15, $0xFFFFFFFF, v7;
	vm15 =	vgt.f32 v8, v0  }
0x158: {  	[tilespmem:$0x1F910] =	vst v1;
	v1 =	vsel vm15, $0xFFFFFFFF, v47;
	v47 =	vld [tilespmem:$0x1FD20];
	_ =	sdelay $0x4  }
0x159: {  	vm0 =	veq.s32 v47, s17  }
0x15a: {  	v49 =	vsel vm0, $0xFF61B1E6, v44;
	v44 =	vld [tilespmem:$0x1FD30];
	_ =	sdelay $0x1  }
0x15b: {  	v45 =	vld [tilespmem:$0x1FD40];
	_ =	sdelay $0x1  }
0x15c: {  	v0 =	vsel vm15, v8, v0  }
0x15d: {  	vm15 =	vgt.f32 v49, v0;
	vm0 =	veq.s32 v44, s17  }
0x15e: {  	v50 =	vimm.s32 $0x0;
	v0 =	vsel vm15, v49, v0;
	v51 =	vsel vm0, $0xFF61B1E6, v43  }
0x15f: {  	[tilespmem:$0x1F930] =	vst v2;
	v2 =	vsel vm15, $0xFFFFFFFF, v50;
	vm0 =	veq.s32 v45, s17;
	vm15 =	vgt.f32 v51, v0  }
0x160: {  	v52 =	vimm.s32 $0x0;
	v53 =	vsel vm0, $0xFF61B1E6, v42;
	v0 =	vsel vm15, v51, v0  }
0x161: {  	v54 =	vimm.s32 $0x0;
	[tilespmem:$0x1F940] =	vst v1;
	v1 =	vsel vm15, $0xFFFFFFFF, v52;
	vm15 =	vgt.f32 v53, v0  }
0x162: {  	[tilespmem:$0x1F960] =	vst v2;
	v2 =	vsel vm15, $0xFFFFFFFF, v54  }
0x163: {  	[tilespmem:$0x1F990] =	vst v2;
	v2 =	vld [tilespmem:$0x1FD50];
	_ =	sdelay $0x4  }
0x164: {  	v43 =	vld [tilespmem:$0x1FD60];
	vm0 =	veq.s32 v2, s17  }
0x165: {  	v55 =	vsel vm0, $0xFF61B1E6, v41;
	v41 =	vld [tilespmem:$0x1FD70];
	_ =	sdelay $0x3  }
0x166: {  	vm0 =	veq.s32 v43, s17  }
0x167: {  	v42 =	vld [tilespmem:$0x1FD80];
	v57 =	vsel vm0, $0xFF61B1E6, v40;
	vm0 =	veq.s32 v41, s17  }
0x168: {  	v0 =	vsel vm15, v53, v0;
	v59 =	vsel vm0, $0xFF61B1E6, v39;
	v39 =	vld [tilespmem:$0x1FD90]  }
0x169: {  	vm15 =	vgt.f32 v55, v0  }
0x16a: {  	v56 =	vimm.s32 $0x0;
	v0 =	vsel vm15, v55, v0  }
0x16b: {  	v58 =	vimm.s32 $0x0;
	[tilespmem:$0x1F970] =	vst v1;
	v1 =	vsel vm15, $0xFFFFFFFF, v56;
	vm15 =	vgt.f32 v57, v0  }
0x16c: {  	v40 =	vld [tilespmem:$0x1FDA0];
	v3 =	vsel vm15, $0xFFFFFFFF, v58;
	v0 =	vsel vm15, v57, v0;
	vm0 =	veq.s32 v42, s17  }
0x16d: {  	vm15 =	vgt.f32 v59, v0;
	v61 =	vsel vm0, $0xFF61B1E6, v38;
	vm0 =	veq.s32 v39, s17  }
0x16e: {  	v60 =	vimm.s32 $0x0;
	v0 =	vsel vm15, v59, v0;
	v63 =	vsel vm0, $0xFF61B1E6, v37;
	v37 =	vld [tilespmem:$0x1FDB0]  }
0x16f: {  	[tilespmem:$0x1F9A0] =	vst v1;
	v1 =	vsel vm15, $0xFFFFFFFF, v60;
	vm15 =	vgt.f32 v61, v0  }
0x170: {  	v62 =	vimm.s32 $0x0;
	v0 =	vsel vm15, v61, v0  }
0x171: {  	[tilespmem:$0x1F9C0] =	vst v3;
	v3 =	vsel vm15, $0xFFFFFFFF, v62;
	vm0 =	veq.s32 v40, s17;
	vm15 =	vgt.f32 v63, v0  }
0x172: {  	v4 =	vimm.s32 $0x0;
	v7 =	vsel vm0, $0xFF61B1E6, v36;
	v0 =	vsel vm15, v63, v0  }
0x173: {  	[tilespmem:$0x1F9D0] =	vst v1;
	v1 =	vsel vm15, $0xFFFFFFFF, v4;
	vm15 =	vgt.f32 v7, v0;
	vm0 =	veq.s32 v37, s17  }
0x174: {  	v8 =	vimm.s32 $0x0;
	v0 =	vsel vm15, v7, v0;
	v35 =	vsel vm0, $0xFF61B1E6, v35  }
0x175: {  	v38 =	vimm.s32 $0x0;
	[tilespmem:$0x1F9F0] =	vst v3;
	v3 =	vsel vm15, $0xFFFFFFFF, v8;
	vm15 =	vgt.f32 v35, v0  }
0x176: {  	[tilespmem:$0x1FA00] =	vst v1;
	v1 =	vsel vm15, $0xFFFFFFFF, v38;
	v38 =	vld [tilespmem:$0x1FDC0]  }
0x177: {  	v36 =	vld [tilespmem:$0x1FDE0]  }
0x178: {  	v62 =	vnsel vm1, $0x0, v10;
	v0 =	vsel vm15, v35, v0;
	v35 =	vld [tilespmem:$0x1FDD0]  }
0x179: {  	v63 =	vsel vm2, v9, v62;
	v9 =	vld [tilespmem:$0x1F850]  }
0x17a: {  	v62 =	vld [tilespmem:$0x1F950]  }
0x17b: {  	v7 =	vld [tilespmem:$0x1FE30];
	vm0 =	veq.s32 v38, s17  }
0x17c: {  	v8 =	vld [tilespmem:$0x1FE70];
	v49 =	vsel vm0, $0xFF61B1E6, v34  }
0x17d: {  	v50 =	vimm.s32 $0x0;
	vm0 =	veq.s32 v35, s17;
	v34 =	vld [tilespmem:$0x1FE00];
	vm15 =	vgt.f32 v49, v0  }
0x17e: {  	v51 =	vsel vm0, $0xFF61B1E6, v33;
	vm0 =	veq.s32 v36, s17;
	v33 =	vld [tilespmem:$0x1FDF0];
	v0 =	vsel vm15, v49, v0  }
0x17f: {  	[tilespmem:$0x1FA20] =	vst v3;
	v3 =	vsel vm15, $0xFFFFFFFF, v50;
	v53 =	vsel vm0, $0xFF61B1E6, v32;
	v32 =	vld [tilespmem:$0x1FE20];
	vm15 =	vgt.f32 v51, v0  }
0x180: {  	v52 =	vimm.s32 $0x0;
	v50 =	vld [tilespmem:$0x1F8A0];
	v0 =	vsel vm15, v51, v0  }
0x181: {  	[tilespmem:$0x1FA30] =	vst v1;
	v1 =	vsel vm15, $0xFFFFFFFF, v52;
	v52 =	vld [tilespmem:$0x1F8B0];
	vm15 =	vgt.f32 v53, v0  }
0x182: {  	v54 =	vimm.s32 $0x0;
	v0 =	vsel vm15, v53, v0;
	v53 =	vld [tilespmem:$0x1F8C0]  }
0x183: {  	[tilespmem:$0x1FA50] =	vst v3;
	v3 =	vsel vm15, $0xFFFFFFFF, v54;
	vm0 =	veq.s32 v33, s17;
	v54 =	vld [tilespmem:$0x1F8D0]  }
0x184: {  	v55 =	vsel vm0, $0xFF61B1E6, v31;
	vm0 =	veq.s32 v34, s17;
	v31 =	vld [tilespmem:$0x1FE10]  }
0x185: {  	vm15 =	vgt.f32 v55, v0;
	v57 =	vsel vm0, $0xFF61B1E6, v30;
	v30 =	vld [tilespmem:$0x1FE40]  }
0x186: {  	v56 =	vimm.s32 $0x0;
	v0 =	vsel vm15, v55, v0;
	v55 =	vld [tilespmem:$0x1F8E0]  }
0x187: {  	[tilespmem:$0x1FA60] =	vst v1;
	v1 =	vsel vm15, $0xFFFFFFFF, v56;
	v56 =	vld [tilespmem:$0x1F8F0];
	vm15 =	vgt.f32 v57, v0  }
0x188: {  	v58 =	vimm.s32 $0x0;
	v0 =	vsel vm15, v57, v0;
	v57 =	vld [tilespmem:$0x1F900]  }
0x189: {  	[tilespmem:$0x1FA80] =	vst v3;
	v3 =	vsel vm15, $0xFFFFFFFF, v58;
	v58 =	vld [tilespmem:$0x1F910]  }
0x18a: {  	[tilespmem:$0x1FAB0] =	vst v3;
	v3 =	vsel vm3, v11, v63;
	v63 =	vld [tilespmem:$0x1F960]  }
0x18b: {  	vm0 =	veq.s32 v31, s17;
	v10 =	vsel vm4, v12, v3;
	v12 =	vld [tilespmem:$0x1F860]  }
0x18c: {  	v59 =	vsel vm0, $0xFF61B1E6, v29;
	vm0 =	veq.s32 v32, s17;
	v29 =	vld [tilespmem:$0x1FE60]  }
0x18d: {  	vm15 =	vgt.f32 v59, v0;
	v61 =	vsel vm0, $0xFF61B1E6, v28;
	v28 =	vld [tilespmem:$0x1FE50]  }
0x18e: {  	v60 =	vimm.s32 $0x0;
	v0 =	vsel vm15, v59, v0;
	v59 =	vld [tilespmem:$0x1F920]  }
0x18f: {  	[tilespmem:$0x1FA90] =	vst v1;
	v1 =	vsel vm15, $0xFFFFFFFF, v60;
	v60 =	vld [tilespmem:$0x1F930]  }
0x190: {  	vm15 =	veq.s32 v7, s17;
	[tilespmem:$0x1FAC0] =	vst v1;
	v1 =	vsel vm5, v14, v10;
	v14 =	vld [tilespmem:$0x1F870]  }
0x191: {  	v49 =	vimm.s32 $0x0;
	v51 =	vimm.s32 $0x0;
	v4 =	vsel vm15, $0xFF61B1E6, v9;
	v9 =	vld [tilespmem:$0x1FE90]  }
0x192: {  	v11 =	vimm.s32 $0x0;
	vm4 =	veq.s32 v30, s17;
	vm2 =	vgt.f32 v61, v0;
	v10 =	vld [tilespmem:$0x1F970]  }
0x193: {  	vm5 =	vnez.u8 v55;
	v55 =	vld [tilespmem:$0x1FF50];
	v0 =	vsel vm2, v61, v0;
	v1 =	vsel vm6, v13, v1  }
0x194: {  	v13 =	vimm.s32 $0x0;
	v61 =	vld [tilespmem:$0x1F940];
	vm15 =	vgt.f32 v4, v0;
	v1 =	vsel vm7, v16, v1  }
0x195: {  	v16 =	vld [tilespmem:$0x1F880];
	v3 =	vsel vm15, $0xFFFFFFFF, v11;
	v0 =	vsel vm15, v4, v0;
	vm6 =	veq.s32 v28, s17  }
0x196: {  	v1 =	vsel vm8, v15, v1;
	v15 =	vimm.s32 $0x0;
	vm8 =	veq.s32 v29, s17;
	v11 =	vld [tilespmem:$0x1F980]  }
0x197: {  	vm15 =	vnez.u8 v54;
	v54 =	vld [tilespmem:$0x1FAD0];
	[tilespmem:$0x1FAE0] =	vst v3;
	v3 =	vsel vm4, $0xFF61B1E6, v12;
	v1 =	vsel vm9, v18, v1  }
0x198: {  	v18 =	vimm.s32 $0x0;
	v12 =	vld [tilespmem:$0x1FEB0];
	vm9 =	vnez.u8 v60;
	vm1 =	vgt.f32 v3, v0  }
0x199: {  	v1 =	vsel vm10, v17, v1;
	vm10 =	veq.s32 v8, s17;
	v17 =	vld [tilespmem:$0x1FEC0];
	v4 =	vsel vm1, $0xFFFFFFFF, v13  }
0x19a: {  	v0 =	vsel vm1, v3, v0;
	v1 =	vsel vm11, v20, v1;
	v20 =	vld [tilespmem:$0x1F890];
	[tilespmem:$0x1FB00] =	vst v4;
	v4 =	vsel vm6, $0xFF61B1E6, v14  }
0x19b: {  	v13 =	vld [tilespmem:$0x1FED0];
	v1 =	vsel vm12, v19, v1;
	vm6 =	vnez.u8 v57;
	vm1 =	vgt.f32 v4, v0  }
0x19c: {  	v19 =	vld [tilespmem:$0x1FE80];
	v1 =	vsel vm13, v22, v1;
	vm13 =	veq.s32 v9, s17;
	v3 =	vsel vm1, $0xFFFFFFFF, v15  }
0x19d: {  	v14 =	vld [tilespmem:$0x1F990];
	v0 =	vsel vm1, v4, v0;
	v1 =	vsel vm14, v21, v1;
	[tilespmem:$0x1FB10] =	vst v3;
	v3 =	vsel vm8, $0xFF61B1E6, v16  }
0x19e: {  	v57 =	vld [tilespmem:$0x1FAF0];
	vm14 =	vnez.u8 v52;
	vm7 =	veq.s32 v12, s17;
	vm1 =	vgt.f32 v3, v0  }
0x19f: {  	v22 =	vld [tilespmem:$0x1F9C0];
	v1 =	vsel vm14, v24, v1;
	vm8 =	vnez.u8 v58;
	v4 =	vsel vm1, $0xFFFFFFFF, v18  }
0x1a0: {  	v15 =	vld [tilespmem:$0x1F9A0];
	v1 =	vsel vm15, v23, v1;
	v0 =	vsel vm1, v3, v0;
	[tilespmem:$0x1FB30] =	vst v4;
	v4 =	vsel vm10, $0xFF61B1E6, v20  }
0x1a1: {  	v52 =	vld [tilespmem:$0x1FF40];
	vm15 =	vnez.u8 v63;
	vm11 =	veq.s32 v19, s17;
	vm1 =	vgt.f32 v4, v0  }
0x1a2: {  	v18 =	vld [tilespmem:$0x1FEA0];
	v1 =	vsel vm5, v26, v1;
	vm5 =	vnez.u8 v10;
	v3 =	vsel vm1, $0xFFFFFFFF, v49  }
0x1a3: {  	v24 =	vld [tilespmem:$0x1F9E0];
	v1 =	vsel vm6, v25, v1;
	v0 =	vsel vm1, v4, v0;
	[tilespmem:$0x1FB40] =	vst v3;
	v3 =	vsel vm11, $0xFF61B1E6, v50  }
0x1a4: {  	v23 =	vld [tilespmem:$0x1F9D0];
	vm10 =	veq.s32 v17, s17;
	vm6 =	vnez.u8 v14;
	vm12 =	vgt.f32 v3, v0  }
0x1a5: {  	v26 =	vld [tilespmem:$0x1FA00];
	v1 =	vsel vm8, v48, v1;
	vm8 =	vnez.u8 v15;
	v4 =	vsel vm12, $0xFFFFFFFF, v51  }
0x1a6: {  	v20 =	vld [tilespmem:$0x1F9B0];
	v1 =	vsel vm9, v27, v1;
	v0 =	vsel vm12, v3, v0;
	[tilespmem:$0x1FB60] =	vst v4;
	v4 =	vsel vm13, $0xFF61B1E6, v53  }
0x1a7: {  	v25 =	vld [tilespmem:$0x1F9F0];
	vm4 =	veq.s32 v18, s17;
	vm13 =	vnez.u8 v61;
	vm14 =	vgt.f32 v4, v0  }
0x1a8: {  	v14 =	vld [tilespmem:$0x1FF00];
	v3 =	vsel vm4, $0xFF61B1E6, v56;
	v1 =	vsel vm13, v46, v1;
	v0 =	vsel vm14, v4, v0  }
0x1a9: {  	v27 =	vld [tilespmem:$0x1FA10];
	vm4 =	veq.s32 v13, s17;
	v1 =	vsel vm15, v47, v1;
	vm12 =	vgt.f32 v3, v0  }
0x1aa: {  	v4 =	vsel vm7, $0xFF61B1E6, v59;
	v59 =	vld [tilespmem:$0x1FF60];
	v1 =	vsel vm5, v44, v1;
	v0 =	vsel vm12, v3, v0  }
0x1ab: {  	vm13 =	vnez.u8 v22;
	v44 =	vld [tilespmem:$0x1FA50];
	v1 =	vsel vm6, v45, v1;
	vm11 =	vgt.f32 v4, v0  }
0x1ac: {  	v3 =	vsel vm10, $0xFF61B1E6, v62;
	v45 =	vld [tilespmem:$0x1FA60];
	v1 =	vsel vm8, v2, v1;
	v0 =	vsel vm11, v4, v0  }
0x1ad: {  	v2 =	vld [tilespmem:$0x1FEF0];
	v4 =	vsel vm4, $0xFF61B1E6, v11;
	v1 =	vsel vm13, v43, v1;
	vm4 =	vnez.u8 v23  }
0x1ae: {  	vm5 =	vnez.u8 v25;
	vm10 =	vgt.f32 v3, v0;
	v1 =	vsel vm4, v41, v1;
	v41 =	vld [tilespmem:$0x1FF10]  }
0x1af: {  	vm13 =	vnez.u8 v26;
	v0 =	vsel vm10, v3, v0;
	v1 =	vsel vm5, v42, v1;
	v42 =	vld [tilespmem:$0x1FA30]  }
0x1b0: {  	vm7 =	veq.s32 v6, s17;
	vm9 =	vgt.f32 v4, v0;
	v1 =	vsel vm13, v39, v1;
	v39 =	vld [tilespmem:$0x1FA20]  }
0x1b1: {  	v21 =	vsel vm7, $0xFF61B1E6, v20;
	vm6 =	veq.s32 v14, s17;
	v43 =	vld [tilespmem:$0x1FA40];
	v0 =	vsel vm9, v4, v0  }
0x1b2: {  	v48 =	vld [tilespmem:$0x1FF30];
	vm0 =	veq.s32 v59, s17;
	vm15 =	veq.s32 v2, s17;
	vm8 =	vgt.f32 v21, v0  }
0x1b3: {  	v46 =	vld [tilespmem:$0x1FA70];
	v3 =	vsel vm6, $0xFF61B1E6, v27;
	v4 =	vsel vm15, $0xFF61B1E6, v24;
	v0 =	vsel vm8, v21, v0  }
0x1b4: {  	v47 =	vld [tilespmem:$0x1FA80];
	vm13 =	vnez.u8 v44;
	vm4 =	veq.s32 v41, s17;
	vm7 =	vgt.f32 v4, v0  }
0x1b5: {  	v50 =	vld [tilespmem:$0x1FAA0];
	vm5 =	vnez.u8 v42;
	v0 =	vsel vm7, v4, v0;
	vm15 =	vnez.u8 v39  }
0x1b6: {  	v49 =	vld [tilespmem:$0x1FA90];
	v4 =	vsel vm4, $0xFF61B1E6, v43;
	vm4 =	vnez.u8 v45;
	v1 =	vsel vm15, v40, v1  }
0x1b7: {  	v51 =	vld [tilespmem:$0x1FAB0];
	vm6 =	vgt.f32 v3, v0;
	vm15 =	veq.s32 v5, s17;
	v1 =	vsel vm5, v37, v1  }
0x1b8: {  	v58 =	vld [tilespmem:$0x1FB00];
	v0 =	vsel vm6, v3, v0;
	v3 =	vsel vm15, $0xFF61B1E6, v46;
	vm15 =	veq.s32 v48, s17  }
0x1b9: {  	v53 =	vld [tilespmem:$0x1FAC0];
	v1 =	vsel vm13, v38, v1;
	vm5 =	vgt.f32 v4, v0;
	vm13 =	vnez.u8 v47  }
0x1ba: {  	v56 =	vld [tilespmem:$0x1FAE0];
	v1 =	vsel vm4, v35, v1;
	v0 =	vsel vm5, v4, v0;
	v4 =	vsel vm15, $0xFF61B1E6, v50  }
0x1bb: {  	v60 =	vld [tilespmem:$0x1FB10];
	v1 =	vsel vm13, v36, v1;
	vm4 =	vgt.f32 v3, v0;
	vm13 =	vnez.u8 v49  }
0x1bc: {  	v63 =	vld [tilespmem:$0x1FF70];
	vm15 =	vnez.u8 v51;
	v1 =	vsel vm13, v33, v1;
	v0 =	vsel vm4, v3, v0  }
0x1bd: {  	v61 =	vld [tilespmem:$0x1FB20];
	vm13 =	veq.s32 v52, s17;
	v1 =	vsel vm15, v34, v1;
	vm3 =	vgt.f32 v4, v0  }
0x1be: {  	v62 =	vld [tilespmem:$0x1FB30];
	vm15 =	vnez.u8 v53;
	v3 =	vsel vm13, $0xFF61B1E6, v54;
	vm13 =	veq.s32 v55, s17  }
0x1bf: {  	v24 =	vld [tilespmem:$0x1FB40];
	v1 =	vsel vm15, v31, v1;
	v0 =	vsel vm3, v4, v0;
	vm15 =	vnez.u8 v56  }
0x1c0: {  	v25 =	vld [tilespmem:$0x1FB50];
	v4 =	vsel vm13, $0xFF61B1E6, v57;
	v1 =	vsel vm2, v32, v1;
	vm2 =	vgt.f32 v3, v0  }
0x1c1: {  	v26 =	vld [tilespmem:$0x1FB60];
	vm13 =	vnez.u8 v58;
	v1 =	vsel vm15, v7, v1;
	v0 =	vsel vm2, v3, v0  }
0x1c2: {  	v27 =	vld [tilespmem:$0x1FF80];
	vm15 =	vnez.u8 v60;
	v3 =	vsel vm0, $0xFF61B1E6, v61;
	v1 =	vsel vm13, v30, v1  }
0x1c3: {  	vm1 =	vgt.f32 v4, v0;
	v1 =	vsel vm15, v28, v1;
	vm15 =	vnez.u8 v62;
	v28 =	vld [tilespmem:$0x1FB70]  }
0x1c4: {  	vm13 =	vnez.u8 v24;
	v0 =	vsel vm1, v4, v0;
	v1 =	vsel vm15, v29, v1;
	v29 =	vld [tilespmem:$0x1FF90]  }
0x1c5: {  	vm0 =	veq.s32 v63, s17;
	v30 =	vld [tilespmem:$0x1FB80];
	vm15 =	vgt.f32 v3, v0;
	v1 =	vsel vm13, v8, v1  }
0x1c6: {  	v31 =	vld [tilespmem:$0x1FFD0];
	v0 =	vsel vm15, v3, v0;
	v3 =	vsel vm0, $0xFF61B1E6, v25;
	vm13 =	vnez.u8 v26  }
0x1c7: {  	v32 =	vld [tilespmem:$0x1FB90];
	vm0 =	veq.s32 v27, s17;
	v1 =	vsel vm13, v19, v1;
	vm13 =	vgt.f32 v3, v0  }
0x1c8: {  	v33 =	vld [tilespmem:$0x1FFE0];
	v1 =	vsel vm14, v9, v1;
	v0 =	vsel vm13, v3, v0;
	v3 =	vsel vm0, $0xFF61B1E6, v28  }
0x1c9: {  	v34 =	vld [tilespmem:$0x1FBA0];
	v1 =	vsel vm12, v18, v1;
	vm0 =	vgt.f32 v3, v0;
	vm12 =	veq.s32 v29, s17  }
0x1ca: {  	v35 =	vld [tilespmem:$0x1FFF0];
	v1 =	vsel vm11, v12, v1;
	v0 =	vsel vm0, v3, v0;
	v3 =	vsel vm12, $0xFF61B1E6, v30  }
0x1cb: {  	v36 =	vld [tilespmem:$0x1FBB0];
	v1 =	vsel vm10, v17, v1;
	vm12 =	veq.s32 v31, s17;
	vm10 =	vgt.f32 v3, v0  }
0x1cc: {  	v16 =	vmovc v6;
	v1 =	vsel vm9, v13, v1;
	v0 =	vsel vm10, v3, v0;
	v3 =	vsel vm12, $0xFF61B1E6, v32  }
0x1cd: {  	vm14 =	veq.s32 v33, s17;
	v1 =	vsel vm8, v16, v1;
	vm8 =	vgt.f32 v3, v0  }
0x1ce: {  	v1 =	vsel vm7, v2, v1;
	v2 =	vsel vm14, $0xFF61B1E6, v34;
	v0 =	vsel vm8, v3, v0  }
0x1cf: {  	vm12 =	veq.s32 v35, s17;
	v1 =	vsel vm6, v14, v1;
	vm11 =	vgt.f32 v2, v0  }
0x1d0: {  	v3 =	vsel vm12, $0xFF61B1E6, v36;
	v1 =	vsel vm5, v41, v1;
	v0 =	vsel vm11, v2, v0  }
0x1d1: {  	v1 =	vsel vm4, v5, v1;
	vm14 =	vgt.f32 v3, v0  }
0x1d2: {  	v1 =	vsel vm3, v48, v1;
	v0 =	vsel vm14, v3, v0  }
0x1d3: {  	v1 =	vsel vm2, v52, v1;
	(xrf0) =	vmax.scan.msk.f32 $0xffff, v0  }
0x1d4: {  	v1 =	vsel vm1, v55, v1  }
0x1d5: {  	v1 =	vsel vm15, v59, v1  }
0x1d6: {  	v1 =	vsel vm13, v63, v1  }
0x1d7: {  	v1 =	vsel vm0, v27, v1  }
0x1d8: {  	v1 =	vsel vm10, v29, v1  }
0x1d9: {  	v1 =	vsel vm8, v31, v1;
	v37, _, _ =	vpop (xrf0)  }
0x1da: {  	v1 =	vsel vm11, v33, v1;
	v2 =	vbroadcast v37, $0xF  }
0x1db: {  	v1 =	vsel vm14, v35, v1  }
0x1dc: {  	v38 =	vxor.u32 $0x80000000, v1;
	vm8 =	veq.f32 v0, v2  }
0x1dd: {  	v0 =	vnsel vm8, $0x80002000, v38  }
0x1de: {  	(xrf0) =	vmin.scan.msk.u32 $0xffff, v0;
	_ =	sdelay $0x5  }
0x1df: {  	v0, _, _ =	vpop (xrf0)  }
0x1e0: {  	(v2sf) =	vpush v0, $0xF;
	_ =	sdelay $0xa  }
0x1e1: {  	v41 =	vld [tilespmem:$0x1FBC0];
	_ =	sdelay $0x2  }
0x1e2: {  	v40 =	vmov s17;
	vm9 =	vcmask $0x704  }
0x1e3: {  	vm10 =	vcmask $0x3F04;
	vm11 =	vcmask $0x300;
	v39 =	vnsel vm9, $0xFF61B1E6, v2;
	s18 =	spop (v2sf)  }
0x1e4: {  	v1 =	vnsel vm11, $0x0, v40;
	v0 =	vsel vm10, v39, v41;
	s29 =	sxor.u32 $0x80000000, s18  }
0x1e5: {  	[tilespmem:$0x400] =	vst v0;
	v42 =	vsel vm9, s29, v1  }
0x1e6: {  	[tilespmem:$0x480] =	vst v42  }
0x1e7: {  	[spmem:s5] =	stream.linear.scatter [tilespmem:s13], [sflag:$0x2], $0x100, $0x38;
	[tilespmem:$0x16A0] =	vst v63  }
0x1e8: {  	_ =	swait.ge [sflag:s14], $0x100  }
0x1e9: {  	[sflag:s14] =	ssyncset.done $0x0  }
0x1ea: {  	[sflag:s14] =	ssyncadd.s32 $0xFFFFFF00  }
0x1eb: {  	[bflag:$0x0] =	sbarrier.arrive $0xFFFF  }
0x1ec: {  	[tilespmem:s15], [sflag:$0x2] =	stream.linear.gather [spmem:s6], $0x800, $0x38;
	[tilespmem:$0x16A0] =	vst v63  }
0x1ed: {  	_ =	swait.ge [sflag:s14], $0x800  }
0x1ee: {  	[sflag:s14] =	ssyncset.done $0x0  }
0x1ef: {  	[sflag:s14] =	ssyncadd.s32 $0xFFFFF800  }
0x1f0: {  	[bflag:$0x0] =	sbarrier.arrive $0xFFFF  }
0x1f1: {  	v43 =	vld [tilespmem:$0x1FFA0];
	_ =	sdelay $0x7  }
0x1f2: {  	v0 =	vld.idx.msk [tilespmem:v43+s15+$0x0], $0xffff  }
0x1f3: {  	v44 =	vld [tilespmem:$0x1FFB0];
	_ =	sdelay $0x3  }
0x1f4: {  	(xrf0) =	vmax.scan.msk.f32 $0xffff, v0;
	_ =	sdelay $0x3  }
0x1f5: {  	v1 =	vld.idx.msk [tilespmem:v44+s15+$0x0], $0xffff;
	_ =	sdelay $0x1  }
0x1f6: {  	v45, _, _ =	vpop (xrf0)  }
0x1f7: {  	v2 =	vbroadcast v45, $0xF;
	_ =	sdelay $0x1  }
0x1f8: {  	v46 =	vxor.u32 $0x80000000, v1;
	vm12 =	veq.f32 v0, v2  }
0x1f9: {  	v47 =	vnsel vm12, $0x80002000, v46  }
0x1fa: {  	(xrf0) =	vmin.scan.msk.u32 $0xffff, v47;
	_ =	sdelay $0x5  }
0x1fb: {  	v3, _, _ =	vpop (xrf0)  }
0x1fc: {  	(v2sf) =	vpush v3, $0xF;
	_ =	sdelay $0xe  }
0x1fd: {  	s30 =	spop (v2sf)  }
0x1fe: {  	s17 =	sxor.u32 $0x80000000, s30  }
0x1ff: {  	v48 =	vmov s17  }
0x200: {  	vm13 =	veq.s32 v48, v1  }
0x201: {  	v0 =	vsel vm13, $0xFF61B1E6, v0  }
0x202: {  	(xrf0) =	vmax.scan.msk.f32 $0xffff, v0;
	_ =	sdelay $0x5  }
0x203: {  	v49, _, _ =	vpop (xrf0)  }
0x204: {  	v1 =	vbroadcast v49, $0xF;
	_ =	sdelay $0x1  }
0x205: {  	vm0 =	veq.f32 v0, v1  }
0x206: {  	v0 =	vnsel vm0, $0x80002000, v46  }
0x207: {  	(xrf0) =	vmin.scan.msk.u32 $0xffff, v0;
	_ =	sdelay $0x5  }
0x208: {  	v0, _, _ =	vpop (xrf0)  }
0x209: {  	(v2sf) =	vpush v0, $0xF;
	_ =	sdelay $0xe  }
0x20a: {  	s31 =	spop (v2sf)  }
0x20b: {  	s18 =	sadd.s32 s31, s7  }
0x20c: {  	v51 =	vlaneseq.u32;
	s18 =	sadd.s32 $0x80000000, s18  }
0x20d: {  	vm14 =	veq.s32 v51, $0x0;
	s17 =	sadd.s32 s7, s17;
	v50 =	vmov s18  }
0x20e: {  	v0 =	vsel vm14, s17, v50  }
0x20f: {  	[tilespmem:$0xD00] =	vst v0  }
0x210: {  	v0 =	vld.msk [tilespmem:$0xD00], $0x3;
	_ =	sdelay $0x4  }
0x211: {  	v52 =	vshrl.u32 v0, $0x3  }
0x212: {  	v1 =	vmul.u32 $0x30, v52  }
0x213: {  	v0 =	vand.u32 $0x7, v0  }
0x214: {  	v53 =	vand.u32 $0x1, v51;
	v2 =	vshrl.u32 v51, $0x1;
	v0 =	vor.u32 v0, v1  }
0x215: {  	v54 =	vmul.u32 $0x8, v2;
	v0 =	vperm.xlane v0, v53  }
0x216: {  	v55 =	vld [tilespmem:$0x1FFC0]  }
0x217: {  	v0 =	vadd.s32 v54, v0;
	_ =	sdelay $0x3  }
0x218: {  	vm15 =	vnez.u8 v55  }
0x219: {  	[tilespmem:s16], [sflag:$0x1] =	stream.indirect_vreg.gather [hbm4b:s1+s3], $0x80, v0, vm15, $0xb8;
	[tilespmem:$0x16A0] =	vst v63  }
0x21a: {  	_ =	swait.ge [sflag:s12], $0x600  }
0x21b: {  	[sflag:s12] =	ssyncset.done $0x0  }
0x21c: {  	[sflag:s12] =	ssyncadd.s32 $0xFFFFFA00  }
0x21d: {  	[bflag:$0x0] =	sbarrier.arrive $0xFFFF  }
0x21e: {  	v0 =	vld [tilespmem:$0xD80]  }
0x21f: {  	v1 =	vld [tilespmem:$0xE00]  }
0x220: {  	v2 =	vld [tilespmem:$0xD90]  }
0x221: {  	v3 =	vld [tilespmem:$0xE10]  }
0x222: {  	v4 =	vld [tilespmem:$0xDA0]  }
0x223: {  	v5 =	vld [tilespmem:$0xE20]  }
0x224: {  	v6 =	vld [tilespmem:$0xDB0]  }
0x225: {  	v7 =	vld [tilespmem:$0xE30]  }
0x226: {  	v56 =	vld [tilespmem:$0xDC0]  }
0x227: {  	v57 =	vld [tilespmem:$0xE40]  }
0x228: {  	v58 =	vld [tilespmem:$0xDD0]  }
0x229: {  	v59 =	vld [tilespmem:$0xE50]  }
0x22a: {  	v60 =	vld [tilespmem:$0xDE0]  }
0x22b: {  	v61 =	vld [tilespmem:$0xE60]  }
0x22c: {  	v62 =	vld [tilespmem:$0xDF0]  }
0x22d: {  	v63 =	vld [tilespmem:$0xE70]  }
0x22e: {  	v16 =	vld [tilespmem:$0xE80]  }
0x22f: {  	v17 =	vld [tilespmem:$0xF00]  }
0x230: {  	v18 =	vld [tilespmem:$0xE90]  }
0x231: {  	v19 =	vld [tilespmem:$0xF10]  }
0x232: {  	v20 =	vld [tilespmem:$0xEA0]  }
0x233: {  	v21 =	vld [tilespmem:$0xF20]  }
0x234: {  	v22 =	vld [tilespmem:$0xEB0]  }
0x235: {  	v23 =	vld [tilespmem:$0xF30]  }
0x236: {  	v24 =	vld [tilespmem:$0xEC0]  }
0x237: {  	v25 =	vld [tilespmem:$0xF40]  }
0x238: {  	v26 =	vld [tilespmem:$0xED0]  }
0x239: {  	v27 =	vld [tilespmem:$0xF50]  }
0x23a: {  	v28 =	vld [tilespmem:$0xEE0]  }
0x23b: {  	v29 =	vld [tilespmem:$0xF60]  }
0x23c: {  	v30 =	vld [tilespmem:$0xEF0]  }
0x23d: {  	v31 =	vld [tilespmem:$0xF70]  }
0x23e: {  	v32 =	vld [tilespmem:$0xF80]  }
0x23f: {  	v33 =	vld [tilespmem:$0x1000]  }
0x240: {  	v34 =	vld [tilespmem:$0xF90]  }
0x241: {  	v35 =	vld [tilespmem:$0x1010]  }
0x242: {  	v36 =	vld [tilespmem:$0xFA0]  }
0x243: {  	v37 =	vld [tilespmem:$0x1020]  }
0x244: {  	v38 =	vld [tilespmem:$0xFB0]  }
0x245: {  	v39 =	vld [tilespmem:$0x1030]  }
0x246: {  	v40 =	vld [tilespmem:$0xFC0]  }
0x247: {  	v41 =	vld [tilespmem:$0x1040]  }
0x248: {  	v42 =	vld [tilespmem:$0xFD0]  }
0x249: {  	v43 =	vld [tilespmem:$0x1050]  }
0x24a: {  	v44 =	vld [tilespmem:$0xFE0]  }
0x24b: {  	v45 =	vld [tilespmem:$0x1060]  }
0x24c: {  	v46 =	vld [tilespmem:$0xFF0]  }
0x24d: {  	v47 =	vld [tilespmem:$0x1070]  }
0x24e: {  	v48 =	vld [tilespmem:$0x1080]  }
0x24f: {  	v49 =	vld [tilespmem:$0x1100]  }
0x250: {  	v50 =	vld [tilespmem:$0x1090]  }
0x251: {  	v51 =	vld [tilespmem:$0x1110]  }
0x252: {  	v52 =	vld [tilespmem:$0x10A0]  }
0x253: {  	v8 =	vld [tilespmem:$0x1140];
	v0 =	vadd.f32 v1, v0  }
0x254: {  	v9 =	vld [tilespmem:$0x10D0];
	v2 =	vadd.f32 v3, v2  }
0x255: {  	v10 =	vld [tilespmem:$0x1150];
	v4 =	vadd.f32 v5, v4;
	v0 =	vmul.f32 $5.000000000e-01, v0  }
0x256: {  	v11 =	vld [tilespmem:$0x10E0];
	v6 =	vadd.f32 v7, v6;
	v2 =	vmul.f32 $5.000000000e-01, v2  }
0x257: {  	v12 =	vld [tilespmem:$0x1160];
	v56 =	vadd.f32 v57, v56;
	v55 =	vmul.f32 $5.000000000e-01, v4;
	[tilespmem:$0x1380] =	vst v0  }
0x258: {  	v13 =	vld [tilespmem:$0x10F0];
	v58 =	vadd.f32 v59, v58;
	v57 =	vmul.f32 $5.000000000e-01, v6;
	[tilespmem:$0x1390] =	vst v2  }
0x259: {  	v14 =	vld [tilespmem:$0x1170];
	v60 =	vadd.f32 v61, v60;
	v59 =	vmul.f32 $5.000000000e-01, v56;
	[tilespmem:$0x13A0] =	vst v55  }
0x25a: {  	v15 =	vld [tilespmem:$0x1180];
	v62 =	vadd.f32 v63, v62;
	v61 =	vmul.f32 $5.000000000e-01, v58;
	[tilespmem:$0x13B0] =	vst v57  }
0x25b: {  	v1 =	vld [tilespmem:$0x1120];
	v16 =	vadd.f32 v17, v16;
	v63 =	vmul.f32 $5.000000000e-01, v60;
	[tilespmem:$0x13C0] =	vst v59  }
0x25c: {  	v3 =	vld [tilespmem:$0x10B0];
	v18 =	vadd.f32 v19, v18;
	v17 =	vmul.f32 $5.000000000e-01, v62;
	[tilespmem:$0x13D0] =	vst v61  }
0x25d: {  	v5 =	vld [tilespmem:$0x1130];
	v53 =	vadd.f32 v21, v20;
	v19 =	vmul.f32 $5.000000000e-01, v16;
	[tilespmem:$0x13E0] =	vst v63  }
0x25e: {  	v7 =	vld [tilespmem:$0x10C0];
	v54 =	vmul.f32 $5.000000000e-01, v18;
	[tilespmem:$0x13F0] =	vst v17;
	v55 =	vadd.f32 v23, v22  }
0x25f: {  	v20 =	vld [tilespmem:$0x1220];
	v56 =	vmul.f32 $5.000000000e-01, v53;
	[tilespmem:$0x1400] =	vst v19;
	v57 =	vadd.f32 v25, v24  }
0x260: {  	v21 =	vld [tilespmem:$0x11B0];
	[tilespmem:$0x1410] =	vst v54;
	v59 =	vadd.f32 v27, v26;
	v58 =	vmul.f32 $5.000000000e-01, v55  }
0x261: {  	v16 =	vld [tilespmem:$0x1200];
	[tilespmem:$0x1420] =	vst v56;
	v61 =	vadd.f32 v29, v28;
	v60 =	vmul.f32 $5.000000000e-01, v57  }
0x262: {  	v62 =	vld [tilespmem:$0x1210];
	v24 =	vadd.f32 v31, v30;
	v63 =	vmul.f32 $5.000000000e-01, v59;
	[tilespmem:$0x1430] =	vst v58  }
0x263: {  	v4 =	vld [tilespmem:$0x1270];
	v26 =	vadd.f32 v33, v32;
	v25 =	vmul.f32 $5.000000000e-01, v61;
	[tilespmem:$0x1440] =	vst v60  }
0x264: {  	v17 =	vld [tilespmem:$0x1190];
	v28 =	vadd.f32 v35, v34;
	v27 =	vmul.f32 $5.000000000e-01, v24;
	[tilespmem:$0x1450] =	vst v63  }
0x265: {  	v19 =	vld [tilespmem:$0x11A0];
	v30 =	vadd.f32 v37, v36;
	v29 =	vmul.f32 $5.000000000e-01, v26;
	[tilespmem:$0x1460] =	vst v25  }
0x266: {  	v22 =	vld [tilespmem:$0x1230];
	v32 =	vadd.f32 v39, v38;
	v31 =	vmul.f32 $5.000000000e-01, v28;
	[tilespmem:$0x1470] =	vst v27  }
0x267: {  	v23 =	vld [tilespmem:$0x11C0];
	v34 =	vadd.f32 v41, v40;
	v33 =	vmul.f32 $5.000000000e-01, v30;
	[tilespmem:$0x1480] =	vst v29  }
0x268: {  	v36 =	vadd.f32 v43, v42;
	v42 =	vadd.f32 v49, v48;
	v49 =	vld [tilespmem:$0x1300];
	v35 =	vmul.f32 $5.000000000e-01, v32;
	[tilespmem:$0x1490] =	vst v31  }
0x269: {  	v38 =	vadd.f32 v45, v44;
	v54 =	vld [tilespmem:$0x1310];
	v37 =	vmul.f32 $5.000000000e-01, v34;
	[tilespmem:$0x14A0] =	vst v33  }
0x26a: {  	v40 =	vadd.f32 v47, v46;
	v3 =	vadd.f32 v5, v3;
	v5 =	vld [tilespmem:$0x1280];
	v39 =	vmul.f32 $5.000000000e-01, v36;
	[tilespmem:$0x14B0] =	vst v35  }
0x26b: {  	v48 =	vadd.f32 v8, v7;
	v7 =	vld [tilespmem:$0x1290];
	v41 =	vmul.f32 $5.000000000e-01, v38;
	[tilespmem:$0x14C0] =	vst v37  }
0x26c: {  	v44 =	vadd.f32 v51, v50;
	v24 =	vld [tilespmem:$0x1240];
	v43 =	vmul.f32 $5.000000000e-01, v40;
	[tilespmem:$0x14D0] =	vst v39  }
0x26d: {  	v51 =	vadd.f32 v10, v9;
	v26 =	vld [tilespmem:$0x1250];
	v45 =	vmul.f32 $5.000000000e-01, v42;
	[tilespmem:$0x14E0] =	vst v41  }
0x26e: {  	v56 =	vadd.f32 v14, v13;
	v28 =	vld [tilespmem:$0x1260];
	v46 =	vmul.f32 $5.000000000e-01, v44;
	[tilespmem:$0x14F0] =	vst v43  }
0x26f: {  	v1 =	vadd.f32 v1, v52;
	v55 =	vmul.f32 $5.000000000e-01, v51;
	v57 =	vld [tilespmem:$0x12A0];
	[tilespmem:$0x1500] =	vst v45  }
0x270: {  	v61 =	vmul.f32 $5.000000000e-01, v56;
	v32 =	vld [tilespmem:$0x1330];
	[tilespmem:$0x1510] =	vst v46  }
0x271: {  	v38 =	vld [tilespmem:$0x1340];
	v47 =	vmul.f32 $5.000000000e-01, v1;
	[tilespmem:$0x1550] =	vst v55  }
0x272: {  	v53 =	vadd.f32 v12, v11;
	v44 =	vld [tilespmem:$0x1350];
	v50 =	vmul.f32 $5.000000000e-01, v3;
	[tilespmem:$0x1570] =	vst v61  }
0x273: {  	v56 =	vld [tilespmem:$0x1370];
	v52 =	vmul.f32 $5.000000000e-01, v48;
	v59 =	vadd.f32 v16, v15;
	[tilespmem:$0x1520] =	vst v47  }
0x274: {  	v25 =	vld [tilespmem:$0x11D0];
	v58 =	vmul.f32 $5.000000000e-01, v53;
	[tilespmem:$0x1530] =	vst v50;
	v62 =	vadd.f32 v62, v17  }
0x275: {  	v27 =	vld [tilespmem:$0x11E0];
	[tilespmem:$0x1540] =	vst v52;
	v30 =	vmul.f32 $5.000000000e-01, v59;
	v31 =	vadd.f32 v20, v19  }
0x276: {  	v29 =	vld [tilespmem:$0x11F0];
	v34 =	vadd.f32 v22, v21;
	[tilespmem:$0x1560] =	vst v58;
	v33 =	vmul.f32 $5.000000000e-01, v62  }
0x277: {  	v60 =	vld [tilespmem:$0x1320];
	v49 =	vadd.f32 v49, v5;
	[tilespmem:$0x1580] =	vst v30;
	v36 =	vmul.f32 $5.000000000e-01, v31  }
0x278: {  	v63 =	vld [tilespmem:$0x12B0];
	v52 =	vadd.f32 v54, v7;
	v39 =	vmul.f32 $5.000000000e-01, v34;
	[tilespmem:$0x1590] =	vst v33  }
0x279: {  	v35 =	vld [tilespmem:$0x12C0];
	v37 =	vadd.f32 v24, v23;
	v54 =	vmul.f32 $5.000000000e-01, v49;
	[tilespmem:$0x15A0] =	vst v36  }
0x27a: {  	v41 =	vld [tilespmem:$0x12D0];
	v3 =	vmul.f32 $5.000000000e-01, v52;
	v40 =	vadd.f32 v26, v25;
	[tilespmem:$0x15B0] =	vst v39  }
0x27b: {  	v53 =	vld [tilespmem:$0x12F0];
	v42 =	vmul.f32 $5.000000000e-01, v37;
	v43 =	vadd.f32 v28, v27;
	[tilespmem:$0x1600] =	vst v54  }
0x27c: {  	v47 =	vld [tilespmem:$0x12E0];
	v46 =	vadd.f32 v4, v29;
	[tilespmem:$0x1610] =	vst v3;
	v45 =	vmul.f32 $5.000000000e-01, v40  }
0x27d: {  	v50 =	vld [tilespmem:$0x1360];
	v55 =	vadd.f32 v60, v57;
	[tilespmem:$0x15C0] =	vst v42;
	v48 =	vmul.f32 $5.000000000e-01, v43  }
0x27e: {  	v57 =	vadd.f32 v32, v63;
	v51 =	vmul.f32 $5.000000000e-01, v46;
	[tilespmem:$0x15D0] =	vst v45  }
0x27f: {  	v58 =	vadd.f32 v38, v35;
	v1 =	vmul.f32 $5.000000000e-01, v55;
	[tilespmem:$0x15E0] =	vst v48  }
0x280: {  	v59 =	vadd.f32 v44, v41;
	v2 =	vmul.f32 $5.000000000e-01, v57;
	[tilespmem:$0x15F0] =	vst v51  }
0x281: {  	v61 =	vadd.f32 v56, v53;
	v0 =	vmul.f32 $5.000000000e-01, v58;
	[tilespmem:$0x1620] =	vst v1  }
0x282: {  	v60 =	vadd.f32 v50, v47;
	v3 =	vmul.f32 $5.000000000e-01, v59;
	[tilespmem:$0x1630] =	vst v2  }
0x283: {  	v63 =	vmul.f32 $5.000000000e-01, v61;
	[tilespmem:$0x1640] =	vst v0  }
0x284: {  	v62 =	vmul.f32 $5.000000000e-01, v60;
	[tilespmem:$0x1650] =	vst v3  }
0x285: {  	s19 =	simm.s32 @!p0 $0x1380;
	s9 =	sadd.s32 $0xFFFFFFFF, s9;
	[tilespmem:$0x1670] =	vst v63  }
0x286: {  	p1 =	sne.s32 s9, $0x0;
	s18 =	simm.s32 @!p0 $0x200;
	s17 =	simm.s32 @!p0 $0x80;
	[tilespmem:$0x1660] =	vst v62  }
0x287: {  	[hbm4b:s8+s17] =	stream.strided.scatter @!p0 [tilespmem:s19], [sflag:$0x2], $0x300, s18, s17, $0x38;
	[tilespmem:$0x16A0] =	vst v63  }
.Ltmp0:
0x288: {  	_ = 	snop;
	(pc) =	sbr.rel @p1 .LBB2_1-.Ltmp0, $4  }
0x289: {  	s17 =	simm.s32 @!p0 $0x2  }
0x28a: {  	_ =	swait.ge @!p0 [sflag:s17], $0x300  }
0x28b: {  	[sflag:s17] =	ssyncset.done @!p0 $0x0  }
0x28c: {  	[sflag:s17] =	ssyncadd.s32 @!p0 $0xFFFFFD00  }
0x28d: {  	_ =	sfence.sel $0x180000  }
0x28e: {  	[bflag:$0x0] =	sbarrier.arrive $0xFFFF  }
0x28f: {  	p0 =	sne.s32 s0, $0x0;
	_ =	strace $0x90000047  }
0x290: {  	s0 =	sadd.s32 @!p0 $0x100000, s2;
	[bflag:$0x2] =	sbarrier.arrive $0xFFFF  }
0x291: {  	[sflag:s0] =	ssyncadd.tile.s32 @!p0 $0x1;
	_ =	shalt  }
.Lfunc_end2:
_tile_overlayer_lowered:
.L_overlay_start_2:
0x292: {  	(tag) =	ssettag $0x2  }
0x293: {  	s0 =	rddreg [dreg:$0x0];
	s2 =	stileid.u32  }
0x294: {  	s1 =	rddreg [dreg:$0x1];
	p0 =	sne.s32 s2, $0x0  }
0x295: {  	s3 =	rddreg [dreg:$0x2];
	[bflag:$0x3] =	sbarrier.arrive $0xFFFF;
	s2 =	simm.s32 @!p0 $0x1C02  }
0x296: {  	[timem:s3], [sflag:s2] =	dma.local @!p0 [hbm:s0], s1  }
0x297: {  	s0 =	simm.s32 @!p0 $0x2  }
0x298: {  	_ =	swait.ge @!p0 [sflag:s0], s1  }
0x299: {  	s1 =	ssub.s32 @!p0 $0x0, s1;
	[sflag:s0] =	ssyncset.done @!p0 $0x0  }
0x29a: {  	[sflag:s0] =	ssyncadd.s32 @!p0 s1  }
0x29b: {  	[bflag:$0x3] =	sbarrier.arrive $0xFFFF  }
0x29c: {  	_ =	shalt  }

</sc_bundles>
